<compile_context>
chip_gen: v7x
topology: tpu7x:2x2x1
jax: 0.10.2.dev20260603
libtpu: 0.0.44.dev20260713+nightly
codegen_flags: <defaults>
</compile_context>

<pallas_src>
import jax
import jax.numpy as jnp
from jax import lax
from jax.experimental import pallas as pl
from jax.experimental.pallas import tpu as pltpu
from jax.experimental.pallas import tpu_sc as plsc

VOCAB = 100000
N_EMBD = 1024
BLOCK = 2048
BATCH = 4
SEQ = 2048

NC = 2
NS = 16
NW = NC * NS
LANES = 16
S_PER_W = SEQ // NW
P = 8
NSTEP = S_PER_W // P
ROWS = BATCH * P
VPR = N_EMBD // LANES


def _emb_body(xp_hbm, oidx_hbm, wte_hbm, wpe_hbm, out_hbm,
              ridx_v, oidx_v, tok, pos, gsem, psem, ssem, isem):
    wid = lax.axis_index("s") * NC + lax.axis_index("c")
    sbase = wid * S_PER_W

    pdesc = {}
    for t in range(2):
        pdesc[t] = pltpu.async_copy(
            wpe_hbm.at[pl.ds(sbase + t * P, P)], pos[t], psem[t])

    d1 = pltpu.async_copy(xp_hbm.at[wid], ridx_v, isem)
    d2 = pltpu.async_copy(oidx_hbm.at[wid], oidx_v, isem)
    d1.wait()
    d2.wait()

    def issue_gather(t):
        return pltpu.async_copy(
            wte_hbm.at[ridx_v.at[pl.ds(t * ROWS, ROWS)]],
            tok[t % 3], gsem[t % 3])

    gdesc = {0: issue_gather(0), 1: issue_gather(1)}
    sdesc = {}
    for t in range(NSTEP):
        gdesc[t].wait()
        pdesc[t].wait()

        tb, pb = tok[t % 3], pos[t % 2]

        @plsc.parallel_loop(0, P)
        def _row(r):
            @plsc.parallel_loop(0, VPR, unroll=4)
            def _vec(k):
                sl = pl.ds(k * LANES, LANES)
                pv = pb[r, sl]
                for b in range(BATCH):
                    tb[b * P + r, sl] = tb[b * P + r, sl] + pv

        sdesc[t] = pltpu.async_copy(
            tb, out_hbm.at[oidx_v.at[t]], ssem[t % 3])

        if t + 2 < NSTEP:
            pdesc[t + 2] = pltpu.async_copy(
                wpe_hbm.at[pl.ds(sbase + (t + 2) * P, P)],
                pos[t % 2], psem[t % 2])

        if t == 0:
            gdesc[2] = issue_gather(2)
        elif t + 2 < NSTEP:
            sdesc[t - 1].wait()
            gdesc[t + 2] = issue_gather(t + 2)

    for t in (NSTEP - 3, NSTEP - 2, NSTEP - 1):
        sdesc[t].wait()


@jax.jit
def kernel(x, wte, wpe):
    xp = (x.astype(jnp.int32)
          .reshape(BATCH, NW, NSTEP, P)
          .transpose(1, 2, 0, 3)
          .reshape(NW, NSTEP * ROWS))
    w_ar = jnp.arange(NW, dtype=jnp.int32)
    t_ar = jnp.arange(NSTEP, dtype=jnp.int32)
    b_ar = jnp.arange(BATCH, dtype=jnp.int32)
    r_ar = jnp.arange(P, dtype=jnp.int32)
    orow = (b_ar[None, None, :, None] * SEQ
            + w_ar[:, None, None, None] * S_PER_W
            + t_ar[None, :, None, None] * P
            + r_ar[None, None, None, :]).reshape(NW, NSTEP, ROWS)

    mesh = plsc.VectorSubcoreMesh(core_axis_name="c", subcore_axis_name="s")
    run = pl.kernel(
        _emb_body,
        out_type=jax.ShapeDtypeStruct((BATCH * SEQ, N_EMBD), jnp.float32),
        mesh=mesh,
        scratch_types=[
            pltpu.VMEM((NSTEP * ROWS,), jnp.int32),
            pltpu.VMEM((NSTEP, ROWS), jnp.int32),
            [pltpu.VMEM((ROWS, N_EMBD), jnp.float32) for _ in range(3)],
            [pltpu.VMEM((P, N_EMBD), jnp.float32) for _ in range(2)],
            [pltpu.SemaphoreType.DMA for _ in range(3)],
            [pltpu.SemaphoreType.DMA for _ in range(2)],
            [pltpu.SemaphoreType.DMA for _ in range(3)],
            pltpu.SemaphoreType.DMA,
        ],
    )
    out = run(xp, orow, wte, wpe)
    return out.reshape(BATCH, SEQ, N_EMBD)

# --- scband reference (transcript-rebuilt; emitter-appended) ---
"""Pipeline reference for scband-gptembeddings-12206297055240 (READ-ONLY COPY).

The authoritative reference and input builder live on the scoring server;
editing this copy changes nothing except your own understanding.
"""

import jax, jax.numpy as jnp
import numpy as np

VOCAB = 100000
N_EMBD = 1024
BLOCK = 2048
BATCH = 4
SEQ = 2048


def setup_inputs(seed: int = 0) -> dict:
    key = jax.random.key(seed)
    k1, k2, k3 = jax.random.split(key, 3)
    x = jax.random.randint(k1, (BATCH, SEQ), 0, VOCAB, dtype=jnp.int64 if jax.config.jax_enable_x64 else jnp.int32)
    wte = jax.random.normal(k2, (VOCAB, N_EMBD), dtype=jnp.float32) * 0.02
    wpe = jax.random.normal(k3, (BLOCK, N_EMBD), dtype=jnp.float32) * 0.02
    return {"x": x, "wte": wte, "wpe": wpe}


def reference(x, wte, wpe):
    # PositionEmbedding.__call__: pos = arange(block_size).reshape(1, block_size); wpe(pos) -> (1, block, n_embd)
    pos = jnp.arange(BLOCK, dtype=jnp.int32).reshape((1, BLOCK))
    pos_emb = jnp.take(wpe, pos, axis=0)  # (1, block, n_embd)
    # TokenEmbedding.__call__: wte(idx) -> (B, S, n_embd)
    tok_emb = jnp.take(wte, x, axis=0)
    # broadcast_add
    out = tok_emb + pos_emb
    # Dropout with deterministic=True is identity
    return out

if __name__ == "__main__":
    import jax
    _d = setup_inputs()
    print(jax.jit(kernel)(*tuple(_d.values())))

</pallas_src>

<mosaic_0001>
#map = affine_map<(d0, d1) -> (0, 0)>
#map1 = affine_map<(d0, d1) -> (0, 0, 0)>
module attributes {stable_mosaic.version = 14 : i64} {
  func.func @_emb_body(%arg0: i32, %arg1: i32, %arg2: memref<32x256xi32, #tpu.memory_space<hbm>>, %arg3: memref<32x8x32xi32, #tpu.memory_space<hbm>>, %arg4: memref<100000x1024xf32, #tpu.memory_space<hbm>>, %arg5: memref<2048x1024xf32, #tpu.memory_space<hbm>>, %arg6: memref<8192x1024xf32, #tpu.memory_space<hbm>>, %arg7: memref<256xi32, #tpu.memory_space<vmem>>, %arg8: memref<8x32xi32, #tpu.memory_space<vmem>>, %arg9: memref<32x1024xf32, #tpu.memory_space<vmem>>, %arg10: memref<32x1024xf32, #tpu.memory_space<vmem>>, %arg11: memref<32x1024xf32, #tpu.memory_space<vmem>>, %arg12: memref<8x1024xf32, #tpu.memory_space<vmem>>, %arg13: memref<8x1024xf32, #tpu.memory_space<vmem>>, %arg14: memref<!tpu.dma_semaphore, #tpu.memory_space<semaphore_mem>>, %arg15: memref<!tpu.dma_semaphore, #tpu.memory_space<semaphore_mem>>, %arg16: memref<!tpu.dma_semaphore, #tpu.memory_space<semaphore_mem>>, %arg17: memref<!tpu.dma_semaphore, #tpu.memory_space<semaphore_mem>>, %arg18: memref<!tpu.dma_semaphore, #tpu.memory_space<semaphore_mem>>, %arg19: memref<!tpu.dma_semaphore, #tpu.memory_space<semaphore_mem>>, %arg20: memref<!tpu.dma_semaphore, #tpu.memory_space<semaphore_mem>>, %arg21: memref<!tpu.dma_semaphore, #tpu.memory_space<semaphore_mem>>, %arg22: memref<!tpu.dma_semaphore, #tpu.memory_space<semaphore_mem>>) attributes {dimension_semantics = [#tpu.dimension_semantics<core_parallel>, #tpu.dimension_semantics<subcore_parallel>], iteration_bounds = array<i64: 2, 16>, scalar_prefetch = 0 : i64, scratch_operands = 16 : i64, tpu.core_type = #tpu.core_type<sc_vector_subcore>, window_params = [{transform_indices = #map}, {transform_indices = #map1}, {transform_indices = #map}, {transform_indices = #map}, {transform_indices = #map}]} {
    %mul3A = arith.constant 2 : i32
    %mul3A_0 = arith.muli %arg1, %mul3A : i32
    %add3A = arith.addi %mul3A_0, %arg0 : i32
    %mul3A_1 = arith.constant 64 : i32
    %mul3A_2 = arith.muli %add3A, %mul3A_1 : i32
    %add3A_3 = arith.constant 0 : i32
    %add3A_4 = arith.addi %mul3A_2, %add3A_3 : i32
    %dma_start3A = arith.constant 0 : i32
    %dma_start3A_5 = tpu.memref_slice %arg5[%add3A_4, %dma_start3A] : memref<2048x1024xf32, #tpu.memory_space<hbm>> -> memref<8x1024xf32, #tpu.memory_space<hbm>>
    %dma_start3A_6 = arith.constant 0 : i32
    %dma_start3A_7 = tpu.memref_slice %arg5[%add3A_4, %dma_start3A_6] : memref<2048x1024xf32, #tpu.memory_space<hbm>> -> memref<8x1024xf32, #tpu.memory_space<hbm>>
    tpu.enqueue_dma source(%dma_start3A_7 : memref<8x1024xf32, #tpu.memory_space<hbm>>) target(%arg12 : memref<8x1024xf32, #tpu.memory_space<vmem>>) target_semaphore(%arg17 : memref<!tpu.dma_semaphore, #tpu.memory_space<semaphore_mem>>)
    %add3A_8 = arith.constant 8 : i32
    %add3A_9 = arith.addi %mul3A_2, %add3A_8 : i32
    %dma_start3A_10 = arith.constant 0 : i32
    %dma_start3A_11 = tpu.memref_slice %arg5[%add3A_9, %dma_start3A_10] : memref<2048x1024xf32, #tpu.memory_space<hbm>> -> memref<8x1024xf32, #tpu.memory_space<hbm>>
    %dma_start3A_12 = arith.constant 0 : i32
    %dma_start3A_13 = tpu.memref_slice %arg5[%add3A_9, %dma_start3A_12] : memref<2048x1024xf32, #tpu.memory_space<hbm>> -> memref<8x1024xf32, #tpu.memory_space<hbm>>
    tpu.enqueue_dma source(%dma_start3A_13 : memref<8x1024xf32, #tpu.memory_space<hbm>>) target(%arg13 : memref<8x1024xf32, #tpu.memory_space<vmem>>) target_semaphore(%arg18 : memref<!tpu.dma_semaphore, #tpu.memory_space<semaphore_mem>>)
    %dma_start3A_14 = arith.constant 0 : i32
    %dma_start3A_15 = tpu.memref_slice %arg2[%add3A, %dma_start3A_14] : memref<32x256xi32, #tpu.memory_space<hbm>> -> memref<1x256xi32, #tpu.memory_space<hbm>>
    %dma_start3A_16 = tpu.memref_squeeze %dma_start3A_15 : memref<1x256xi32, #tpu.memory_space<hbm>> -> memref<256xi32, #tpu.memory_space<hbm>>
    %dma_start3A_17 = arith.constant 0 : i32
    %dma_start3A_18 = tpu.memref_slice %arg2[%add3A, %dma_start3A_17] : memref<32x256xi32, #tpu.memory_space<hbm>> -> memref<1x256xi32, #tpu.memory_space<hbm>>
    %dma_start3A_19 = tpu.memref_squeeze %dma_start3A_18 : memref<1x256xi32, #tpu.memory_space<hbm>> -> memref<256xi32, #tpu.memory_space<hbm>>
    tpu.enqueue_dma source(%dma_start3A_19 : memref<256xi32, #tpu.memory_space<hbm>>) target(%arg7 : memref<256xi32, #tpu.memory_space<vmem>>) target_semaphore(%arg22 : memref<!tpu.dma_semaphore, #tpu.memory_space<semaphore_mem>>)
    %dma_start3A_20 = arith.constant 0 : i32
    %dma_start3A_21 = arith.constant 0 : i32
    %dma_start3A_22 = tpu.memref_slice %arg3[%add3A, %dma_start3A_20, %dma_start3A_21] : memref<32x8x32xi32, #tpu.memory_space<hbm>> -> memref<1x8x32xi32, #tpu.memory_space<hbm>>
    %dma_start3A_23 = tpu.memref_squeeze %dma_start3A_22 : memref<1x8x32xi32, #tpu.memory_space<hbm>> -> memref<8x32xi32, #tpu.memory_space<hbm>>
    %dma_start3A_24 = arith.constant 0 : i32
    %dma_start3A_25 = arith.constant 0 : i32
    %dma_start3A_26 = tpu.memref_slice %arg3[%add3A, %dma_start3A_24, %dma_start3A_25] : memref<32x8x32xi32, #tpu.memory_space<hbm>> -> memref<1x8x32xi32, #tpu.memory_space<hbm>>
    %dma_start3A_27 = tpu.memref_squeeze %dma_start3A_26 : memref<1x8x32xi32, #tpu.memory_space<hbm>> -> memref<8x32xi32, #tpu.memory_space<hbm>>
    tpu.enqueue_dma source(%dma_start3A_27 : memref<8x32xi32, #tpu.memory_space<hbm>>) target(%arg8 : memref<8x32xi32, #tpu.memory_space<vmem>>) target_semaphore(%arg22 : memref<!tpu.dma_semaphore, #tpu.memory_space<semaphore_mem>>)
    %dma_wait3A = arith.constant 0 : i32
    %dma_wait3A_28 = tpu.memref_slice %arg2[%add3A, %dma_wait3A] : memref<32x256xi32, #tpu.memory_space<hbm>> -> memref<1x256xi32, #tpu.memory_space<hbm>>
    %dma_wait3A_29 = tpu.memref_squeeze %dma_wait3A_28 : memref<1x256xi32, #tpu.memory_space<hbm>> -> memref<256xi32, #tpu.memory_space<hbm>>
    %dma_wait3A_30 = arith.constant 0 : i32
    %dma_wait3A_31 = tpu.memref_slice %arg2[%add3A, %dma_wait3A_30] : memref<32x256xi32, #tpu.memory_space<hbm>> -> memref<1x256xi32, #tpu.memory_space<hbm>>
    %dma_wait3A_32 = tpu.memref_squeeze %dma_wait3A_31 : memref<1x256xi32, #tpu.memory_space<hbm>> -> memref<256xi32, #tpu.memory_space<hbm>>
    tpu.wait_dma2 semaphore(%arg22 : memref<!tpu.dma_semaphore, #tpu.memory_space<semaphore_mem>>) src(%dma_wait3A_32 : memref<256xi32, #tpu.memory_space<hbm>>) dst(%arg7 : memref<256xi32, #tpu.memory_space<vmem>>)
    %dma_wait3A_33 = arith.constant 0 : i32
    %dma_wait3A_34 = arith.constant 0 : i32
    %dma_wait3A_35 = tpu.memref_slice %arg3[%add3A, %dma_wait3A_33, %dma_wait3A_34] : memref<32x8x32xi32, #tpu.memory_space<hbm>> -> memref<1x8x32xi32, #tpu.memory_space<hbm>>
    %dma_wait3A_36 = tpu.memref_squeeze %dma_wait3A_35 : memref<1x8x32xi32, #tpu.memory_space<hbm>> -> memref<8x32xi32, #tpu.memory_space<hbm>>
    %dma_wait3A_37 = arith.constant 0 : i32
    %dma_wait3A_38 = arith.constant 0 : i32
    %dma_wait3A_39 = tpu.memref_slice %arg3[%add3A, %dma_wait3A_37, %dma_wait3A_38] : memref<32x8x32xi32, #tpu.memory_space<hbm>> -> memref<1x8x32xi32, #tpu.memory_space<hbm>>
    %dma_wait3A_40 = tpu.memref_squeeze %dma_wait3A_39 : memref<1x8x32xi32, #tpu.memory_space<hbm>> -> memref<8x32xi32, #tpu.memory_space<hbm>>
    tpu.wait_dma2 semaphore(%arg22 : memref<!tpu.dma_semaphore, #tpu.memory_space<semaphore_mem>>) src(%dma_wait3A_40 : memref<8x32xi32, #tpu.memory_space<hbm>>) dst(%arg8 : memref<8x32xi32, #tpu.memory_space<vmem>>)
    %dma_start3A_41 = arith.constant 0 : i32
    %dma_start3A_42 = tpu.memref_slice %arg7[%dma_start3A_41] : memref<256xi32, #tpu.memory_space<vmem>> -> memref<32xi32, #tpu.memory_space<vmem>>
    %dma_start3A_43 = arith.constant 0 : i32
    %dma_start3A_44 = arith.constant 0 : i32
    %dma_start3A_45 = tpu.memref_slice %arg4[%dma_start3A_43, %dma_start3A_44] : memref<100000x1024xf32, #tpu.memory_space<hbm>> -> memref<100000x1024xf32, #tpu.memory_space<hbm>>
    tpu.enqueue_indirect_dma source(%dma_start3A_45 : memref<100000x1024xf32, #tpu.memory_space<hbm>>) target(%arg9 : memref<32x1024xf32, #tpu.memory_space<vmem>>) offsets(%dma_start3A_42 : memref<32xi32, #tpu.memory_space<vmem>>) semaphore(%arg14 : memref<!tpu.dma_semaphore, #tpu.memory_space<semaphore_mem>>)
    %dma_start3A_46 = arith.constant 32 : i32
    %dma_start3A_47 = tpu.memref_slice %arg7[%dma_start3A_46] : memref<256xi32, #tpu.memory_space<vmem>> -> memref<32xi32, #tpu.memory_space<vmem>>
    %dma_start3A_48 = arith.constant 0 : i32
    %dma_start3A_49 = arith.constant 0 : i32
    %dma_start3A_50 = tpu.memref_slice %arg4[%dma_start3A_48, %dma_start3A_49] : memref<100000x1024xf32, #tpu.memory_space<hbm>> -> memref<100000x1024xf32, #tpu.memory_space<hbm>>
    tpu.enqueue_indirect_dma source(%dma_start3A_50 : memref<100000x1024xf32, #tpu.memory_space<hbm>>) target(%arg10 : memref<32x1024xf32, #tpu.memory_space<vmem>>) offsets(%dma_start3A_47 : memref<32xi32, #tpu.memory_space<vmem>>) semaphore(%arg15 : memref<!tpu.dma_semaphore, #tpu.memory_space<semaphore_mem>>)
    %dma_wait3A_51 = arith.constant 0 : i32
    %dma_wait3A_52 = tpu.memref_slice %arg7[%dma_wait3A_51] : memref<256xi32, #tpu.memory_space<vmem>> -> memref<32xi32, #tpu.memory_space<vmem>>
    %dma_wait3A_53 = arith.constant 0 : i32
    %dma_wait3A_54 = arith.constant 0 : i32
    %dma_wait3A_55 = tpu.memref_slice %arg4[%dma_wait3A_53, %dma_wait3A_54] : memref<100000x1024xf32, #tpu.memory_space<hbm>> -> memref<100000x1024xf32, #tpu.memory_space<hbm>>
    tpu.wait_indirect_dma semaphore(%arg14 : memref<!tpu.dma_semaphore, #tpu.memory_space<semaphore_mem>>) src(%dma_wait3A_55 : memref<100000x1024xf32, #tpu.memory_space<hbm>>) dst(%arg9 : memref<32x1024xf32, #tpu.memory_space<vmem>>)
    %dma_wait3A_56 = arith.constant 0 : i32
    %dma_wait3A_57 = tpu.memref_slice %arg5[%add3A_4, %dma_wait3A_56] : memref<2048x1024xf32, #tpu.memory_space<hbm>> -> memref<8x1024xf32, #tpu.memory_space<hbm>>
    %dma_wait3A_58 = arith.constant 0 : i32
    %dma_wait3A_59 = tpu.memref_slice %arg5[%add3A_4, %dma_wait3A_58] : memref<2048x1024xf32, #tpu.memory_space<hbm>> -> memref<8x1024xf32, #tpu.memory_space<hbm>>
    tpu.wait_dma2 semaphore(%arg17 : memref<!tpu.dma_semaphore, #tpu.memory_space<semaphore_mem>>) src(%dma_wait3A_59 : memref<8x1024xf32, #tpu.memory_space<hbm>>) dst(%arg12 : memref<8x1024xf32, #tpu.memory_space<vmem>>)
    %parallel_loop3A = arith.constant 0 : i32
    %parallel_loop3A_60 = arith.constant 8 : i32
    %parallel_loop3A_61 = arith.constant 1 : i32
    scf.for %parallel_loop3A_324 = %parallel_loop3A to %parallel_loop3A_60 step %parallel_loop3A_61  : i32 {
      %parallel_loop3A_325 = arith.constant 0 : i32
      %parallel_loop3A_326 = arith.constant 64 : i32
      %parallel_loop3A_327 = arith.constant 1 : i32
      scf.for %parallel_loop3A_328 = %parallel_loop3A_325 to %parallel_loop3A_326 step %parallel_loop3A_327  : i32 {
        %parallel_loop3A_329 = arith.constant 16 : i32
        %parallel_loop3A_330 = arith.muli %parallel_loop3A_328, %parallel_loop3A_329 : i32
        %parallel_loop3A_331 = arith.index_cast %parallel_loop3A_324 : i32 to index
        %parallel_loop3A_332 = arith.index_cast %parallel_loop3A_330 : i32 to index
        %parallel_loop3A_333 = tpu.vector_load %arg12[%parallel_loop3A_331, %parallel_loop3A_332] {strides = array<i32>} : memref<8x1024xf32, #tpu.memory_space<vmem>>, vector<1x16xf32>,
        %parallel_loop3A_334 = vector.shape_cast %parallel_loop3A_333 : vector<1x16xf32> to vector<16xf32>
        %parallel_loop3A_335 = arith.constant 0 : i32
        %parallel_loop3A_336 = arith.addi %parallel_loop3A_335, %parallel_loop3A_324 : i32
        %parallel_loop3A_337 = arith.index_cast %parallel_loop3A_336 : i32 to index
        %parallel_loop3A_338 = arith.index_cast %parallel_loop3A_330 : i32 to index
        %parallel_loop3A_339 = tpu.vector_load %arg9[%parallel_loop3A_337, %parallel_loop3A_338] {strides = array<i32>} : memref<32x1024xf32, #tpu.memory_space<vmem>>, vector<1x16xf32>,
        %parallel_loop3A_340 = vector.shape_cast %parallel_loop3A_339 : vector<1x16xf32> to vector<16xf32>
        %parallel_loop3A_341 = arith.addf %parallel_loop3A_340, %parallel_loop3A_334 : vector<16xf32>
        %parallel_loop3A_342 = arith.constant 0 : i32
        %parallel_loop3A_343 = arith.addi %parallel_loop3A_342, %parallel_loop3A_324 : i32
        %parallel_loop3A_344 = arith.index_cast %parallel_loop3A_343 : i32 to index
        %parallel_loop3A_345 = arith.index_cast %parallel_loop3A_330 : i32 to index
        %parallel_loop3A_346 = tpu.vector_load %arg9[%parallel_loop3A_344, %parallel_loop3A_345] {strides = array<i32>} : memref<32x1024xf32, #tpu.memory_space<vmem>>, vector<1x16xf32>,
        %parallel_loop3A_347 = vector.shape_cast %parallel_loop3A_346 : vector<1x16xf32> to vector<16xf32>
        %parallel_loop3A_348 = vector.shape_cast %parallel_loop3A_341 : vector<16xf32> to vector<1x16xf32>
        tpu.vector_store %arg9[%parallel_loop3A_344, %parallel_loop3A_345], %parallel_loop3A_348 {strides = array<i32>} : memref<32x1024xf32, #tpu.memory_space<vmem>>, vector<1x16xf32>,
        %parallel_loop3A_349 = arith.constant 8 : i32
        %parallel_loop3A_350 = arith.addi %parallel_loop3A_349, %parallel_loop3A_324 : i32
        %parallel_loop3A_351 = arith.index_cast %parallel_loop3A_350 : i32 to index
        %parallel_loop3A_352 = arith.index_cast %parallel_loop3A_330 : i32 to index
        %parallel_loop3A_353 = tpu.vector_load %arg9[%parallel_loop3A_351, %parallel_loop3A_352] {strides = array<i32>} : memref<32x1024xf32, #tpu.memory_space<vmem>>, vector<1x16xf32>,
        %parallel_loop3A_354 = vector.shape_cast %parallel_loop3A_353 : vector<1x16xf32> to vector<16xf32>
        %parallel_loop3A_355 = arith.addf %parallel_loop3A_354, %parallel_loop3A_334 : vector<16xf32>
        %parallel_loop3A_356 = arith.constant 8 : i32
        %parallel_loop3A_357 = arith.addi %parallel_loop3A_356, %parallel_loop3A_324 : i32
        %parallel_loop3A_358 = arith.index_cast %parallel_loop3A_357 : i32 to index
        %parallel_loop3A_359 = arith.index_cast %parallel_loop3A_330 : i32 to index
        %parallel_loop3A_360 = tpu.vector_load %arg9[%parallel_loop3A_358, %parallel_loop3A_359] {strides = array<i32>} : memref<32x1024xf32, #tpu.memory_space<vmem>>, vector<1x16xf32>,
        %parallel_loop3A_361 = vector.shape_cast %parallel_loop3A_360 : vector<1x16xf32> to vector<16xf32>
        %parallel_loop3A_362 = vector.shape_cast %parallel_loop3A_355 : vector<16xf32> to vector<1x16xf32>
        tpu.vector_store %arg9[%parallel_loop3A_358, %parallel_loop3A_359], %parallel_loop3A_362 {strides = array<i32>} : memref<32x1024xf32, #tpu.memory_space<vmem>>, vector<1x16xf32>,
        %parallel_loop3A_363 = arith.constant 16 : i32
        %parallel_loop3A_364 = arith.addi %parallel_loop3A_363, %parallel_loop3A_324 : i32
        %parallel_loop3A_365 = arith.index_cast %parallel_loop3A_364 : i32 to index
        %parallel_loop3A_366 = arith.index_cast %parallel_loop3A_330 : i32 to index
        %parallel_loop3A_367 = tpu.vector_load %arg9[%parallel_loop3A_365, %parallel_loop3A_366] {strides = array<i32>} : memref<32x1024xf32, #tpu.memory_space<vmem>>, vector<1x16xf32>,
        %parallel_loop3A_368 = vector.shape_cast %parallel_loop3A_367 : vector<1x16xf32> to vector<16xf32>
        %parallel_loop3A_369 = arith.addf %parallel_loop3A_368, %parallel_loop3A_334 : vector<16xf32>
        %parallel_loop3A_370 = arith.constant 16 : i32
        %parallel_loop3A_371 = arith.addi %parallel_loop3A_370, %parallel_loop3A_324 : i32
        %parallel_loop3A_372 = arith.index_cast %parallel_loop3A_371 : i32 to index
        %parallel_loop3A_373 = arith.index_cast %parallel_loop3A_330 : i32 to index
        %parallel_loop3A_374 = tpu.vector_load %arg9[%parallel_loop3A_372, %parallel_loop3A_373] {strides = array<i32>} : memref<32x1024xf32, #tpu.memory_space<vmem>>, vector<1x16xf32>,
        %parallel_loop3A_375 = vector.shape_cast %parallel_loop3A_374 : vector<1x16xf32> to vector<16xf32>
        %parallel_loop3A_376 = vector.shape_cast %parallel_loop3A_369 : vector<16xf32> to vector<1x16xf32>
        tpu.vector_store %arg9[%parallel_loop3A_372, %parallel_loop3A_373], %parallel_loop3A_376 {strides = array<i32>} : memref<32x1024xf32, #tpu.memory_space<vmem>>, vector<1x16xf32>,
        %parallel_loop3A_377 = arith.constant 24 : i32
        %parallel_loop3A_378 = arith.addi %parallel_loop3A_377, %parallel_loop3A_324 : i32
        %parallel_loop3A_379 = arith.index_cast %parallel_loop3A_378 : i32 to index
        %parallel_loop3A_380 = arith.index_cast %parallel_loop3A_330 : i32 to index
        %parallel_loop3A_381 = tpu.vector_load %arg9[%parallel_loop3A_379, %parallel_loop3A_380] {strides = array<i32>} : memref<32x1024xf32, #tpu.memory_space<vmem>>, vector<1x16xf32>,
        %parallel_loop3A_382 = vector.shape_cast %parallel_loop3A_381 : vector<1x16xf32> to vector<16xf32>
        %parallel_loop3A_383 = arith.addf %parallel_loop3A_382, %parallel_loop3A_334 : vector<16xf32>
        %parallel_loop3A_384 = arith.constant 24 : i32
        %parallel_loop3A_385 = arith.addi %parallel_loop3A_384, %parallel_loop3A_324 : i32
        %parallel_loop3A_386 = arith.index_cast %parallel_loop3A_385 : i32 to index
        %parallel_loop3A_387 = arith.index_cast %parallel_loop3A_330 : i32 to index
        %parallel_loop3A_388 = tpu.vector_load %arg9[%parallel_loop3A_386, %parallel_loop3A_387] {strides = array<i32>} : memref<32x1024xf32, #tpu.memory_space<vmem>>, vector<1x16xf32>,
        %parallel_loop3A_389 = vector.shape_cast %parallel_loop3A_388 : vector<1x16xf32> to vector<16xf32>
        %parallel_loop3A_390 = vector.shape_cast %parallel_loop3A_383 : vector<16xf32> to vector<1x16xf32>
        tpu.vector_store %arg9[%parallel_loop3A_386, %parallel_loop3A_387], %parallel_loop3A_390 {strides = array<i32>} : memref<32x1024xf32, #tpu.memory_space<vmem>>, vector<1x16xf32>,
      } {sc.loop_unroll_factor = 4 : i64, sc.parallel_access}
    } {sc.loop_unroll_factor = 1 : i64, sc.parallel_access}
    %dma_start3A_62 = arith.constant 0 : i32
    %dma_start3A_63 = arith.constant 0 : i32
    %dma_start3A_64 = tpu.memref_slice %arg8[%dma_start3A_62, %dma_start3A_63] : memref<8x32xi32, #tpu.memory_space<vmem>> -> memref<1x32xi32, #tpu.memory_space<vmem>>
    %dma_start3A_65 = tpu.memref_squeeze %dma_start3A_64 : memref<1x32xi32, #tpu.memory_space<vmem>> -> memref<32xi32, #tpu.memory_space<vmem>>
    %dma_start3A_66 = arith.constant 0 : i32
    %dma_start3A_67 = arith.constant 0 : i32
    %dma_start3A_68 = tpu.memref_slice %arg6[%dma_start3A_66, %dma_start3A_67] : memref<8192x1024xf32, #tpu.memory_space<hbm>> -> memref<8192x1024xf32, #tpu.memory_space<hbm>>
    tpu.enqueue_indirect_dma source(%arg9 : memref<32x1024xf32, #tpu.memory_space<vmem>>) target(%dma_start3A_68 : memref<8192x1024xf32, #tpu.memory_space<hbm>>) offsets(%dma_start3A_65 : memref<32xi32, #tpu.memory_space<vmem>>) semaphore(%arg19 : memref<!tpu.dma_semaphore, #tpu.memory_space<semaphore_mem>>)
    %add3A_69 = arith.constant 16 : i32
    %add3A_70 = arith.addi %mul3A_2, %add3A_69 : i32
    %dma_start3A_71 = arith.constant 0 : i32
    %dma_start3A_72 = tpu.memref_slice %arg5[%add3A_70, %dma_start3A_71] : memref<2048x1024xf32, #tpu.memory_space<hbm>> -> memref<8x1024xf32, #tpu.memory_space<hbm>>
    %dma_start3A_73 = arith.constant 0 : i32
    %dma_start3A_74 = tpu.memref_slice %arg5[%add3A_70, %dma_start3A_73] : memref<2048x1024xf32, #tpu.memory_space<hbm>> -> memref<8x1024xf32, #tpu.memory_space<hbm>>
    tpu.enqueue_dma source(%dma_start3A_74 : memref<8x1024xf32, #tpu.memory_space<hbm>>) target(%arg12 : memref<8x1024xf32, #tpu.memory_space<vmem>>) target_semaphore(%arg17 : memref<!tpu.dma_semaphore, #tpu.memory_space<semaphore_mem>>)
    %dma_start3A_75 = arith.constant 64 : i32
    %dma_start3A_76 = tpu.memref_slice %arg7[%dma_start3A_75] : memref<256xi32, #tpu.memory_space<vmem>> -> memref<32xi32, #tpu.memory_space<vmem>>
    %dma_start3A_77 = arith.constant 0 : i32
    %dma_start3A_78 = arith.constant 0 : i32
    %dma_start3A_79 = tpu.memref_slice %arg4[%dma_start3A_77, %dma_start3A_78] : memref<100000x1024xf32, #tpu.memory_space<hbm>> -> memref<100000x1024xf32, #tpu.memory_space<hbm>>
    tpu.enqueue_indirect_dma source(%dma_start3A_79 : memref<100000x1024xf32, #tpu.memory_space<hbm>>) target(%arg11 : memref<32x1024xf32, #tpu.memory_space<vmem>>) offsets(%dma_start3A_76 : memref<32xi32, #tpu.memory_space<vmem>>) semaphore(%arg16 : memref<!tpu.dma_semaphore, #tpu.memory_space<semaphore_mem>>)
    %dma_wait3A_80 = arith.constant 32 : i32
    %dma_wait3A_81 = tpu.memref_slice %arg7[%dma_wait3A_80] : memref<256xi32, #tpu.memory_space<vmem>> -> memref<32xi32, #tpu.memory_space<vmem>>
    %dma_wait3A_82 = arith.constant 0 : i32
    %dma_wait3A_83 = arith.constant 0 : i32
    %dma_wait3A_84 = tpu.memref_slice %arg4[%dma_wait3A_82, %dma_wait3A_83] : memref<100000x1024xf32, #tpu.memory_space<hbm>> -> memref<100000x1024xf32, #tpu.memory_space<hbm>>
    tpu.wait_indirect_dma semaphore(%arg15 : memref<!tpu.dma_semaphore, #tpu.memory_space<semaphore_mem>>) src(%dma_wait3A_84 : memref<100000x1024xf32, #tpu.memory_space<hbm>>) dst(%arg10 : memref<32x1024xf32, #tpu.memory_space<vmem>>)
    %dma_wait3A_85 = arith.constant 0 : i32
    %dma_wait3A_86 = tpu.memref_slice %arg5[%add3A_9, %dma_wait3A_85] : memref<2048x1024xf32, #tpu.memory_space<hbm>> -> memref<8x1024xf32, #tpu.memory_space<hbm>>
    %dma_wait3A_87 = arith.constant 0 : i32
    %dma_wait3A_88 = tpu.memref_slice %arg5[%add3A_9, %dma_wait3A_87] : memref<2048x1024xf32, #tpu.memory_space<hbm>> -> memref<8x1024xf32, #tpu.memory_space<hbm>>
    tpu.wait_dma2 semaphore(%arg18 : memref<!tpu.dma_semaphore, #tpu.memory_space<semaphore_mem>>) src(%dma_wait3A_88 : memref<8x1024xf32, #tpu.memory_space<hbm>>) dst(%arg13 : memref<8x1024xf32, #tpu.memory_space<vmem>>)
    %parallel_loop3A_89 = arith.constant 0 : i32
    %parallel_loop3A_90 = arith.constant 8 : i32
    %parallel_loop3A_91 = arith.constant 1 : i32
    scf.for %parallel_loop3A_324 = %parallel_loop3A_89 to %parallel_loop3A_90 step %parallel_loop3A_91  : i32 {
      %parallel_loop3A_325 = arith.constant 0 : i32
      %parallel_loop3A_326 = arith.constant 64 : i32
      %parallel_loop3A_327 = arith.constant 1 : i32
      scf.for %parallel_loop3A_328 = %parallel_loop3A_325 to %parallel_loop3A_326 step %parallel_loop3A_327  : i32 {
        %parallel_loop3A_329 = arith.constant 16 : i32
        %parallel_loop3A_330 = arith.muli %parallel_loop3A_328, %parallel_loop3A_329 : i32
        %parallel_loop3A_331 = arith.index_cast %parallel_loop3A_324 : i32 to index
        %parallel_loop3A_332 = arith.index_cast %parallel_loop3A_330 : i32 to index
        %parallel_loop3A_333 = tpu.vector_load %arg13[%parallel_loop3A_331, %parallel_loop3A_332] {strides = array<i32>} : memref<8x1024xf32, #tpu.memory_space<vmem>>, vector<1x16xf32>,
        %parallel_loop3A_334 = vector.shape_cast %parallel_loop3A_333 : vector<1x16xf32> to vector<16xf32>
        %parallel_loop3A_335 = arith.constant 0 : i32
        %parallel_loop3A_336 = arith.addi %parallel_loop3A_335, %parallel_loop3A_324 : i32
        %parallel_loop3A_337 = arith.index_cast %parallel_loop3A_336 : i32 to index
        %parallel_loop3A_338 = arith.index_cast %parallel_loop3A_330 : i32 to index
        %parallel_loop3A_339 = tpu.vector_load %arg10[%parallel_loop3A_337, %parallel_loop3A_338] {strides = array<i32>} : memref<32x1024xf32, #tpu.memory_space<vmem>>, vector<1x16xf32>,
        %parallel_loop3A_340 = vector.shape_cast %parallel_loop3A_339 : vector<1x16xf32> to vector<16xf32>
        %parallel_loop3A_341 = arith.addf %parallel_loop3A_340, %parallel_loop3A_334 : vector<16xf32>
        %parallel_loop3A_342 = arith.constant 0 : i32
        %parallel_loop3A_343 = arith.addi %parallel_loop3A_342, %parallel_loop3A_324 : i32
        %parallel_loop3A_344 = arith.index_cast %parallel_loop3A_343 : i32 to index
        %parallel_loop3A_345 = arith.index_cast %parallel_loop3A_330 : i32 to index
        %parallel_loop3A_346 = tpu.vector_load %arg10[%parallel_loop3A_344, %parallel_loop3A_345] {strides = array<i32>} : memref<32x1024xf32, #tpu.memory_space<vmem>>, vector<1x16xf32>,
        %parallel_loop3A_347 = vector.shape_cast %parallel_loop3A_346 : vector<1x16xf32> to vector<16xf32>
        %parallel_loop3A_348 = vector.shape_cast %parallel_loop3A_341 : vector<16xf32> to vector<1x16xf32>
        tpu.vector_store %arg10[%parallel_loop3A_344, %parallel_loop3A_345], %parallel_loop3A_348 {strides = array<i32>} : memref<32x1024xf32, #tpu.memory_space<vmem>>, vector<1x16xf32>,
        %parallel_loop3A_349 = arith.constant 8 : i32
        %parallel_loop3A_350 = arith.addi %parallel_loop3A_349, %parallel_loop3A_324 : i32
        %parallel_loop3A_351 = arith.index_cast %parallel_loop3A_350 : i32 to index
        %parallel_loop3A_352 = arith.index_cast %parallel_loop3A_330 : i32 to index
        %parallel_loop3A_353 = tpu.vector_load %arg10[%parallel_loop3A_351, %parallel_loop3A_352] {strides = array<i32>} : memref<32x1024xf32, #tpu.memory_space<vmem>>, vector<1x16xf32>,
        %parallel_loop3A_354 = vector.shape_cast %parallel_loop3A_353 : vector<1x16xf32> to vector<16xf32>
        %parallel_loop3A_355 = arith.addf %parallel_loop3A_354, %parallel_loop3A_334 : vector<16xf32>
        %parallel_loop3A_356 = arith.constant 8 : i32
        %parallel_loop3A_357 = arith.addi %parallel_loop3A_356, %parallel_loop3A_324 : i32
        %parallel_loop3A_358 = arith.index_cast %parallel_loop3A_357 : i32 to index
        %parallel_loop3A_359 = arith.index_cast %parallel_loop3A_330 : i32 to index
        %parallel_loop3A_360 = tpu.vector_load %arg10[%parallel_loop3A_358, %parallel_loop3A_359] {strides = array<i32>} : memref<32x1024xf32, #tpu.memory_space<vmem>>, vector<1x16xf32>,
        %parallel_loop3A_361 = vector.shape_cast %parallel_loop3A_360 : vector<1x16xf32> to vector<16xf32>
        %parallel_loop3A_362 = vector.shape_cast %parallel_loop3A_355 : vector<16xf32> to vector<1x16xf32>
        tpu.vector_store %arg10[%parallel_loop3A_358, %parallel_loop3A_359], %parallel_loop3A_362 {strides = array<i32>} : memref<32x1024xf32, #tpu.memory_space<vmem>>, vector<1x16xf32>,
        %parallel_loop3A_363 = arith.constant 16 : i32
        %parallel_loop3A_364 = arith.addi %parallel_loop3A_363, %parallel_loop3A_324 : i32
        %parallel_loop3A_365 = arith.index_cast %parallel_loop3A_364 : i32 to index
        %parallel_loop3A_366 = arith.index_cast %parallel_loop3A_330 : i32 to index
        %parallel_loop3A_367 = tpu.vector_load %arg10[%parallel_loop3A_365, %parallel_loop3A_366] {strides = array<i32>} : memref<32x1024xf32, #tpu.memory_space<vmem>>, vector<1x16xf32>,
        %parallel_loop3A_368 = vector.shape_cast %parallel_loop3A_367 : vector<1x16xf32> to vector<16xf32>
        %parallel_loop3A_369 = arith.addf %parallel_loop3A_368, %parallel_loop3A_334 : vector<16xf32>
        %parallel_loop3A_370 = arith.constant 16 : i32
        %parallel_loop3A_371 = arith.addi %parallel_loop3A_370, %parallel_loop3A_324 : i32
        %parallel_loop3A_372 = arith.index_cast %parallel_loop3A_371 : i32 to index
        %parallel_loop3A_373 = arith.index_cast %parallel_loop3A_330 : i32 to index
        %parallel_loop3A_374 = tpu.vector_load %arg10[%parallel_loop3A_372, %parallel_loop3A_373] {strides = array<i32>} : memref<32x1024xf32, #tpu.memory_space<vmem>>, vector<1x16xf32>,
        %parallel_loop3A_375 = vector.shape_cast %parallel_loop3A_374 : vector<1x16xf32> to vector<16xf32>
        %parallel_loop3A_376 = vector.shape_cast %parallel_loop3A_369 : vector<16xf32> to vector<1x16xf32>
        tpu.vector_store %arg10[%parallel_loop3A_372, %parallel_loop3A_373], %parallel_loop3A_376 {strides = array<i32>} : memref<32x1024xf32, #tpu.memory_space<vmem>>, vector<1x16xf32>,
        %parallel_loop3A_377 = arith.constant 24 : i32
        %parallel_loop3A_378 = arith.addi %parallel_loop3A_377, %parallel_loop3A_324 : i32
        %parallel_loop3A_379 = arith.index_cast %parallel_loop3A_378 : i32 to index
        %parallel_loop3A_380 = arith.index_cast %parallel_loop3A_330 : i32 to index
        %parallel_loop3A_381 = tpu.vector_load %arg10[%parallel_loop3A_379, %parallel_loop3A_380] {strides = array<i32>} : memref<32x1024xf32, #tpu.memory_space<vmem>>, vector<1x16xf32>,
        %parallel_loop3A_382 = vector.shape_cast %parallel_loop3A_381 : vector<1x16xf32> to vector<16xf32>
        %parallel_loop3A_383 = arith.addf %parallel_loop3A_382, %parallel_loop3A_334 : vector<16xf32>
        %parallel_loop3A_384 = arith.constant 24 : i32
        %parallel_loop3A_385 = arith.addi %parallel_loop3A_384, %parallel_loop3A_324 : i32
        %parallel_loop3A_386 = arith.index_cast %parallel_loop3A_385 : i32 to index
        %parallel_loop3A_387 = arith.index_cast %parallel_loop3A_330 : i32 to index
        %parallel_loop3A_388 = tpu.vector_load %arg10[%parallel_loop3A_386, %parallel_loop3A_387] {strides = array<i32>} : memref<32x1024xf32, #tpu.memory_space<vmem>>, vector<1x16xf32>,
        %parallel_loop3A_389 = vector.shape_cast %parallel_loop3A_388 : vector<1x16xf32> to vector<16xf32>
        %parallel_loop3A_390 = vector.shape_cast %parallel_loop3A_383 : vector<16xf32> to vector<1x16xf32>
        tpu.vector_store %arg10[%parallel_loop3A_386, %parallel_loop3A_387], %parallel_loop3A_390 {strides = array<i32>} : memref<32x1024xf32, #tpu.memory_space<vmem>>, vector<1x16xf32>,
      } {sc.loop_unroll_factor = 4 : i64, sc.parallel_access}
    } {sc.loop_unroll_factor = 1 : i64, sc.parallel_access}
    %dma_start3A_92 = arith.constant 1 : i32
    %dma_start3A_93 = arith.constant 0 : i32
    %dma_start3A_94 = tpu.memref_slice %arg8[%dma_start3A_92, %dma_start3A_93] : memref<8x32xi32, #tpu.memory_space<vmem>> -> memref<1x32xi32, #tpu.memory_space<vmem>>
    %dma_start3A_95 = tpu.memref_squeeze %dma_start3A_94 : memref<1x32xi32, #tpu.memory_space<vmem>> -> memref<32xi32, #tpu.memory_space<vmem>>
    %dma_start3A_96 = arith.constant 0 : i32
    %dma_start3A_97 = arith.constant 0 : i32
    %dma_start3A_98 = tpu.memref_slice %arg6[%dma_start3A_96, %dma_start3A_97] : memref<8192x1024xf32, #tpu.memory_space<hbm>> -> memref<8192x1024xf32, #tpu.memory_space<hbm>>
    tpu.enqueue_indirect_dma source(%arg10 : memref<32x1024xf32, #tpu.memory_space<vmem>>) target(%dma_start3A_98 : memref<8192x1024xf32, #tpu.memory_space<hbm>>) offsets(%dma_start3A_95 : memref<32xi32, #tpu.memory_space<vmem>>) semaphore(%arg20 : memref<!tpu.dma_semaphore, #tpu.memory_space<semaphore_mem>>)
    %add3A_99 = arith.constant 24 : i32
    %add3A_100 = arith.addi %mul3A_2, %add3A_99 : i32
    %dma_start3A_101 = arith.constant 0 : i32
    %dma_start3A_102 = tpu.memref_slice %arg5[%add3A_100, %dma_start3A_101] : memref<2048x1024xf32, #tpu.memory_space<hbm>> -> memref<8x1024xf32, #tpu.memory_space<hbm>>
    %dma_start3A_103 = arith.constant 0 : i32
    %dma_start3A_104 = tpu.memref_slice %arg5[%add3A_100, %dma_start3A_103] : memref<2048x1024xf32, #tpu.memory_space<hbm>> -> memref<8x1024xf32, #tpu.memory_space<hbm>>
    tpu.enqueue_dma source(%dma_start3A_104 : memref<8x1024xf32, #tpu.memory_space<hbm>>) target(%arg13 : memref<8x1024xf32, #tpu.memory_space<vmem>>) target_semaphore(%arg18 : memref<!tpu.dma_semaphore, #tpu.memory_space<semaphore_mem>>)
    %dma_wait3A_105 = arith.constant 0 : i32
    %dma_wait3A_106 = arith.constant 0 : i32
    %dma_wait3A_107 = tpu.memref_slice %arg8[%dma_wait3A_105, %dma_wait3A_106] : memref<8x32xi32, #tpu.memory_space<vmem>> -> memref<1x32xi32, #tpu.memory_space<vmem>>
    %dma_wait3A_108 = tpu.memref_squeeze %dma_wait3A_107 : memref<1x32xi32, #tpu.memory_space<vmem>> -> memref<32xi32, #tpu.memory_space<vmem>>
    %dma_wait3A_109 = arith.constant 0 : i32
    %dma_wait3A_110 = arith.constant 0 : i32
    %dma_wait3A_111 = tpu.memref_slice %arg6[%dma_wait3A_109, %dma_wait3A_110] : memref<8192x1024xf32, #tpu.memory_space<hbm>> -> memref<8192x1024xf32, #tpu.memory_space<hbm>>
    tpu.wait_indirect_dma semaphore(%arg19 : memref<!tpu.dma_semaphore, #tpu.memory_space<semaphore_mem>>) src(%arg9 : memref<32x1024xf32, #tpu.memory_space<vmem>>) dst(%dma_wait3A_111 : memref<8192x1024xf32, #tpu.memory_space<hbm>>)
    %dma_start3A_112 = arith.constant 96 : i32
    %dma_start3A_113 = tpu.memref_slice %arg7[%dma_start3A_112] : memref<256xi32, #tpu.memory_space<vmem>> -> memref<32xi32, #tpu.memory_space<vmem>>
    %dma_start3A_114 = arith.constant 0 : i32
    %dma_start3A_115 = arith.constant 0 : i32
    %dma_start3A_116 = tpu.memref_slice %arg4[%dma_start3A_114, %dma_start3A_115] : memref<100000x1024xf32, #tpu.memory_space<hbm>> -> memref<100000x1024xf32, #tpu.memory_space<hbm>>
    tpu.enqueue_indirect_dma source(%dma_start3A_116 : memref<100000x1024xf32, #tpu.memory_space<hbm>>) target(%arg9 : memref<32x1024xf32, #tpu.memory_space<vmem>>) offsets(%dma_start3A_113 : memref<32xi32, #tpu.memory_space<vmem>>) semaphore(%arg14 : memref<!tpu.dma_semaphore, #tpu.memory_space<semaphore_mem>>)
    %dma_wait3A_117 = arith.constant 64 : i32
    %dma_wait3A_118 = tpu.memref_slice %arg7[%dma_wait3A_117] : memref<256xi32, #tpu.memory_space<vmem>> -> memref<32xi32, #tpu.memory_space<vmem>>
    %dma_wait3A_119 = arith.constant 0 : i32
    %dma_wait3A_120 = arith.constant 0 : i32
    %dma_wait3A_121 = tpu.memref_slice %arg4[%dma_wait3A_119, %dma_wait3A_120] : memref<100000x1024xf32, #tpu.memory_space<hbm>> -> memref<100000x1024xf32, #tpu.memory_space<hbm>>
    tpu.wait_indirect_dma semaphore(%arg16 : memref<!tpu.dma_semaphore, #tpu.memory_space<semaphore_mem>>) src(%dma_wait3A_121 : memref<100000x1024xf32, #tpu.memory_space<hbm>>) dst(%arg11 : memref<32x1024xf32, #tpu.memory_space<vmem>>)
    %dma_wait3A_122 = arith.constant 0 : i32
    %dma_wait3A_123 = tpu.memref_slice %arg5[%add3A_70, %dma_wait3A_122] : memref<2048x1024xf32, #tpu.memory_space<hbm>> -> memref<8x1024xf32, #tpu.memory_space<hbm>>
    %dma_wait3A_124 = arith.constant 0 : i32
    %dma_wait3A_125 = tpu.memref_slice %arg5[%add3A_70, %dma_wait3A_124] : memref<2048x1024xf32, #tpu.memory_space<hbm>> -> memref<8x1024xf32, #tpu.memory_space<hbm>>
    tpu.wait_dma2 semaphore(%arg17 : memref<!tpu.dma_semaphore, #tpu.memory_space<semaphore_mem>>) src(%dma_wait3A_125 : memref<8x1024xf32, #tpu.memory_space<hbm>>) dst(%arg12 : memref<8x1024xf32, #tpu.memory_space<vmem>>)
    %parallel_loop3A_126 = arith.constant 0 : i32
    %parallel_loop3A_127 = arith.constant 8 : i32
    %parallel_loop3A_128 = arith.constant 1 : i32
    scf.for %parallel_loop3A_324 = %parallel_loop3A_126 to %parallel_loop3A_127 step %parallel_loop3A_128  : i32 {
      %parallel_loop3A_325 = arith.constant 0 : i32
      %parallel_loop3A_326 = arith.constant 64 : i32
      %parallel_loop3A_327 = arith.constant 1 : i32
      scf.for %parallel_loop3A_328 = %parallel_loop3A_325 to %parallel_loop3A_326 step %parallel_loop3A_327  : i32 {
        %parallel_loop3A_329 = arith.constant 16 : i32
        %parallel_loop3A_330 = arith.muli %parallel_loop3A_328, %parallel_loop3A_329 : i32
        %parallel_loop3A_331 = arith.index_cast %parallel_loop3A_324 : i32 to index
        %parallel_loop3A_332 = arith.index_cast %parallel_loop3A_330 : i32 to index
        %parallel_loop3A_333 = tpu.vector_load %arg12[%parallel_loop3A_331, %parallel_loop3A_332] {strides = array<i32>} : memref<8x1024xf32, #tpu.memory_space<vmem>>, vector<1x16xf32>,
        %parallel_loop3A_334 = vector.shape_cast %parallel_loop3A_333 : vector<1x16xf32> to vector<16xf32>
        %parallel_loop3A_335 = arith.constant 0 : i32
        %parallel_loop3A_336 = arith.addi %parallel_loop3A_335, %parallel_loop3A_324 : i32
        %parallel_loop3A_337 = arith.index_cast %parallel_loop3A_336 : i32 to index
        %parallel_loop3A_338 = arith.index_cast %parallel_loop3A_330 : i32 to index
        %parallel_loop3A_339 = tpu.vector_load %arg11[%parallel_loop3A_337, %parallel_loop3A_338] {strides = array<i32>} : memref<32x1024xf32, #tpu.memory_space<vmem>>, vector<1x16xf32>,
        %parallel_loop3A_340 = vector.shape_cast %parallel_loop3A_339 : vector<1x16xf32> to vector<16xf32>
        %parallel_loop3A_341 = arith.addf %parallel_loop3A_340, %parallel_loop3A_334 : vector<16xf32>
        %parallel_loop3A_342 = arith.constant 0 : i32
        %parallel_loop3A_343 = arith.addi %parallel_loop3A_342, %parallel_loop3A_324 : i32
        %parallel_loop3A_344 = arith.index_cast %parallel_loop3A_343 : i32 to index
        %parallel_loop3A_345 = arith.index_cast %parallel_loop3A_330 : i32 to index
        %parallel_loop3A_346 = tpu.vector_load %arg11[%parallel_loop3A_344, %parallel_loop3A_345] {strides = array<i32>} : memref<32x1024xf32, #tpu.memory_space<vmem>>, vector<1x16xf32>,
        %parallel_loop3A_347 = vector.shape_cast %parallel_loop3A_346 : vector<1x16xf32> to vector<16xf32>
        %parallel_loop3A_348 = vector.shape_cast %parallel_loop3A_341 : vector<16xf32> to vector<1x16xf32>
        tpu.vector_store %arg11[%parallel_loop3A_344, %parallel_loop3A_345], %parallel_loop3A_348 {strides = array<i32>} : memref<32x1024xf32, #tpu.memory_space<vmem>>, vector<1x16xf32>,
        %parallel_loop3A_349 = arith.constant 8 : i32
        %parallel_loop3A_350 = arith.addi %parallel_loop3A_349, %parallel_loop3A_324 : i32
        %parallel_loop3A_351 = arith.index_cast %parallel_loop3A_350 : i32 to index
        %parallel_loop3A_352 = arith.index_cast %parallel_loop3A_330 : i32 to index
        %parallel_loop3A_353 = tpu.vector_load %arg11[%parallel_loop3A_351, %parallel_loop3A_352] {strides = array<i32>} : memref<32x1024xf32, #tpu.memory_space<vmem>>, vector<1x16xf32>,
        %parallel_loop3A_354 = vector.shape_cast %parallel_loop3A_353 : vector<1x16xf32> to vector<16xf32>
        %parallel_loop3A_355 = arith.addf %parallel_loop3A_354, %parallel_loop3A_334 : vector<16xf32>
        %parallel_loop3A_356 = arith.constant 8 : i32
        %parallel_loop3A_357 = arith.addi %parallel_loop3A_356, %parallel_loop3A_324 : i32
        %parallel_loop3A_358 = arith.index_cast %parallel_loop3A_357 : i32 to index
        %parallel_loop3A_359 = arith.index_cast %parallel_loop3A_330 : i32 to index
        %parallel_loop3A_360 = tpu.vector_load %arg11[%parallel_loop3A_358, %parallel_loop3A_359] {strides = array<i32>} : memref<32x1024xf32, #tpu.memory_space<vmem>>, vector<1x16xf32>,
        %parallel_loop3A_361 = vector.shape_cast %parallel_loop3A_360 : vector<1x16xf32> to vector<16xf32>
        %parallel_loop3A_362 = vector.shape_cast %parallel_loop3A_355 : vector<16xf32> to vector<1x16xf32>
        tpu.vector_store %arg11[%parallel_loop3A_358, %parallel_loop3A_359], %parallel_loop3A_362 {strides = array<i32>} : memref<32x1024xf32, #tpu.memory_space<vmem>>, vector<1x16xf32>,
        %parallel_loop3A_363 = arith.constant 16 : i32
        %parallel_loop3A_364 = arith.addi %parallel_loop3A_363, %parallel_loop3A_324 : i32
        %parallel_loop3A_365 = arith.index_cast %parallel_loop3A_364 : i32 to index
        %parallel_loop3A_366 = arith.index_cast %parallel_loop3A_330 : i32 to index
        %parallel_loop3A_367 = tpu.vector_load %arg11[%parallel_loop3A_365, %parallel_loop3A_366] {strides = array<i32>} : memref<32x1024xf32, #tpu.memory_space<vmem>>, vector<1x16xf32>,
        %parallel_loop3A_368 = vector.shape_cast %parallel_loop3A_367 : vector<1x16xf32> to vector<16xf32>
        %parallel_loop3A_369 = arith.addf %parallel_loop3A_368, %parallel_loop3A_334 : vector<16xf32>
        %parallel_loop3A_370 = arith.constant 16 : i32
        %parallel_loop3A_371 = arith.addi %parallel_loop3A_370, %parallel_loop3A_324 : i32
        %parallel_loop3A_372 = arith.index_cast %parallel_loop3A_371 : i32 to index
        %parallel_loop3A_373 = arith.index_cast %parallel_loop3A_330 : i32 to index
        %parallel_loop3A_374 = tpu.vector_load %arg11[%parallel_loop3A_372, %parallel_loop3A_373] {strides = array<i32>} : memref<32x1024xf32, #tpu.memory_space<vmem>>, vector<1x16xf32>,
        %parallel_loop3A_375 = vector.shape_cast %parallel_loop3A_374 : vector<1x16xf32> to vector<16xf32>
        %parallel_loop3A_376 = vector.shape_cast %parallel_loop3A_369 : vector<16xf32> to vector<1x16xf32>
        tpu.vector_store %arg11[%parallel_loop3A_372, %parallel_loop3A_373], %parallel_loop3A_376 {strides = array<i32>} : memref<32x1024xf32, #tpu.memory_space<vmem>>, vector<1x16xf32>,
        %parallel_loop3A_377 = arith.constant 24 : i32
        %parallel_loop3A_378 = arith.addi %parallel_loop3A_377, %parallel_loop3A_324 : i32
        %parallel_loop3A_379 = arith.index_cast %parallel_loop3A_378 : i32 to index
        %parallel_loop3A_380 = arith.index_cast %parallel_loop3A_330 : i32 to index
        %parallel_loop3A_381 = tpu.vector_load %arg11[%parallel_loop3A_379, %parallel_loop3A_380] {strides = array<i32>} : memref<32x1024xf32, #tpu.memory_space<vmem>>, vector<1x16xf32>,
        %parallel_loop3A_382 = vector.shape_cast %parallel_loop3A_381 : vector<1x16xf32> to vector<16xf32>
        %parallel_loop3A_383 = arith.addf %parallel_loop3A_382, %parallel_loop3A_334 : vector<16xf32>
        %parallel_loop3A_384 = arith.constant 24 : i32
        %parallel_loop3A_385 = arith.addi %parallel_loop3A_384, %parallel_loop3A_324 : i32
        %parallel_loop3A_386 = arith.index_cast %parallel_loop3A_385 : i32 to index
        %parallel_loop3A_387 = arith.index_cast %parallel_loop3A_330 : i32 to index
        %parallel_loop3A_388 = tpu.vector_load %arg11[%parallel_loop3A_386, %parallel_loop3A_387] {strides = array<i32>} : memref<32x1024xf32, #tpu.memory_space<vmem>>, vector<1x16xf32>,
        %parallel_loop3A_389 = vector.shape_cast %parallel_loop3A_388 : vector<1x16xf32> to vector<16xf32>
        %parallel_loop3A_390 = vector.shape_cast %parallel_loop3A_383 : vector<16xf32> to vector<1x16xf32>
        tpu.vector_store %arg11[%parallel_loop3A_386, %parallel_loop3A_387], %parallel_loop3A_390 {strides = array<i32>} : memref<32x1024xf32, #tpu.memory_space<vmem>>, vector<1x16xf32>,
      } {sc.loop_unroll_factor = 4 : i64, sc.parallel_access}
    } {sc.loop_unroll_factor = 1 : i64, sc.parallel_access}
    %dma_start3A_129 = arith.constant 2 : i32
    %dma_start3A_130 = arith.constant 0 : i32
    %dma_start3A_131 = tpu.memref_slice %arg8[%dma_start3A_129, %dma_start3A_130] : memref<8x32xi32, #tpu.memory_space<vmem>> -> memref<1x32xi32, #tpu.memory_space<vmem>>
    %dma_start3A_132 = tpu.memref_squeeze %dma_start3A_131 : memref<1x32xi32, #tpu.memory_space<vmem>> -> memref<32xi32, #tpu.memory_space<vmem>>
    %dma_start3A_133 = arith.constant 0 : i32
    %dma_start3A_134 = arith.constant 0 : i32
    %dma_start3A_135 = tpu.memref_slice %arg6[%dma_start3A_133, %dma_start3A_134] : memref<8192x1024xf32, #tpu.memory_space<hbm>> -> memref<8192x1024xf32, #tpu.memory_space<hbm>>
    tpu.enqueue_indirect_dma source(%arg11 : memref<32x1024xf32, #tpu.memory_space<vmem>>) target(%dma_start3A_135 : memref<8192x1024xf32, #tpu.memory_space<hbm>>) offsets(%dma_start3A_132 : memref<32xi32, #tpu.memory_space<vmem>>) semaphore(%arg21 : memref<!tpu.dma_semaphore, #tpu.memory_space<semaphore_mem>>)
    %add3A_136 = arith.constant 32 : i32
    %add3A_137 = arith.addi %mul3A_2, %add3A_136 : i32
    %dma_start3A_138 = arith.constant 0 : i32
    %dma_start3A_139 = tpu.memref_slice %arg5[%add3A_137, %dma_start3A_138] : memref<2048x1024xf32, #tpu.memory_space<hbm>> -> memref<8x1024xf32, #tpu.memory_space<hbm>>
    %dma_start3A_140 = arith.constant 0 : i32
    %dma_start3A_141 = tpu.memref_slice %arg5[%add3A_137, %dma_start3A_140] : memref<2048x1024xf32, #tpu.memory_space<hbm>> -> memref<8x1024xf32, #tpu.memory_space<hbm>>
    tpu.enqueue_dma source(%dma_start3A_141 : memref<8x1024xf32, #tpu.memory_space<hbm>>) target(%arg12 : memref<8x1024xf32, #tpu.memory_space<vmem>>) target_semaphore(%arg17 : memref<!tpu.dma_semaphore, #tpu.memory_space<semaphore_mem>>)
    %dma_wait3A_142 = arith.constant 1 : i32
    %dma_wait3A_143 = arith.constant 0 : i32
    %dma_wait3A_144 = tpu.memref_slice %arg8[%dma_wait3A_142, %dma_wait3A_143] : memref<8x32xi32, #tpu.memory_space<vmem>> -> memref<1x32xi32, #tpu.memory_space<vmem>>
    %dma_wait3A_145 = tpu.memref_squeeze %dma_wait3A_144 : memref<1x32xi32, #tpu.memory_space<vmem>> -> memref<32xi32, #tpu.memory_space<vmem>>
    %dma_wait3A_146 = arith.constant 0 : i32
    %dma_wait3A_147 = arith.constant 0 : i32
    %dma_wait3A_148 = tpu.memref_slice %arg6[%dma_wait3A_146, %dma_wait3A_147] : memref<8192x1024xf32, #tpu.memory_space<hbm>> -> memref<8192x1024xf32, #tpu.memory_space<hbm>>
    tpu.wait_indirect_dma semaphore(%arg20 : memref<!tpu.dma_semaphore, #tpu.memory_space<semaphore_mem>>) src(%arg10 : memref<32x1024xf32, #tpu.memory_space<vmem>>) dst(%dma_wait3A_148 : memref<8192x1024xf32, #tpu.memory_space<hbm>>)
    %dma_start3A_149 = arith.constant 128 : i32
    %dma_start3A_150 = tpu.memref_slice %arg7[%dma_start3A_149] : memref<256xi32, #tpu.memory_space<vmem>> -> memref<32xi32, #tpu.memory_space<vmem>>
    %dma_start3A_151 = arith.constant 0 : i32
    %dma_start3A_152 = arith.constant 0 : i32
    %dma_start3A_153 = tpu.memref_slice %arg4[%dma_start3A_151, %dma_start3A_152] : memref<100000x1024xf32, #tpu.memory_space<hbm>> -> memref<100000x1024xf32, #tpu.memory_space<hbm>>
    tpu.enqueue_indirect_dma source(%dma_start3A_153 : memref<100000x1024xf32, #tpu.memory_space<hbm>>) target(%arg10 : memref<32x1024xf32, #tpu.memory_space<vmem>>) offsets(%dma_start3A_150 : memref<32xi32, #tpu.memory_space<vmem>>) semaphore(%arg15 : memref<!tpu.dma_semaphore, #tpu.memory_space<semaphore_mem>>)
    %dma_wait3A_154 = arith.constant 96 : i32
    %dma_wait3A_155 = tpu.memref_slice %arg7[%dma_wait3A_154] : memref<256xi32, #tpu.memory_space<vmem>> -> memref<32xi32, #tpu.memory_space<vmem>>
    %dma_wait3A_156 = arith.constant 0 : i32
    %dma_wait3A_157 = arith.constant 0 : i32
    %dma_wait3A_158 = tpu.memref_slice %arg4[%dma_wait3A_156, %dma_wait3A_157] : memref<100000x1024xf32, #tpu.memory_space<hbm>> -> memref<100000x1024xf32, #tpu.memory_space<hbm>>
    tpu.wait_indirect_dma semaphore(%arg14 : memref<!tpu.dma_semaphore, #tpu.memory_space<semaphore_mem>>) src(%dma_wait3A_158 : memref<100000x1024xf32, #tpu.memory_space<hbm>>) dst(%arg9 : memref<32x1024xf32, #tpu.memory_space<vmem>>)
    %dma_wait3A_159 = arith.constant 0 : i32
    %dma_wait3A_160 = tpu.memref_slice %arg5[%add3A_100, %dma_wait3A_159] : memref<2048x1024xf32, #tpu.memory_space<hbm>> -> memref<8x1024xf32, #tpu.memory_space<hbm>>
    %dma_wait3A_161 = arith.constant 0 : i32
    %dma_wait3A_162 = tpu.memref_slice %arg5[%add3A_100, %dma_wait3A_161] : memref<2048x1024xf32, #tpu.memory_space<hbm>> -> memref<8x1024xf32, #tpu.memory_space<hbm>>
    tpu.wait_dma2 semaphore(%arg18 : memref<!tpu.dma_semaphore, #tpu.memory_space<semaphore_mem>>) src(%dma_wait3A_162 : memref<8x1024xf32, #tpu.memory_space<hbm>>) dst(%arg13 : memref<8x1024xf32, #tpu.memory_space<vmem>>)
    %parallel_loop3A_163 = arith.constant 0 : i32
    %parallel_loop3A_164 = arith.constant 8 : i32
    %parallel_loop3A_165 = arith.constant 1 : i32
    scf.for %parallel_loop3A_324 = %parallel_loop3A_163 to %parallel_loop3A_164 step %parallel_loop3A_165  : i32 {
      %parallel_loop3A_325 = arith.constant 0 : i32
      %parallel_loop3A_326 = arith.constant 64 : i32
      %parallel_loop3A_327 = arith.constant 1 : i32
      scf.for %parallel_loop3A_328 = %parallel_loop3A_325 to %parallel_loop3A_326 step %parallel_loop3A_327  : i32 {
        %parallel_loop3A_329 = arith.constant 16 : i32
        %parallel_loop3A_330 = arith.muli %parallel_loop3A_328, %parallel_loop3A_329 : i32
        %parallel_loop3A_331 = arith.index_cast %parallel_loop3A_324 : i32 to index
        %parallel_loop3A_332 = arith.index_cast %parallel_loop3A_330 : i32 to index
        %parallel_loop3A_333 = tpu.vector_load %arg13[%parallel_loop3A_331, %parallel_loop3A_332] {strides = array<i32>} : memref<8x1024xf32, #tpu.memory_space<vmem>>, vector<1x16xf32>,
        %parallel_loop3A_334 = vector.shape_cast %parallel_loop3A_333 : vector<1x16xf32> to vector<16xf32>
        %parallel_loop3A_335 = arith.constant 0 : i32
        %parallel_loop3A_336 = arith.addi %parallel_loop3A_335, %parallel_loop3A_324 : i32
        %parallel_loop3A_337 = arith.index_cast %parallel_loop3A_336 : i32 to index
        %parallel_loop3A_338 = arith.index_cast %parallel_loop3A_330 : i32 to index
        %parallel_loop3A_339 = tpu.vector_load %arg9[%parallel_loop3A_337, %parallel_loop3A_338] {strides = array<i32>} : memref<32x1024xf32, #tpu.memory_space<vmem>>, vector<1x16xf32>,
        %parallel_loop3A_340 = vector.shape_cast %parallel_loop3A_339 : vector<1x16xf32> to vector<16xf32>
        %parallel_loop3A_341 = arith.addf %parallel_loop3A_340, %parallel_loop3A_334 : vector<16xf32>
        %parallel_loop3A_342 = arith.constant 0 : i32
        %parallel_loop3A_343 = arith.addi %parallel_loop3A_342, %parallel_loop3A_324 : i32
        %parallel_loop3A_344 = arith.index_cast %parallel_loop3A_343 : i32 to index
        %parallel_loop3A_345 = arith.index_cast %parallel_loop3A_330 : i32 to index
        %parallel_loop3A_346 = tpu.vector_load %arg9[%parallel_loop3A_344, %parallel_loop3A_345] {strides = array<i32>} : memref<32x1024xf32, #tpu.memory_space<vmem>>, vector<1x16xf32>,
        %parallel_loop3A_347 = vector.shape_cast %parallel_loop3A_346 : vector<1x16xf32> to vector<16xf32>
        %parallel_loop3A_348 = vector.shape_cast %parallel_loop3A_341 : vector<16xf32> to vector<1x16xf32>
        tpu.vector_store %arg9[%parallel_loop3A_344, %parallel_loop3A_345], %parallel_loop3A_348 {strides = array<i32>} : memref<32x1024xf32, #tpu.memory_space<vmem>>, vector<1x16xf32>,
        %parallel_loop3A_349 = arith.constant 8 : i32
        %parallel_loop3A_350 = arith.addi %parallel_loop3A_349, %parallel_loop3A_324 : i32
        %parallel_loop3A_351 = arith.index_cast %parallel_loop3A_350 : i32 to index
        %parallel_loop3A_352 = arith.index_cast %parallel_loop3A_330 : i32 to index
        %parallel_loop3A_353 = tpu.vector_load %arg9[%parallel_loop3A_351, %parallel_loop3A_352] {strides = array<i32>} : memref<32x1024xf32, #tpu.memory_space<vmem>>, vector<1x16xf32>,
        %parallel_loop3A_354 = vector.shape_cast %parallel_loop3A_353 : vector<1x16xf32> to vector<16xf32>
        %parallel_loop3A_355 = arith.addf %parallel_loop3A_354, %parallel_loop3A_334 : vector<16xf32>
        %parallel_loop3A_356 = arith.constant 8 : i32
        %parallel_loop3A_357 = arith.addi %parallel_loop3A_356, %parallel_loop3A_324 : i32
        %parallel_loop3A_358 = arith.index_cast %parallel_loop3A_357 : i32 to index
        %parallel_loop3A_359 = arith.index_cast %parallel_loop3A_330 : i32 to index
        %parallel_loop3A_360 = tpu.vector_load %arg9[%parallel_loop3A_358, %parallel_loop3A_359] {strides = array<i32>} : memref<32x1024xf32, #tpu.memory_space<vmem>>, vector<1x16xf32>,
        %parallel_loop3A_361 = vector.shape_cast %parallel_loop3A_360 : vector<1x16xf32> to vector<16xf32>
        %parallel_loop3A_362 = vector.shape_cast %parallel_loop3A_355 : vector<16xf32> to vector<1x16xf32>
        tpu.vector_store %arg9[%parallel_loop3A_358, %parallel_loop3A_359], %parallel_loop3A_362 {strides = array<i32>} : memref<32x1024xf32, #tpu.memory_space<vmem>>, vector<1x16xf32>,
        %parallel_loop3A_363 = arith.constant 16 : i32
        %parallel_loop3A_364 = arith.addi %parallel_loop3A_363, %parallel_loop3A_324 : i32
        %parallel_loop3A_365 = arith.index_cast %parallel_loop3A_364 : i32 to index
        %parallel_loop3A_366 = arith.index_cast %parallel_loop3A_330 : i32 to index
        %parallel_loop3A_367 = tpu.vector_load %arg9[%parallel_loop3A_365, %parallel_loop3A_366] {strides = array<i32>} : memref<32x1024xf32, #tpu.memory_space<vmem>>, vector<1x16xf32>,
        %parallel_loop3A_368 = vector.shape_cast %parallel_loop3A_367 : vector<1x16xf32> to vector<16xf32>
        %parallel_loop3A_369 = arith.addf %parallel_loop3A_368, %parallel_loop3A_334 : vector<16xf32>
        %parallel_loop3A_370 = arith.constant 16 : i32
        %parallel_loop3A_371 = arith.addi %parallel_loop3A_370, %parallel_loop3A_324 : i32
        %parallel_loop3A_372 = arith.index_cast %parallel_loop3A_371 : i32 to index
        %parallel_loop3A_373 = arith.index_cast %parallel_loop3A_330 : i32 to index
        %parallel_loop3A_374 = tpu.vector_load %arg9[%parallel_loop3A_372, %parallel_loop3A_373] {strides = array<i32>} : memref<32x1024xf32, #tpu.memory_space<vmem>>, vector<1x16xf32>,
        %parallel_loop3A_375 = vector.shape_cast %parallel_loop3A_374 : vector<1x16xf32> to vector<16xf32>
        %parallel_loop3A_376 = vector.shape_cast %parallel_loop3A_369 : vector<16xf32> to vector<1x16xf32>
        tpu.vector_store %arg9[%parallel_loop3A_372, %parallel_loop3A_373], %parallel_loop3A_376 {strides = array<i32>} : memref<32x1024xf32, #tpu.memory_space<vmem>>, vector<1x16xf32>,
        %parallel_loop3A_377 = arith.constant 24 : i32
        %parallel_loop3A_378 = arith.addi %parallel_loop3A_377, %parallel_loop3A_324 : i32
        %parallel_loop3A_379 = arith.index_cast %parallel_loop3A_378 : i32 to index
        %parallel_loop3A_380 = arith.index_cast %parallel_loop3A_330 : i32 to index
        %parallel_loop3A_381 = tpu.vector_load %arg9[%parallel_loop3A_379, %parallel_loop3A_380] {strides = array<i32>} : memref<32x1024xf32, #tpu.memory_space<vmem>>, vector<1x16xf32>,
        %parallel_loop3A_382 = vector.shape_cast %parallel_loop3A_381 : vector<1x16xf32> to vector<16xf32>
        %parallel_loop3A_383 = arith.addf %parallel_loop3A_382, %parallel_loop3A_334 : vector<16xf32>
        %parallel_loop3A_384 = arith.constant 24 : i32
        %parallel_loop3A_385 = arith.addi %parallel_loop3A_384, %parallel_loop3A_324 : i32
        %parallel_loop3A_386 = arith.index_cast %parallel_loop3A_385 : i32 to index
        %parallel_loop3A_387 = arith.index_cast %parallel_loop3A_330 : i32 to index
        %parallel_loop3A_388 = tpu.vector_load %arg9[%parallel_loop3A_386, %parallel_loop3A_387] {strides = array<i32>} : memref<32x1024xf32, #tpu.memory_space<vmem>>, vector<1x16xf32>,
        %parallel_loop3A_389 = vector.shape_cast %parallel_loop3A_388 : vector<1x16xf32> to vector<16xf32>
        %parallel_loop3A_390 = vector.shape_cast %parallel_loop3A_383 : vector<16xf32> to vector<1x16xf32>
        tpu.vector_store %arg9[%parallel_loop3A_386, %parallel_loop3A_387], %parallel_loop3A_390 {strides = array<i32>} : memref<32x1024xf32, #tpu.memory_space<vmem>>, vector<1x16xf32>,
      } {sc.loop_unroll_factor = 4 : i64, sc.parallel_access}
    } {sc.loop_unroll_factor = 1 : i64, sc.parallel_access}
    %dma_start3A_166 = arith.constant 3 : i32
    %dma_start3A_167 = arith.constant 0 : i32
    %dma_start3A_168 = tpu.memref_slice %arg8[%dma_start3A_166, %dma_start3A_167] : memref<8x32xi32, #tpu.memory_space<vmem>> -> memref<1x32xi32, #tpu.memory_space<vmem>>
    %dma_start3A_169 = tpu.memref_squeeze %dma_start3A_168 : memref<1x32xi32, #tpu.memory_space<vmem>> -> memref<32xi32, #tpu.memory_space<vmem>>
    %dma_start3A_170 = arith.constant 0 : i32
    %dma_start3A_171 = arith.constant 0 : i32
    %dma_start3A_172 = tpu.memref_slice %arg6[%dma_start3A_170, %dma_start3A_171] : memref<8192x1024xf32, #tpu.memory_space<hbm>> -> memref<8192x1024xf32, #tpu.memory_space<hbm>>
    tpu.enqueue_indirect_dma source(%arg9 : memref<32x1024xf32, #tpu.memory_space<vmem>>) target(%dma_start3A_172 : memref<8192x1024xf32, #tpu.memory_space<hbm>>) offsets(%dma_start3A_169 : memref<32xi32, #tpu.memory_space<vmem>>) semaphore(%arg19 : memref<!tpu.dma_semaphore, #tpu.memory_space<semaphore_mem>>)
    %add3A_173 = arith.constant 40 : i32
    %add3A_174 = arith.addi %mul3A_2, %add3A_173 : i32
    %dma_start3A_175 = arith.constant 0 : i32
    %dma_start3A_176 = tpu.memref_slice %arg5[%add3A_174, %dma_start3A_175] : memref<2048x1024xf32, #tpu.memory_space<hbm>> -> memref<8x1024xf32, #tpu.memory_space<hbm>>
    %dma_start3A_177 = arith.constant 0 : i32
    %dma_start3A_178 = tpu.memref_slice %arg5[%add3A_174, %dma_start3A_177] : memref<2048x1024xf32, #tpu.memory_space<hbm>> -> memref<8x1024xf32, #tpu.memory_space<hbm>>
    tpu.enqueue_dma source(%dma_start3A_178 : memref<8x1024xf32, #tpu.memory_space<hbm>>) target(%arg13 : memref<8x1024xf32, #tpu.memory_space<vmem>>) target_semaphore(%arg18 : memref<!tpu.dma_semaphore, #tpu.memory_space<semaphore_mem>>)
    %dma_wait3A_179 = arith.constant 2 : i32
    %dma_wait3A_180 = arith.constant 0 : i32
    %dma_wait3A_181 = tpu.memref_slice %arg8[%dma_wait3A_179, %dma_wait3A_180] : memref<8x32xi32, #tpu.memory_space<vmem>> -> memref<1x32xi32, #tpu.memory_space<vmem>>
    %dma_wait3A_182 = tpu.memref_squeeze %dma_wait3A_181 : memref<1x32xi32, #tpu.memory_space<vmem>> -> memref<32xi32, #tpu.memory_space<vmem>>
    %dma_wait3A_183 = arith.constant 0 : i32
    %dma_wait3A_184 = arith.constant 0 : i32
    %dma_wait3A_185 = tpu.memref_slice %arg6[%dma_wait3A_183, %dma_wait3A_184] : memref<8192x1024xf32, #tpu.memory_space<hbm>> -> memref<8192x1024xf32, #tpu.memory_space<hbm>>
    tpu.wait_indirect_dma semaphore(%arg21 : memref<!tpu.dma_semaphore, #tpu.memory_space<semaphore_mem>>) src(%arg11 : memref<32x1024xf32, #tpu.memory_space<vmem>>) dst(%dma_wait3A_185 : memref<8192x1024xf32, #tpu.memory_space<hbm>>)
    %dma_start3A_186 = arith.constant 160 : i32
    %dma_start3A_187 = tpu.memref_slice %arg7[%dma_start3A_186] : memref<256xi32, #tpu.memory_space<vmem>> -> memref<32xi32, #tpu.memory_space<vmem>>
    %dma_start3A_188 = arith.constant 0 : i32
    %dma_start3A_189 = arith.constant 0 : i32
    %dma_start3A_190 = tpu.memref_slice %arg4[%dma_start3A_188, %dma_start3A_189] : memref<100000x1024xf32, #tpu.memory_space<hbm>> -> memref<100000x1024xf32, #tpu.memory_space<hbm>>
    tpu.enqueue_indirect_dma source(%dma_start3A_190 : memref<100000x1024xf32, #tpu.memory_space<hbm>>) target(%arg11 : memref<32x1024xf32, #tpu.memory_space<vmem>>) offsets(%dma_start3A_187 : memref<32xi32, #tpu.memory_space<vmem>>) semaphore(%arg16 : memref<!tpu.dma_semaphore, #tpu.memory_space<semaphore_mem>>)
    %dma_wait3A_191 = arith.constant 128 : i32
    %dma_wait3A_192 = tpu.memref_slice %arg7[%dma_wait3A_191] : memref<256xi32, #tpu.memory_space<vmem>> -> memref<32xi32, #tpu.memory_space<vmem>>
    %dma_wait3A_193 = arith.constant 0 : i32
    %dma_wait3A_194 = arith.constant 0 : i32
    %dma_wait3A_195 = tpu.memref_slice %arg4[%dma_wait3A_193, %dma_wait3A_194] : memref<100000x1024xf32, #tpu.memory_space<hbm>> -> memref<100000x1024xf32, #tpu.memory_space<hbm>>
    tpu.wait_indirect_dma semaphore(%arg15 : memref<!tpu.dma_semaphore, #tpu.memory_space<semaphore_mem>>) src(%dma_wait3A_195 : memref<100000x1024xf32, #tpu.memory_space<hbm>>) dst(%arg10 : memref<32x1024xf32, #tpu.memory_space<vmem>>)
    %dma_wait3A_196 = arith.constant 0 : i32
    %dma_wait3A_197 = tpu.memref_slice %arg5[%add3A_137, %dma_wait3A_196] : memref<2048x1024xf32, #tpu.memory_space<hbm>> -> memref<8x1024xf32, #tpu.memory_space<hbm>>
    %dma_wait3A_198 = arith.constant 0 : i32
    %dma_wait3A_199 = tpu.memref_slice %arg5[%add3A_137, %dma_wait3A_198] : memref<2048x1024xf32, #tpu.memory_space<hbm>> -> memref<8x1024xf32, #tpu.memory_space<hbm>>
    tpu.wait_dma2 semaphore(%arg17 : memref<!tpu.dma_semaphore, #tpu.memory_space<semaphore_mem>>) src(%dma_wait3A_199 : memref<8x1024xf32, #tpu.memory_space<hbm>>) dst(%arg12 : memref<8x1024xf32, #tpu.memory_space<vmem>>)
    %parallel_loop3A_200 = arith.constant 0 : i32
    %parallel_loop3A_201 = arith.constant 8 : i32
    %parallel_loop3A_202 = arith.constant 1 : i32
    scf.for %parallel_loop3A_324 = %parallel_loop3A_200 to %parallel_loop3A_201 step %parallel_loop3A_202  : i32 {
      %parallel_loop3A_325 = arith.constant 0 : i32
      %parallel_loop3A_326 = arith.constant 64 : i32
      %parallel_loop3A_327 = arith.constant 1 : i32
      scf.for %parallel_loop3A_328 = %parallel_loop3A_325 to %parallel_loop3A_326 step %parallel_loop3A_327  : i32 {
        %parallel_loop3A_329 = arith.constant 16 : i32
        %parallel_loop3A_330 = arith.muli %parallel_loop3A_328, %parallel_loop3A_329 : i32
        %parallel_loop3A_331 = arith.index_cast %parallel_loop3A_324 : i32 to index
        %parallel_loop3A_332 = arith.index_cast %parallel_loop3A_330 : i32 to index
        %parallel_loop3A_333 = tpu.vector_load %arg12[%parallel_loop3A_331, %parallel_loop3A_332] {strides = array<i32>} : memref<8x1024xf32, #tpu.memory_space<vmem>>, vector<1x16xf32>,
        %parallel_loop3A_334 = vector.shape_cast %parallel_loop3A_333 : vector<1x16xf32> to vector<16xf32>
        %parallel_loop3A_335 = arith.constant 0 : i32
        %parallel_loop3A_336 = arith.addi %parallel_loop3A_335, %parallel_loop3A_324 : i32
        %parallel_loop3A_337 = arith.index_cast %parallel_loop3A_336 : i32 to index
        %parallel_loop3A_338 = arith.index_cast %parallel_loop3A_330 : i32 to index
        %parallel_loop3A_339 = tpu.vector_load %arg10[%parallel_loop3A_337, %parallel_loop3A_338] {strides = array<i32>} : memref<32x1024xf32, #tpu.memory_space<vmem>>, vector<1x16xf32>,
        %parallel_loop3A_340 = vector.shape_cast %parallel_loop3A_339 : vector<1x16xf32> to vector<16xf32>
        %parallel_loop3A_341 = arith.addf %parallel_loop3A_340, %parallel_loop3A_334 : vector<16xf32>
        %parallel_loop3A_342 = arith.constant 0 : i32
        %parallel_loop3A_343 = arith.addi %parallel_loop3A_342, %parallel_loop3A_324 : i32
        %parallel_loop3A_344 = arith.index_cast %parallel_loop3A_343 : i32 to index
        %parallel_loop3A_345 = arith.index_cast %parallel_loop3A_330 : i32 to index
        %parallel_loop3A_346 = tpu.vector_load %arg10[%parallel_loop3A_344, %parallel_loop3A_345] {strides = array<i32>} : memref<32x1024xf32, #tpu.memory_space<vmem>>, vector<1x16xf32>,
        %parallel_loop3A_347 = vector.shape_cast %parallel_loop3A_346 : vector<1x16xf32> to vector<16xf32>
        %parallel_loop3A_348 = vector.shape_cast %parallel_loop3A_341 : vector<16xf32> to vector<1x16xf32>
        tpu.vector_store %arg10[%parallel_loop3A_344, %parallel_loop3A_345], %parallel_loop3A_348 {strides = array<i32>} : memref<32x1024xf32, #tpu.memory_space<vmem>>, vector<1x16xf32>,
        %parallel_loop3A_349 = arith.constant 8 : i32
        %parallel_loop3A_350 = arith.addi %parallel_loop3A_349, %parallel_loop3A_324 : i32
        %parallel_loop3A_351 = arith.index_cast %parallel_loop3A_350 : i32 to index
        %parallel_loop3A_352 = arith.index_cast %parallel_loop3A_330 : i32 to index
        %parallel_loop3A_353 = tpu.vector_load %arg10[%parallel_loop3A_351, %parallel_loop3A_352] {strides = array<i32>} : memref<32x1024xf32, #tpu.memory_space<vmem>>, vector<1x16xf32>,
        %parallel_loop3A_354 = vector.shape_cast %parallel_loop3A_353 : vector<1x16xf32> to vector<16xf32>
        %parallel_loop3A_355 = arith.addf %parallel_loop3A_354, %parallel_loop3A_334 : vector<16xf32>
        %parallel_loop3A_356 = arith.constant 8 : i32
        %parallel_loop3A_357 = arith.addi %parallel_loop3A_356, %parallel_loop3A_324 : i32
        %parallel_loop3A_358 = arith.index_cast %parallel_loop3A_357 : i32 to index
        %parallel_loop3A_359 = arith.index_cast %parallel_loop3A_330 : i32 to index
        %parallel_loop3A_360 = tpu.vector_load %arg10[%parallel_loop3A_358, %parallel_loop3A_359] {strides = array<i32>} : memref<32x1024xf32, #tpu.memory_space<vmem>>, vector<1x16xf32>,
        %parallel_loop3A_361 = vector.shape_cast %parallel_loop3A_360 : vector<1x16xf32> to vector<16xf32>
        %parallel_loop3A_362 = vector.shape_cast %parallel_loop3A_355 : vector<16xf32> to vector<1x16xf32>
        tpu.vector_store %arg10[%parallel_loop3A_358, %parallel_loop3A_359], %parallel_loop3A_362 {strides = array<i32>} : memref<32x1024xf32, #tpu.memory_space<vmem>>, vector<1x16xf32>,
        %parallel_loop3A_363 = arith.constant 16 : i32
        %parallel_loop3A_364 = arith.addi %parallel_loop3A_363, %parallel_loop3A_324 : i32
        %parallel_loop3A_365 = arith.index_cast %parallel_loop3A_364 : i32 to index
        %parallel_loop3A_366 = arith.index_cast %parallel_loop3A_330 : i32 to index
        %parallel_loop3A_367 = tpu.vector_load %arg10[%parallel_loop3A_365, %parallel_loop3A_366] {strides = array<i32>} : memref<32x1024xf32, #tpu.memory_space<vmem>>, vector<1x16xf32>,
        %parallel_loop3A_368 = vector.shape_cast %parallel_loop3A_367 : vector<1x16xf32> to vector<16xf32>
        %parallel_loop3A_369 = arith.addf %parallel_loop3A_368, %parallel_loop3A_334 : vector<16xf32>
        %parallel_loop3A_370 = arith.constant 16 : i32
        %parallel_loop3A_371 = arith.addi %parallel_loop3A_370, %parallel_loop3A_324 : i32
        %parallel_loop3A_372 = arith.index_cast %parallel_loop3A_371 : i32 to index
        %parallel_loop3A_373 = arith.index_cast %parallel_loop3A_330 : i32 to index
        %parallel_loop3A_374 = tpu.vector_load %arg10[%parallel_loop3A_372, %parallel_loop3A_373] {strides = array<i32>} : memref<32x1024xf32, #tpu.memory_space<vmem>>, vector<1x16xf32>,
        %parallel_loop3A_375 = vector.shape_cast %parallel_loop3A_374 : vector<1x16xf32> to vector<16xf32>
        %parallel_loop3A_376 = vector.shape_cast %parallel_loop3A_369 : vector<16xf32> to vector<1x16xf32>
        tpu.vector_store %arg10[%parallel_loop3A_372, %parallel_loop3A_373], %parallel_loop3A_376 {strides = array<i32>} : memref<32x1024xf32, #tpu.memory_space<vmem>>, vector<1x16xf32>,
        %parallel_loop3A_377 = arith.constant 24 : i32
        %parallel_loop3A_378 = arith.addi %parallel_loop3A_377, %parallel_loop3A_324 : i32
        %parallel_loop3A_379 = arith.index_cast %parallel_loop3A_378 : i32 to index
        %parallel_loop3A_380 = arith.index_cast %parallel_loop3A_330 : i32 to index
        %parallel_loop3A_381 = tpu.vector_load %arg10[%parallel_loop3A_379, %parallel_loop3A_380] {strides = array<i32>} : memref<32x1024xf32, #tpu.memory_space<vmem>>, vector<1x16xf32>,
        %parallel_loop3A_382 = vector.shape_cast %parallel_loop3A_381 : vector<1x16xf32> to vector<16xf32>
        %parallel_loop3A_383 = arith.addf %parallel_loop3A_382, %parallel_loop3A_334 : vector<16xf32>
        %parallel_loop3A_384 = arith.constant 24 : i32
        %parallel_loop3A_385 = arith.addi %parallel_loop3A_384, %parallel_loop3A_324 : i32
        %parallel_loop3A_386 = arith.index_cast %parallel_loop3A_385 : i32 to index
        %parallel_loop3A_387 = arith.index_cast %parallel_loop3A_330 : i32 to index
        %parallel_loop3A_388 = tpu.vector_load %arg10[%parallel_loop3A_386, %parallel_loop3A_387] {strides = array<i32>} : memref<32x1024xf32, #tpu.memory_space<vmem>>, vector<1x16xf32>,
        %parallel_loop3A_389 = vector.shape_cast %parallel_loop3A_388 : vector<1x16xf32> to vector<16xf32>
        %parallel_loop3A_390 = vector.shape_cast %parallel_loop3A_383 : vector<16xf32> to vector<1x16xf32>
        tpu.vector_store %arg10[%parallel_loop3A_386, %parallel_loop3A_387], %parallel_loop3A_390 {strides = array<i32>} : memref<32x1024xf32, #tpu.memory_space<vmem>>, vector<1x16xf32>,
      } {sc.loop_unroll_factor = 4 : i64, sc.parallel_access}
    } {sc.loop_unroll_factor = 1 : i64, sc.parallel_access}
    %dma_start3A_203 = arith.constant 4 : i32
    %dma_start3A_204 = arith.constant 0 : i32
    %dma_start3A_205 = tpu.memref_slice %arg8[%dma_start3A_203, %dma_start3A_204] : memref<8x32xi32, #tpu.memory_space<vmem>> -> memref<1x32xi32, #tpu.memory_space<vmem>>
    %dma_start3A_206 = tpu.memref_squeeze %dma_start3A_205 : memref<1x32xi32, #tpu.memory_space<vmem>> -> memref<32xi32, #tpu.memory_space<vmem>>
    %dma_start3A_207 = arith.constant 0 : i32
    %dma_start3A_208 = arith.constant 0 : i32
    %dma_start3A_209 = tpu.memref_slice %arg6[%dma_start3A_207, %dma_start3A_208] : memref<8192x1024xf32, #tpu.memory_space<hbm>> -> memref<8192x1024xf32, #tpu.memory_space<hbm>>
    tpu.enqueue_indirect_dma source(%arg10 : memref<32x1024xf32, #tpu.memory_space<vmem>>) target(%dma_start3A_209 : memref<8192x1024xf32, #tpu.memory_space<hbm>>) offsets(%dma_start3A_206 : memref<32xi32, #tpu.memory_space<vmem>>) semaphore(%arg20 : memref<!tpu.dma_semaphore, #tpu.memory_space<semaphore_mem>>)
    %add3A_210 = arith.constant 48 : i32
    %add3A_211 = arith.addi %mul3A_2, %add3A_210 : i32
    %dma_start3A_212 = arith.constant 0 : i32
    %dma_start3A_213 = tpu.memref_slice %arg5[%add3A_211, %dma_start3A_212] : memref<2048x1024xf32, #tpu.memory_space<hbm>> -> memref<8x1024xf32, #tpu.memory_space<hbm>>
    %dma_start3A_214 = arith.constant 0 : i32
    %dma_start3A_215 = tpu.memref_slice %arg5[%add3A_211, %dma_start3A_214] : memref<2048x1024xf32, #tpu.memory_space<hbm>> -> memref<8x1024xf32, #tpu.memory_space<hbm>>
    tpu.enqueue_dma source(%dma_start3A_215 : memref<8x1024xf32, #tpu.memory_space<hbm>>) target(%arg12 : memref<8x1024xf32, #tpu.memory_space<vmem>>) target_semaphore(%arg17 : memref<!tpu.dma_semaphore, #tpu.memory_space<semaphore_mem>>)
    %dma_wait3A_216 = arith.constant 3 : i32
    %dma_wait3A_217 = arith.constant 0 : i32
    %dma_wait3A_218 = tpu.memref_slice %arg8[%dma_wait3A_216, %dma_wait3A_217] : memref<8x32xi32, #tpu.memory_space<vmem>> -> memref<1x32xi32, #tpu.memory_space<vmem>>
    %dma_wait3A_219 = tpu.memref_squeeze %dma_wait3A_218 : memref<1x32xi32, #tpu.memory_space<vmem>> -> memref<32xi32, #tpu.memory_space<vmem>>
    %dma_wait3A_220 = arith.constant 0 : i32
    %dma_wait3A_221 = arith.constant 0 : i32
    %dma_wait3A_222 = tpu.memref_slice %arg6[%dma_wait3A_220, %dma_wait3A_221] : memref<8192x1024xf32, #tpu.memory_space<hbm>> -> memref<8192x1024xf32, #tpu.memory_space<hbm>>
    tpu.wait_indirect_dma semaphore(%arg19 : memref<!tpu.dma_semaphore, #tpu.memory_space<semaphore_mem>>) src(%arg9 : memref<32x1024xf32, #tpu.memory_space<vmem>>) dst(%dma_wait3A_222 : memref<8192x1024xf32, #tpu.memory_space<hbm>>)
    %dma_start3A_223 = arith.constant 192 : i32
    %dma_start3A_224 = tpu.memref_slice %arg7[%dma_start3A_223] : memref<256xi32, #tpu.memory_space<vmem>> -> memref<32xi32, #tpu.memory_space<vmem>>
    %dma_start3A_225 = arith.constant 0 : i32
    %dma_start3A_226 = arith.constant 0 : i32
    %dma_start3A_227 = tpu.memref_slice %arg4[%dma_start3A_225, %dma_start3A_226] : memref<100000x1024xf32, #tpu.memory_space<hbm>> -> memref<100000x1024xf32, #tpu.memory_space<hbm>>
    tpu.enqueue_indirect_dma source(%dma_start3A_227 : memref<100000x1024xf32, #tpu.memory_space<hbm>>) target(%arg9 : memref<32x1024xf32, #tpu.memory_space<vmem>>) offsets(%dma_start3A_224 : memref<32xi32, #tpu.memory_space<vmem>>) semaphore(%arg14 : memref<!tpu.dma_semaphore, #tpu.memory_space<semaphore_mem>>)
    %dma_wait3A_228 = arith.constant 160 : i32
    %dma_wait3A_229 = tpu.memref_slice %arg7[%dma_wait3A_228] : memref<256xi32, #tpu.memory_space<vmem>> -> memref<32xi32, #tpu.memory_space<vmem>>
    %dma_wait3A_230 = arith.constant 0 : i32
    %dma_wait3A_231 = arith.constant 0 : i32
    %dma_wait3A_232 = tpu.memref_slice %arg4[%dma_wait3A_230, %dma_wait3A_231] : memref<100000x1024xf32, #tpu.memory_space<hbm>> -> memref<100000x1024xf32, #tpu.memory_space<hbm>>
    tpu.wait_indirect_dma semaphore(%arg16 : memref<!tpu.dma_semaphore, #tpu.memory_space<semaphore_mem>>) src(%dma_wait3A_232 : memref<100000x1024xf32, #tpu.memory_space<hbm>>) dst(%arg11 : memref<32x1024xf32, #tpu.memory_space<vmem>>)
    %dma_wait3A_233 = arith.constant 0 : i32
    %dma_wait3A_234 = tpu.memref_slice %arg5[%add3A_174, %dma_wait3A_233] : memref<2048x1024xf32, #tpu.memory_space<hbm>> -> memref<8x1024xf32, #tpu.memory_space<hbm>>
    %dma_wait3A_235 = arith.constant 0 : i32
    %dma_wait3A_236 = tpu.memref_slice %arg5[%add3A_174, %dma_wait3A_235] : memref<2048x1024xf32, #tpu.memory_space<hbm>> -> memref<8x1024xf32, #tpu.memory_space<hbm>>
    tpu.wait_dma2 semaphore(%arg18 : memref<!tpu.dma_semaphore, #tpu.memory_space<semaphore_mem>>) src(%dma_wait3A_236 : memref<8x1024xf32, #tpu.memory_space<hbm>>) dst(%arg13 : memref<8x1024xf32, #tpu.memory_space<vmem>>)
    %parallel_loop3A_237 = arith.constant 0 : i32
    %parallel_loop3A_238 = arith.constant 8 : i32
    %parallel_loop3A_239 = arith.constant 1 : i32
    scf.for %parallel_loop3A_324 = %parallel_loop3A_237 to %parallel_loop3A_238 step %parallel_loop3A_239  : i32 {
      %parallel_loop3A_325 = arith.constant 0 : i32
      %parallel_loop3A_326 = arith.constant 64 : i32
      %parallel_loop3A_327 = arith.constant 1 : i32
      scf.for %parallel_loop3A_328 = %parallel_loop3A_325 to %parallel_loop3A_326 step %parallel_loop3A_327  : i32 {
        %parallel_loop3A_329 = arith.constant 16 : i32
        %parallel_loop3A_330 = arith.muli %parallel_loop3A_328, %parallel_loop3A_329 : i32
        %parallel_loop3A_331 = arith.index_cast %parallel_loop3A_324 : i32 to index
        %parallel_loop3A_332 = arith.index_cast %parallel_loop3A_330 : i32 to index
        %parallel_loop3A_333 = tpu.vector_load %arg13[%parallel_loop3A_331, %parallel_loop3A_332] {strides = array<i32>} : memref<8x1024xf32, #tpu.memory_space<vmem>>, vector<1x16xf32>,
        %parallel_loop3A_334 = vector.shape_cast %parallel_loop3A_333 : vector<1x16xf32> to vector<16xf32>
        %parallel_loop3A_335 = arith.constant 0 : i32
        %parallel_loop3A_336 = arith.addi %parallel_loop3A_335, %parallel_loop3A_324 : i32
        %parallel_loop3A_337 = arith.index_cast %parallel_loop3A_336 : i32 to index
        %parallel_loop3A_338 = arith.index_cast %parallel_loop3A_330 : i32 to index
        %parallel_loop3A_339 = tpu.vector_load %arg11[%parallel_loop3A_337, %parallel_loop3A_338] {strides = array<i32>} : memref<32x1024xf32, #tpu.memory_space<vmem>>, vector<1x16xf32>,
        %parallel_loop3A_340 = vector.shape_cast %parallel_loop3A_339 : vector<1x16xf32> to vector<16xf32>
        %parallel_loop3A_341 = arith.addf %parallel_loop3A_340, %parallel_loop3A_334 : vector<16xf32>
        %parallel_loop3A_342 = arith.constant 0 : i32
        %parallel_loop3A_343 = arith.addi %parallel_loop3A_342, %parallel_loop3A_324 : i32
        %parallel_loop3A_344 = arith.index_cast %parallel_loop3A_343 : i32 to index
        %parallel_loop3A_345 = arith.index_cast %parallel_loop3A_330 : i32 to index
        %parallel_loop3A_346 = tpu.vector_load %arg11[%parallel_loop3A_344, %parallel_loop3A_345] {strides = array<i32>} : memref<32x1024xf32, #tpu.memory_space<vmem>>, vector<1x16xf32>,
        %parallel_loop3A_347 = vector.shape_cast %parallel_loop3A_346 : vector<1x16xf32> to vector<16xf32>
        %parallel_loop3A_348 = vector.shape_cast %parallel_loop3A_341 : vector<16xf32> to vector<1x16xf32>
        tpu.vector_store %arg11[%parallel_loop3A_344, %parallel_loop3A_345], %parallel_loop3A_348 {strides = array<i32>} : memref<32x1024xf32, #tpu.memory_space<vmem>>, vector<1x16xf32>,
        %parallel_loop3A_349 = arith.constant 8 : i32
        %parallel_loop3A_350 = arith.addi %parallel_loop3A_349, %parallel_loop3A_324 : i32
        %parallel_loop3A_351 = arith.index_cast %parallel_loop3A_350 : i32 to index
        %parallel_loop3A_352 = arith.index_cast %parallel_loop3A_330 : i32 to index
        %parallel_loop3A_353 = tpu.vector_load %arg11[%parallel_loop3A_351, %parallel_loop3A_352] {strides = array<i32>} : memref<32x1024xf32, #tpu.memory_space<vmem>>, vector<1x16xf32>,
        %parallel_loop3A_354 = vector.shape_cast %parallel_loop3A_353 : vector<1x16xf32> to vector<16xf32>
        %parallel_loop3A_355 = arith.addf %parallel_loop3A_354, %parallel_loop3A_334 : vector<16xf32>
        %parallel_loop3A_356 = arith.constant 8 : i32
        %parallel_loop3A_357 = arith.addi %parallel_loop3A_356, %parallel_loop3A_324 : i32
        %parallel_loop3A_358 = arith.index_cast %parallel_loop3A_357 : i32 to index
        %parallel_loop3A_359 = arith.index_cast %parallel_loop3A_330 : i32 to index
        %parallel_loop3A_360 = tpu.vector_load %arg11[%parallel_loop3A_358, %parallel_loop3A_359] {strides = array<i32>} : memref<32x1024xf32, #tpu.memory_space<vmem>>, vector<1x16xf32>,
        %parallel_loop3A_361 = vector.shape_cast %parallel_loop3A_360 : vector<1x16xf32> to vector<16xf32>
        %parallel_loop3A_362 = vector.shape_cast %parallel_loop3A_355 : vector<16xf32> to vector<1x16xf32>
        tpu.vector_store %arg11[%parallel_loop3A_358, %parallel_loop3A_359], %parallel_loop3A_362 {strides = array<i32>} : memref<32x1024xf32, #tpu.memory_space<vmem>>, vector<1x16xf32>,
        %parallel_loop3A_363 = arith.constant 16 : i32
        %parallel_loop3A_364 = arith.addi %parallel_loop3A_363, %parallel_loop3A_324 : i32
        %parallel_loop3A_365 = arith.index_cast %parallel_loop3A_364 : i32 to index
        %parallel_loop3A_366 = arith.index_cast %parallel_loop3A_330 : i32 to index
        %parallel_loop3A_367 = tpu.vector_load %arg11[%parallel_loop3A_365, %parallel_loop3A_366] {strides = array<i32>} : memref<32x1024xf32, #tpu.memory_space<vmem>>, vector<1x16xf32>,
        %parallel_loop3A_368 = vector.shape_cast %parallel_loop3A_367 : vector<1x16xf32> to vector<16xf32>
        %parallel_loop3A_369 = arith.addf %parallel_loop3A_368, %parallel_loop3A_334 : vector<16xf32>
        %parallel_loop3A_370 = arith.constant 16 : i32
        %parallel_loop3A_371 = arith.addi %parallel_loop3A_370, %parallel_loop3A_324 : i32
        %parallel_loop3A_372 = arith.index_cast %parallel_loop3A_371 : i32 to index
        %parallel_loop3A_373 = arith.index_cast %parallel_loop3A_330 : i32 to index
        %parallel_loop3A_374 = tpu.vector_load %arg11[%parallel_loop3A_372, %parallel_loop3A_373] {strides = array<i32>} : memref<32x1024xf32, #tpu.memory_space<vmem>>, vector<1x16xf32>,
        %parallel_loop3A_375 = vector.shape_cast %parallel_loop3A_374 : vector<1x16xf32> to vector<16xf32>
        %parallel_loop3A_376 = vector.shape_cast %parallel_loop3A_369 : vector<16xf32> to vector<1x16xf32>
        tpu.vector_store %arg11[%parallel_loop3A_372, %parallel_loop3A_373], %parallel_loop3A_376 {strides = array<i32>} : memref<32x1024xf32, #tpu.memory_space<vmem>>, vector<1x16xf32>,
        %parallel_loop3A_377 = arith.constant 24 : i32
        %parallel_loop3A_378 = arith.addi %parallel_loop3A_377, %parallel_loop3A_324 : i32
        %parallel_loop3A_379 = arith.index_cast %parallel_loop3A_378 : i32 to index
        %parallel_loop3A_380 = arith.index_cast %parallel_loop3A_330 : i32 to index
        %parallel_loop3A_381 = tpu.vector_load %arg11[%parallel_loop3A_379, %parallel_loop3A_380] {strides = array<i32>} : memref<32x1024xf32, #tpu.memory_space<vmem>>, vector<1x16xf32>,
        %parallel_loop3A_382 = vector.shape_cast %parallel_loop3A_381 : vector<1x16xf32> to vector<16xf32>
        %parallel_loop3A_383 = arith.addf %parallel_loop3A_382, %parallel_loop3A_334 : vector<16xf32>
        %parallel_loop3A_384 = arith.constant 24 : i32
        %parallel_loop3A_385 = arith.addi %parallel_loop3A_384, %parallel_loop3A_324 : i32
        %parallel_loop3A_386 = arith.index_cast %parallel_loop3A_385 : i32 to index
        %parallel_loop3A_387 = arith.index_cast %parallel_loop3A_330 : i32 to index
        %parallel_loop3A_388 = tpu.vector_load %arg11[%parallel_loop3A_386, %parallel_loop3A_387] {strides = array<i32>} : memref<32x1024xf32, #tpu.memory_space<vmem>>, vector<1x16xf32>,
        %parallel_loop3A_389 = vector.shape_cast %parallel_loop3A_388 : vector<1x16xf32> to vector<16xf32>
        %parallel_loop3A_390 = vector.shape_cast %parallel_loop3A_383 : vector<16xf32> to vector<1x16xf32>
        tpu.vector_store %arg11[%parallel_loop3A_386, %parallel_loop3A_387], %parallel_loop3A_390 {strides = array<i32>} : memref<32x1024xf32, #tpu.memory_space<vmem>>, vector<1x16xf32>,
      } {sc.loop_unroll_factor = 4 : i64, sc.parallel_access}
    } {sc.loop_unroll_factor = 1 : i64, sc.parallel_access}
    %dma_start3A_240 = arith.constant 5 : i32
    %dma_start3A_241 = arith.constant 0 : i32
    %dma_start3A_242 = tpu.memref_slice %arg8[%dma_start3A_240, %dma_start3A_241] : memref<8x32xi32, #tpu.memory_space<vmem>> -> memref<1x32xi32, #tpu.memory_space<vmem>>
    %dma_start3A_243 = tpu.memref_squeeze %dma_start3A_242 : memref<1x32xi32, #tpu.memory_space<vmem>> -> memref<32xi32, #tpu.memory_space<vmem>>
    %dma_start3A_244 = arith.constant 0 : i32
    %dma_start3A_245 = arith.constant 0 : i32
    %dma_start3A_246 = tpu.memref_slice %arg6[%dma_start3A_244, %dma_start3A_245] : memref<8192x1024xf32, #tpu.memory_space<hbm>> -> memref<8192x1024xf32, #tpu.memory_space<hbm>>
    tpu.enqueue_indirect_dma source(%arg11 : memref<32x1024xf32, #tpu.memory_space<vmem>>) target(%dma_start3A_246 : memref<8192x1024xf32, #tpu.memory_space<hbm>>) offsets(%dma_start3A_243 : memref<32xi32, #tpu.memory_space<vmem>>) semaphore(%arg21 : memref<!tpu.dma_semaphore, #tpu.memory_space<semaphore_mem>>)
    %add3A_247 = arith.constant 56 : i32
    %add3A_248 = arith.addi %mul3A_2, %add3A_247 : i32
    %dma_start3A_249 = arith.constant 0 : i32
    %dma_start3A_250 = tpu.memref_slice %arg5[%add3A_248, %dma_start3A_249] : memref<2048x1024xf32, #tpu.memory_space<hbm>> -> memref<8x1024xf32, #tpu.memory_space<hbm>>
    %dma_start3A_251 = arith.constant 0 : i32
    %dma_start3A_252 = tpu.memref_slice %arg5[%add3A_248, %dma_start3A_251] : memref<2048x1024xf32, #tpu.memory_space<hbm>> -> memref<8x1024xf32, #tpu.memory_space<hbm>>
    tpu.enqueue_dma source(%dma_start3A_252 : memref<8x1024xf32, #tpu.memory_space<hbm>>) target(%arg13 : memref<8x1024xf32, #tpu.memory_space<vmem>>) target_semaphore(%arg18 : memref<!tpu.dma_semaphore, #tpu.memory_space<semaphore_mem>>)
    %dma_wait3A_253 = arith.constant 4 : i32
    %dma_wait3A_254 = arith.constant 0 : i32
    %dma_wait3A_255 = tpu.memref_slice %arg8[%dma_wait3A_253, %dma_wait3A_254] : memref<8x32xi32, #tpu.memory_space<vmem>> -> memref<1x32xi32, #tpu.memory_space<vmem>>
    %dma_wait3A_256 = tpu.memref_squeeze %dma_wait3A_255 : memref<1x32xi32, #tpu.memory_space<vmem>> -> memref<32xi32, #tpu.memory_space<vmem>>
    %dma_wait3A_257 = arith.constant 0 : i32
    %dma_wait3A_258 = arith.constant 0 : i32
    %dma_wait3A_259 = tpu.memref_slice %arg6[%dma_wait3A_257, %dma_wait3A_258] : memref<8192x1024xf32, #tpu.memory_space<hbm>> -> memref<8192x1024xf32, #tpu.memory_space<hbm>>
    tpu.wait_indirect_dma semaphore(%arg20 : memref<!tpu.dma_semaphore, #tpu.memory_space<semaphore_mem>>) src(%arg10 : memref<32x1024xf32, #tpu.memory_space<vmem>>) dst(%dma_wait3A_259 : memref<8192x1024xf32, #tpu.memory_space<hbm>>)
    %dma_start3A_260 = arith.constant 224 : i32
    %dma_start3A_261 = tpu.memref_slice %arg7[%dma_start3A_260] : memref<256xi32, #tpu.memory_space<vmem>> -> memref<32xi32, #tpu.memory_space<vmem>>
    %dma_start3A_262 = arith.constant 0 : i32
    %dma_start3A_263 = arith.constant 0 : i32
    %dma_start3A_264 = tpu.memref_slice %arg4[%dma_start3A_262, %dma_start3A_263] : memref<100000x1024xf32, #tpu.memory_space<hbm>> -> memref<100000x1024xf32, #tpu.memory_space<hbm>>
    tpu.enqueue_indirect_dma source(%dma_start3A_264 : memref<100000x1024xf32, #tpu.memory_space<hbm>>) target(%arg10 : memref<32x1024xf32, #tpu.memory_space<vmem>>) offsets(%dma_start3A_261 : memref<32xi32, #tpu.memory_space<vmem>>) semaphore(%arg15 : memref<!tpu.dma_semaphore, #tpu.memory_space<semaphore_mem>>)
    %dma_wait3A_265 = arith.constant 192 : i32
    %dma_wait3A_266 = tpu.memref_slice %arg7[%dma_wait3A_265] : memref<256xi32, #tpu.memory_space<vmem>> -> memref<32xi32, #tpu.memory_space<vmem>>
    %dma_wait3A_267 = arith.constant 0 : i32
    %dma_wait3A_268 = arith.constant 0 : i32
    %dma_wait3A_269 = tpu.memref_slice %arg4[%dma_wait3A_267, %dma_wait3A_268] : memref<100000x1024xf32, #tpu.memory_space<hbm>> -> memref<100000x1024xf32, #tpu.memory_space<hbm>>
    tpu.wait_indirect_dma semaphore(%arg14 : memref<!tpu.dma_semaphore, #tpu.memory_space<semaphore_mem>>) src(%dma_wait3A_269 : memref<100000x1024xf32, #tpu.memory_space<hbm>>) dst(%arg9 : memref<32x1024xf32, #tpu.memory_space<vmem>>)
    %dma_wait3A_270 = arith.constant 0 : i32
    %dma_wait3A_271 = tpu.memref_slice %arg5[%add3A_211, %dma_wait3A_270] : memref<2048x1024xf32, #tpu.memory_space<hbm>> -> memref<8x1024xf32, #tpu.memory_space<hbm>>
    %dma_wait3A_272 = arith.constant 0 : i32
    %dma_wait3A_273 = tpu.memref_slice %arg5[%add3A_211, %dma_wait3A_272] : memref<2048x1024xf32, #tpu.memory_space<hbm>> -> memref<8x1024xf32, #tpu.memory_space<hbm>>
    tpu.wait_dma2 semaphore(%arg17 : memref<!tpu.dma_semaphore, #tpu.memory_space<semaphore_mem>>) src(%dma_wait3A_273 : memref<8x1024xf32, #tpu.memory_space<hbm>>) dst(%arg12 : memref<8x1024xf32, #tpu.memory_space<vmem>>)
    %parallel_loop3A_274 = arith.constant 0 : i32
    %parallel_loop3A_275 = arith.constant 8 : i32
    %parallel_loop3A_276 = arith.constant 1 : i32
    scf.for %parallel_loop3A_324 = %parallel_loop3A_274 to %parallel_loop3A_275 step %parallel_loop3A_276  : i32 {
      %parallel_loop3A_325 = arith.constant 0 : i32
      %parallel_loop3A_326 = arith.constant 64 : i32
      %parallel_loop3A_327 = arith.constant 1 : i32
      scf.for %parallel_loop3A_328 = %parallel_loop3A_325 to %parallel_loop3A_326 step %parallel_loop3A_327  : i32 {
        %parallel_loop3A_329 = arith.constant 16 : i32
        %parallel_loop3A_330 = arith.muli %parallel_loop3A_328, %parallel_loop3A_329 : i32
        %parallel_loop3A_331 = arith.index_cast %parallel_loop3A_324 : i32 to index
        %parallel_loop3A_332 = arith.index_cast %parallel_loop3A_330 : i32 to index
        %parallel_loop3A_333 = tpu.vector_load %arg12[%parallel_loop3A_331, %parallel_loop3A_332] {strides = array<i32>} : memref<8x1024xf32, #tpu.memory_space<vmem>>, vector<1x16xf32>,
        %parallel_loop3A_334 = vector.shape_cast %parallel_loop3A_333 : vector<1x16xf32> to vector<16xf32>
        %parallel_loop3A_335 = arith.constant 0 : i32
        %parallel_loop3A_336 = arith.addi %parallel_loop3A_335, %parallel_loop3A_324 : i32
        %parallel_loop3A_337 = arith.index_cast %parallel_loop3A_336 : i32 to index
        %parallel_loop3A_338 = arith.index_cast %parallel_loop3A_330 : i32 to index
        %parallel_loop3A_339 = tpu.vector_load %arg9[%parallel_loop3A_337, %parallel_loop3A_338] {strides = array<i32>} : memref<32x1024xf32, #tpu.memory_space<vmem>>, vector<1x16xf32>,
        %parallel_loop3A_340 = vector.shape_cast %parallel_loop3A_339 : vector<1x16xf32> to vector<16xf32>
        %parallel_loop3A_341 = arith.addf %parallel_loop3A_340, %parallel_loop3A_334 : vector<16xf32>
        %parallel_loop3A_342 = arith.constant 0 : i32
        %parallel_loop3A_343 = arith.addi %parallel_loop3A_342, %parallel_loop3A_324 : i32
        %parallel_loop3A_344 = arith.index_cast %parallel_loop3A_343 : i32 to index
        %parallel_loop3A_345 = arith.index_cast %parallel_loop3A_330 : i32 to index
        %parallel_loop3A_346 = tpu.vector_load %arg9[%parallel_loop3A_344, %parallel_loop3A_345] {strides = array<i32>} : memref<32x1024xf32, #tpu.memory_space<vmem>>, vector<1x16xf32>,
        %parallel_loop3A_347 = vector.shape_cast %parallel_loop3A_346 : vector<1x16xf32> to vector<16xf32>
        %parallel_loop3A_348 = vector.shape_cast %parallel_loop3A_341 : vector<16xf32> to vector<1x16xf32>
        tpu.vector_store %arg9[%parallel_loop3A_344, %parallel_loop3A_345], %parallel_loop3A_348 {strides = array<i32>} : memref<32x1024xf32, #tpu.memory_space<vmem>>, vector<1x16xf32>,
        %parallel_loop3A_349 = arith.constant 8 : i32
        %parallel_loop3A_350 = arith.addi %parallel_loop3A_349, %parallel_loop3A_324 : i32
        %parallel_loop3A_351 = arith.index_cast %parallel_loop3A_350 : i32 to index
        %parallel_loop3A_352 = arith.index_cast %parallel_loop3A_330 : i32 to index
        %parallel_loop3A_353 = tpu.vector_load %arg9[%parallel_loop3A_351, %parallel_loop3A_352] {strides = array<i32>} : memref<32x1024xf32, #tpu.memory_space<vmem>>, vector<1x16xf32>,
        %parallel_loop3A_354 = vector.shape_cast %parallel_loop3A_353 : vector<1x16xf32> to vector<16xf32>
        %parallel_loop3A_355 = arith.addf %parallel_loop3A_354, %parallel_loop3A_334 : vector<16xf32>
        %parallel_loop3A_356 = arith.constant 8 : i32
        %parallel_loop3A_357 = arith.addi %parallel_loop3A_356, %parallel_loop3A_324 : i32
        %parallel_loop3A_358 = arith.index_cast %parallel_loop3A_357 : i32 to index
        %parallel_loop3A_359 = arith.index_cast %parallel_loop3A_330 : i32 to index
        %parallel_loop3A_360 = tpu.vector_load %arg9[%parallel_loop3A_358, %parallel_loop3A_359] {strides = array<i32>} : memref<32x1024xf32, #tpu.memory_space<vmem>>, vector<1x16xf32>,
        %parallel_loop3A_361 = vector.shape_cast %parallel_loop3A_360 : vector<1x16xf32> to vector<16xf32>
        %parallel_loop3A_362 = vector.shape_cast %parallel_loop3A_355 : vector<16xf32> to vector<1x16xf32>
        tpu.vector_store %arg9[%parallel_loop3A_358, %parallel_loop3A_359], %parallel_loop3A_362 {strides = array<i32>} : memref<32x1024xf32, #tpu.memory_space<vmem>>, vector<1x16xf32>,
        %parallel_loop3A_363 = arith.constant 16 : i32
        %parallel_loop3A_364 = arith.addi %parallel_loop3A_363, %parallel_loop3A_324 : i32
        %parallel_loop3A_365 = arith.index_cast %parallel_loop3A_364 : i32 to index
        %parallel_loop3A_366 = arith.index_cast %parallel_loop3A_330 : i32 to index
        %parallel_loop3A_367 = tpu.vector_load %arg9[%parallel_loop3A_365, %parallel_loop3A_366] {strides = array<i32>} : memref<32x1024xf32, #tpu.memory_space<vmem>>, vector<1x16xf32>,
        %parallel_loop3A_368 = vector.shape_cast %parallel_loop3A_367 : vector<1x16xf32> to vector<16xf32>
        %parallel_loop3A_369 = arith.addf %parallel_loop3A_368, %parallel_loop3A_334 : vector<16xf32>
        %parallel_loop3A_370 = arith.constant 16 : i32
        %parallel_loop3A_371 = arith.addi %parallel_loop3A_370, %parallel_loop3A_324 : i32
        %parallel_loop3A_372 = arith.index_cast %parallel_loop3A_371 : i32 to index
        %parallel_loop3A_373 = arith.index_cast %parallel_loop3A_330 : i32 to index
        %parallel_loop3A_374 = tpu.vector_load %arg9[%parallel_loop3A_372, %parallel_loop3A_373] {strides = array<i32>} : memref<32x1024xf32, #tpu.memory_space<vmem>>, vector<1x16xf32>,
        %parallel_loop3A_375 = vector.shape_cast %parallel_loop3A_374 : vector<1x16xf32> to vector<16xf32>
        %parallel_loop3A_376 = vector.shape_cast %parallel_loop3A_369 : vector<16xf32> to vector<1x16xf32>
        tpu.vector_store %arg9[%parallel_loop3A_372, %parallel_loop3A_373], %parallel_loop3A_376 {strides = array<i32>} : memref<32x1024xf32, #tpu.memory_space<vmem>>, vector<1x16xf32>,
        %parallel_loop3A_377 = arith.constant 24 : i32
        %parallel_loop3A_378 = arith.addi %parallel_loop3A_377, %parallel_loop3A_324 : i32
        %parallel_loop3A_379 = arith.index_cast %parallel_loop3A_378 : i32 to index
        %parallel_loop3A_380 = arith.index_cast %parallel_loop3A_330 : i32 to index
        %parallel_loop3A_381 = tpu.vector_load %arg9[%parallel_loop3A_379, %parallel_loop3A_380] {strides = array<i32>} : memref<32x1024xf32, #tpu.memory_space<vmem>>, vector<1x16xf32>,
        %parallel_loop3A_382 = vector.shape_cast %parallel_loop3A_381 : vector<1x16xf32> to vector<16xf32>
        %parallel_loop3A_383 = arith.addf %parallel_loop3A_382, %parallel_loop3A_334 : vector<16xf32>
        %parallel_loop3A_384 = arith.constant 24 : i32
        %parallel_loop3A_385 = arith.addi %parallel_loop3A_384, %parallel_loop3A_324 : i32
        %parallel_loop3A_386 = arith.index_cast %parallel_loop3A_385 : i32 to index
        %parallel_loop3A_387 = arith.index_cast %parallel_loop3A_330 : i32 to index
        %parallel_loop3A_388 = tpu.vector_load %arg9[%parallel_loop3A_386, %parallel_loop3A_387] {strides = array<i32>} : memref<32x1024xf32, #tpu.memory_space<vmem>>, vector<1x16xf32>,
        %parallel_loop3A_389 = vector.shape_cast %parallel_loop3A_388 : vector<1x16xf32> to vector<16xf32>
        %parallel_loop3A_390 = vector.shape_cast %parallel_loop3A_383 : vector<16xf32> to vector<1x16xf32>
        tpu.vector_store %arg9[%parallel_loop3A_386, %parallel_loop3A_387], %parallel_loop3A_390 {strides = array<i32>} : memref<32x1024xf32, #tpu.memory_space<vmem>>, vector<1x16xf32>,
      } {sc.loop_unroll_factor = 4 : i64, sc.parallel_access}
    } {sc.loop_unroll_factor = 1 : i64, sc.parallel_access}
    %dma_start3A_277 = arith.constant 6 : i32
    %dma_start3A_278 = arith.constant 0 : i32
    %dma_start3A_279 = tpu.memref_slice %arg8[%dma_start3A_277, %dma_start3A_278] : memref<8x32xi32, #tpu.memory_space<vmem>> -> memref<1x32xi32, #tpu.memory_space<vmem>>
    %dma_start3A_280 = tpu.memref_squeeze %dma_start3A_279 : memref<1x32xi32, #tpu.memory_space<vmem>> -> memref<32xi32, #tpu.memory_space<vmem>>
    %dma_start3A_281 = arith.constant 0 : i32
    %dma_start3A_282 = arith.constant 0 : i32
    %dma_start3A_283 = tpu.memref_slice %arg6[%dma_start3A_281, %dma_start3A_282] : memref<8192x1024xf32, #tpu.memory_space<hbm>> -> memref<8192x1024xf32, #tpu.memory_space<hbm>>
    tpu.enqueue_indirect_dma source(%arg9 : memref<32x1024xf32, #tpu.memory_space<vmem>>) target(%dma_start3A_283 : memref<8192x1024xf32, #tpu.memory_space<hbm>>) offsets(%dma_start3A_280 : memref<32xi32, #tpu.memory_space<vmem>>) semaphore(%arg19 : memref<!tpu.dma_semaphore, #tpu.memory_space<semaphore_mem>>)
    %dma_wait3A_284 = arith.constant 224 : i32
    %dma_wait3A_285 = tpu.memref_slice %arg7[%dma_wait3A_284] : memref<256xi32, #tpu.memory_space<vmem>> -> memref<32xi32, #tpu.memory_space<vmem>>
    %dma_wait3A_286 = arith.constant 0 : i32
    %dma_wait3A_287 = arith.constant 0 : i32
    %dma_wait3A_288 = tpu.memref_slice %arg4[%dma_wait3A_286, %dma_wait3A_287] : memref<100000x1024xf32, #tpu.memory_space<hbm>> -> memref<100000x1024xf32, #tpu.memory_space<hbm>>
    tpu.wait_indirect_dma semaphore(%arg15 : memref<!tpu.dma_semaphore, #tpu.memory_space<semaphore_mem>>) src(%dma_wait3A_288 : memref<100000x1024xf32, #tpu.memory_space<hbm>>) dst(%arg10 : memref<32x1024xf32, #tpu.memory_space<vmem>>)
    %dma_wait3A_289 = arith.constant 0 : i32
    %dma_wait3A_290 = tpu.memref_slice %arg5[%add3A_248, %dma_wait3A_289] : memref<2048x1024xf32, #tpu.memory_space<hbm>> -> memref<8x1024xf32, #tpu.memory_space<hbm>>
    %dma_wait3A_291 = arith.constant 0 : i32
    %dma_wait3A_292 = tpu.memref_slice %arg5[%add3A_248, %dma_wait3A_291] : memref<2048x1024xf32, #tpu.memory_space<hbm>> -> memref<8x1024xf32, #tpu.memory_space<hbm>>
    tpu.wait_dma2 semaphore(%arg18 : memref<!tpu.dma_semaphore, #tpu.memory_space<semaphore_mem>>) src(%dma_wait3A_292 : memref<8x1024xf32, #tpu.memory_space<hbm>>) dst(%arg13 : memref<8x1024xf32, #tpu.memory_space<vmem>>)
    %parallel_loop3A_293 = arith.constant 0 : i32
    %parallel_loop3A_294 = arith.constant 8 : i32
    %parallel_loop3A_295 = arith.constant 1 : i32
    scf.for %parallel_loop3A_324 = %parallel_loop3A_293 to %parallel_loop3A_294 step %parallel_loop3A_295  : i32 {
      %parallel_loop3A_325 = arith.constant 0 : i32
      %parallel_loop3A_326 = arith.constant 64 : i32
      %parallel_loop3A_327 = arith.constant 1 : i32
      scf.for %parallel_loop3A_328 = %parallel_loop3A_325 to %parallel_loop3A_326 step %parallel_loop3A_327  : i32 {
        %parallel_loop3A_329 = arith.constant 16 : i32
        %parallel_loop3A_330 = arith.muli %parallel_loop3A_328, %parallel_loop3A_329 : i32
        %parallel_loop3A_331 = arith.index_cast %parallel_loop3A_324 : i32 to index
        %parallel_loop3A_332 = arith.index_cast %parallel_loop3A_330 : i32 to index
        %parallel_loop3A_333 = tpu.vector_load %arg13[%parallel_loop3A_331, %parallel_loop3A_332] {strides = array<i32>} : memref<8x1024xf32, #tpu.memory_space<vmem>>, vector<1x16xf32>,
        %parallel_loop3A_334 = vector.shape_cast %parallel_loop3A_333 : vector<1x16xf32> to vector<16xf32>
        %parallel_loop3A_335 = arith.constant 0 : i32
        %parallel_loop3A_336 = arith.addi %parallel_loop3A_335, %parallel_loop3A_324 : i32
        %parallel_loop3A_337 = arith.index_cast %parallel_loop3A_336 : i32 to index
        %parallel_loop3A_338 = arith.index_cast %parallel_loop3A_330 : i32 to index
        %parallel_loop3A_339 = tpu.vector_load %arg10[%parallel_loop3A_337, %parallel_loop3A_338] {strides = array<i32>} : memref<32x1024xf32, #tpu.memory_space<vmem>>, vector<1x16xf32>,
        %parallel_loop3A_340 = vector.shape_cast %parallel_loop3A_339 : vector<1x16xf32> to vector<16xf32>
        %parallel_loop3A_341 = arith.addf %parallel_loop3A_340, %parallel_loop3A_334 : vector<16xf32>
        %parallel_loop3A_342 = arith.constant 0 : i32
        %parallel_loop3A_343 = arith.addi %parallel_loop3A_342, %parallel_loop3A_324 : i32
        %parallel_loop3A_344 = arith.index_cast %parallel_loop3A_343 : i32 to index
        %parallel_loop3A_345 = arith.index_cast %parallel_loop3A_330 : i32 to index
        %parallel_loop3A_346 = tpu.vector_load %arg10[%parallel_loop3A_344, %parallel_loop3A_345] {strides = array<i32>} : memref<32x1024xf32, #tpu.memory_space<vmem>>, vector<1x16xf32>,
        %parallel_loop3A_347 = vector.shape_cast %parallel_loop3A_346 : vector<1x16xf32> to vector<16xf32>
        %parallel_loop3A_348 = vector.shape_cast %parallel_loop3A_341 : vector<16xf32> to vector<1x16xf32>
        tpu.vector_store %arg10[%parallel_loop3A_344, %parallel_loop3A_345], %parallel_loop3A_348 {strides = array<i32>} : memref<32x1024xf32, #tpu.memory_space<vmem>>, vector<1x16xf32>,
        %parallel_loop3A_349 = arith.constant 8 : i32
        %parallel_loop3A_350 = arith.addi %parallel_loop3A_349, %parallel_loop3A_324 : i32
        %parallel_loop3A_351 = arith.index_cast %parallel_loop3A_350 : i32 to index
        %parallel_loop3A_352 = arith.index_cast %parallel_loop3A_330 : i32 to index
        %parallel_loop3A_353 = tpu.vector_load %arg10[%parallel_loop3A_351, %parallel_loop3A_352] {strides = array<i32>} : memref<32x1024xf32, #tpu.memory_space<vmem>>, vector<1x16xf32>,
        %parallel_loop3A_354 = vector.shape_cast %parallel_loop3A_353 : vector<1x16xf32> to vector<16xf32>
        %parallel_loop3A_355 = arith.addf %parallel_loop3A_354, %parallel_loop3A_334 : vector<16xf32>
        %parallel_loop3A_356 = arith.constant 8 : i32
        %parallel_loop3A_357 = arith.addi %parallel_loop3A_356, %parallel_loop3A_324 : i32
        %parallel_loop3A_358 = arith.index_cast %parallel_loop3A_357 : i32 to index
        %parallel_loop3A_359 = arith.index_cast %parallel_loop3A_330 : i32 to index
        %parallel_loop3A_360 = tpu.vector_load %arg10[%parallel_loop3A_358, %parallel_loop3A_359] {strides = array<i32>} : memref<32x1024xf32, #tpu.memory_space<vmem>>, vector<1x16xf32>,
        %parallel_loop3A_361 = vector.shape_cast %parallel_loop3A_360 : vector<1x16xf32> to vector<16xf32>
        %parallel_loop3A_362 = vector.shape_cast %parallel_loop3A_355 : vector<16xf32> to vector<1x16xf32>
        tpu.vector_store %arg10[%parallel_loop3A_358, %parallel_loop3A_359], %parallel_loop3A_362 {strides = array<i32>} : memref<32x1024xf32, #tpu.memory_space<vmem>>, vector<1x16xf32>,
        %parallel_loop3A_363 = arith.constant 16 : i32
        %parallel_loop3A_364 = arith.addi %parallel_loop3A_363, %parallel_loop3A_324 : i32
        %parallel_loop3A_365 = arith.index_cast %parallel_loop3A_364 : i32 to index
        %parallel_loop3A_366 = arith.index_cast %parallel_loop3A_330 : i32 to index
        %parallel_loop3A_367 = tpu.vector_load %arg10[%parallel_loop3A_365, %parallel_loop3A_366] {strides = array<i32>} : memref<32x1024xf32, #tpu.memory_space<vmem>>, vector<1x16xf32>,
        %parallel_loop3A_368 = vector.shape_cast %parallel_loop3A_367 : vector<1x16xf32> to vector<16xf32>
        %parallel_loop3A_369 = arith.addf %parallel_loop3A_368, %parallel_loop3A_334 : vector<16xf32>
        %parallel_loop3A_370 = arith.constant 16 : i32
        %parallel_loop3A_371 = arith.addi %parallel_loop3A_370, %parallel_loop3A_324 : i32
        %parallel_loop3A_372 = arith.index_cast %parallel_loop3A_371 : i32 to index
        %parallel_loop3A_373 = arith.index_cast %parallel_loop3A_330 : i32 to index
        %parallel_loop3A_374 = tpu.vector_load %arg10[%parallel_loop3A_372, %parallel_loop3A_373] {strides = array<i32>} : memref<32x1024xf32, #tpu.memory_space<vmem>>, vector<1x16xf32>,
        %parallel_loop3A_375 = vector.shape_cast %parallel_loop3A_374 : vector<1x16xf32> to vector<16xf32>
        %parallel_loop3A_376 = vector.shape_cast %parallel_loop3A_369 : vector<16xf32> to vector<1x16xf32>
        tpu.vector_store %arg10[%parallel_loop3A_372, %parallel_loop3A_373], %parallel_loop3A_376 {strides = array<i32>} : memref<32x1024xf32, #tpu.memory_space<vmem>>, vector<1x16xf32>,
        %parallel_loop3A_377 = arith.constant 24 : i32
        %parallel_loop3A_378 = arith.addi %parallel_loop3A_377, %parallel_loop3A_324 : i32
        %parallel_loop3A_379 = arith.index_cast %parallel_loop3A_378 : i32 to index
        %parallel_loop3A_380 = arith.index_cast %parallel_loop3A_330 : i32 to index
        %parallel_loop3A_381 = tpu.vector_load %arg10[%parallel_loop3A_379, %parallel_loop3A_380] {strides = array<i32>} : memref<32x1024xf32, #tpu.memory_space<vmem>>, vector<1x16xf32>,
        %parallel_loop3A_382 = vector.shape_cast %parallel_loop3A_381 : vector<1x16xf32> to vector<16xf32>
        %parallel_loop3A_383 = arith.addf %parallel_loop3A_382, %parallel_loop3A_334 : vector<16xf32>
        %parallel_loop3A_384 = arith.constant 24 : i32
        %parallel_loop3A_385 = arith.addi %parallel_loop3A_384, %parallel_loop3A_324 : i32
        %parallel_loop3A_386 = arith.index_cast %parallel_loop3A_385 : i32 to index
        %parallel_loop3A_387 = arith.index_cast %parallel_loop3A_330 : i32 to index
        %parallel_loop3A_388 = tpu.vector_load %arg10[%parallel_loop3A_386, %parallel_loop3A_387] {strides = array<i32>} : memref<32x1024xf32, #tpu.memory_space<vmem>>, vector<1x16xf32>,
        %parallel_loop3A_389 = vector.shape_cast %parallel_loop3A_388 : vector<1x16xf32> to vector<16xf32>
        %parallel_loop3A_390 = vector.shape_cast %parallel_loop3A_383 : vector<16xf32> to vector<1x16xf32>
        tpu.vector_store %arg10[%parallel_loop3A_386, %parallel_loop3A_387], %parallel_loop3A_390 {strides = array<i32>} : memref<32x1024xf32, #tpu.memory_space<vmem>>, vector<1x16xf32>,
      } {sc.loop_unroll_factor = 4 : i64, sc.parallel_access}
    } {sc.loop_unroll_factor = 1 : i64, sc.parallel_access}
    %dma_start3A_296 = arith.constant 7 : i32
    %dma_start3A_297 = arith.constant 0 : i32
    %dma_start3A_298 = tpu.memref_slice %arg8[%dma_start3A_296, %dma_start3A_297] : memref<8x32xi32, #tpu.memory_space<vmem>> -> memref<1x32xi32, #tpu.memory_space<vmem>>
    %dma_start3A_299 = tpu.memref_squeeze %dma_start3A_298 : memref<1x32xi32, #tpu.memory_space<vmem>> -> memref<32xi32, #tpu.memory_space<vmem>>
    %dma_start3A_300 = arith.constant 0 : i32
    %dma_start3A_301 = arith.constant 0 : i32
    %dma_start3A_302 = tpu.memref_slice %arg6[%dma_start3A_300, %dma_start3A_301] : memref<8192x1024xf32, #tpu.memory_space<hbm>> -> memref<8192x1024xf32, #tpu.memory_space<hbm>>
    tpu.enqueue_indirect_dma source(%arg10 : memref<32x1024xf32, #tpu.memory_space<vmem>>) target(%dma_start3A_302 : memref<8192x1024xf32, #tpu.memory_space<hbm>>) offsets(%dma_start3A_299 : memref<32xi32, #tpu.memory_space<vmem>>) semaphore(%arg20 : memref<!tpu.dma_semaphore, #tpu.memory_space<semaphore_mem>>)
    %dma_wait3A_303 = arith.constant 5 : i32
    %dma_wait3A_304 = arith.constant 0 : i32
    %dma_wait3A_305 = tpu.memref_slice %arg8[%dma_wait3A_303, %dma_wait3A_304] : memref<8x32xi32, #tpu.memory_space<vmem>> -> memref<1x32xi32, #tpu.memory_space<vmem>>
    %dma_wait3A_306 = tpu.memref_squeeze %dma_wait3A_305 : memref<1x32xi32, #tpu.memory_space<vmem>> -> memref<32xi32, #tpu.memory_space<vmem>>
    %dma_wait3A_307 = arith.constant 0 : i32
    %dma_wait3A_308 = arith.constant 0 : i32
    %dma_wait3A_309 = tpu.memref_slice %arg6[%dma_wait3A_307, %dma_wait3A_308] : memref<8192x1024xf32, #tpu.memory_space<hbm>> -> memref<8192x1024xf32, #tpu.memory_space<hbm>>
    tpu.wait_indirect_dma semaphore(%arg21 : memref<!tpu.dma_semaphore, #tpu.memory_space<semaphore_mem>>) src(%arg11 : memref<32x1024xf32, #tpu.memory_space<vmem>>) dst(%dma_wait3A_309 : memref<8192x1024xf32, #tpu.memory_space<hbm>>)
    %dma_wait3A_310 = arith.constant 6 : i32
    %dma_wait3A_311 = arith.constant 0 : i32
    %dma_wait3A_312 = tpu.memref_slice %arg8[%dma_wait3A_310, %dma_wait3A_311] : memref<8x32xi32, #tpu.memory_space<vmem>> -> memref<1x32xi32, #tpu.memory_space<vmem>>
    %dma_wait3A_313 = tpu.memref_squeeze %dma_wait3A_312 : memref<1x32xi32, #tpu.memory_space<vmem>> -> memref<32xi32, #tpu.memory_space<vmem>>
    %dma_wait3A_314 = arith.constant 0 : i32
    %dma_wait3A_315 = arith.constant 0 : i32
    %dma_wait3A_316 = tpu.memref_slice %arg6[%dma_wait3A_314, %dma_wait3A_315] : memref<8192x1024xf32, #tpu.memory_space<hbm>> -> memref<8192x1024xf32, #tpu.memory_space<hbm>>
    tpu.wait_indirect_dma semaphore(%arg19 : memref<!tpu.dma_semaphore, #tpu.memory_space<semaphore_mem>>) src(%arg9 : memref<32x1024xf32, #tpu.memory_space<vmem>>) dst(%dma_wait3A_316 : memref<8192x1024xf32, #tpu.memory_space<hbm>>)
    %dma_wait3A_317 = arith.constant 7 : i32
    %dma_wait3A_318 = arith.constant 0 : i32
    %dma_wait3A_319 = tpu.memref_slice %arg8[%dma_wait3A_317, %dma_wait3A_318] : memref<8x32xi32, #tpu.memory_space<vmem>> -> memref<1x32xi32, #tpu.memory_space<vmem>>
    %dma_wait3A_320 = tpu.memref_squeeze %dma_wait3A_319 : memref<1x32xi32, #tpu.memory_space<vmem>> -> memref<32xi32, #tpu.memory_space<vmem>>
    %dma_wait3A_321 = arith.constant 0 : i32
    %dma_wait3A_322 = arith.constant 0 : i32
    %dma_wait3A_323 = tpu.memref_slice %arg6[%dma_wait3A_321, %dma_wait3A_322] : memref<8192x1024xf32, #tpu.memory_space<hbm>> -> memref<8192x1024xf32, #tpu.memory_space<hbm>>
    tpu.wait_indirect_dma semaphore(%arg20 : memref<!tpu.dma_semaphore, #tpu.memory_space<semaphore_mem>>) src(%arg10 : memref<32x1024xf32, #tpu.memory_space<vmem>>) dst(%dma_wait3A_323 : memref<8192x1024xf32, #tpu.memory_space<hbm>>)
    return
  }
}

</mosaic_0001>

<sc_bundles>
// kernel: kernel.3.cloned.1.call-start
scs
__scs_entry_jumppad:
0x0: {  	(pc) =	sbr.rel $0x88, $3  }
0x1: {  	(tag) =	ssettag $0x0;
	lr =	simm.s32 $0x1  }
0x2: {  	[smem:$0x3F9E] =	sst lr;
	_ =	strace $0xD0000000  }
0x3: {  	_ = 	snop  }
0x4: {  	_ = 	snop  }
0x5: {  	_ = 	snop  }
0x6: {  	_ = 	snop  }
0x7: {  	_ = 	snop  }
__scs_overlays_trampoline_lowered:
0x8: {  	[smem:$0x3FAD] =	sst s0  }
0x9: {  	[smem:$0x3FAE] =	sst s1  }
0xa: {  	[smem:$0x3FAF] =	sst s2  }
0xb: {  	[smem:$0x3FB0] =	sst s3  }
0xc: {  	[smem:$0x3FB1] =	sst s4  }
0xd: {  	[smem:$0x3FB2] =	sst s5  }
0xe: {  	[smem:$0x3FB3] =	sst s6  }
0xf: {  	[smem:$0x3FB4] =	sst s7  }
0x10: {  	[smem:$0x3FB5] =	sst s8  }
0x11: {  	[smem:$0x3FB6] =	sst s9;
	s0 =	simm.s32 @!p0 $0x0  }
0x12: {  	s1 =	sld [smem:$0x3F9C];
	s0 =	simm.s32 @p0 $0x1  }
0x13: {  	[smem:$0x3FB7] =	sst s0;
	s0 =	simm.s32 @!p1 $0x0  }
0x14: {  	s2 =	sld [smem:$0x3F9B];
	s0 =	simm.s32 @p1 $0x1  }
0x15: {  	[smem:$0x3FB8] =	sst s0;
	s0 =	simm.s32 @!p2 $0x0  }
0x16: {  	s3 =	sld [smem:$0x3FDB];
	s0 =	simm.s32 @p2 $0x1  }
0x17: {  	s4 =	simm.s32 $0x1BF5;
	[smem:$0x3FBA] =	sst s0  }
0x18: {  	s0 =	sld [smem:$0x3F9D];
	_ =	swait.ge [sflag:s4], $0x0  }
0x19: {  	s7 =	sld [smem:$0x3F9E]  }
0x1a: {  	s8 =	sadd.s32 $0xFFFFE003, lr  }
0x1b: {  	s9 =	sadd.s32 $0xFFFFFEF7, lr;
	s5 =	simm.s32 $0xFFFFFFFF;
	p2 =	slt.u32 s8, $0xFFFFF086  }
0x1c: {  	p1 =	slt.u32 s9, $0xF7A;
	s5 =	simm.s32 @!p2 $0x0  }
0x1d: {  	s5 =	simm.s32 @p1 $0x1;
	p0 =	seq.s32 s7, s2  }
0x1e: {  	s7 =	smul.u32 @!p0 $0xF7A, s2;
	p2 =	seq.s32 @!p0 s5, $0x0  }
0x1f: {  	s9 =	smul.u32 $0xF7A, s1;
	s8 =	simm.s32 @!p0 $0x1BF5;
	p2 =	por !p2, p0  }
0x20: {  	[sflag:s8] =	ssyncset.s32 @!p0 $0xFFFFF086;
	s6 =	sadd.s32 @!p0 s3, s7;
	s7 =	simm.s32 @!p0 $0x108  }
0x21: {  	s3 =	sadd.s32 s3, s9;
	s6 =	sadd.s32 @!p0 $0x88, s6;
	s7 =	simm.s32 @p2 $0x1082  }
0x22: {  	[simem:s7], [sflag:s8] =	dma.local @!p0 [hbm:s6], $0xF7A  }
0x23: {  	s9 =	sor.u32 $0xD0000000, s2;
	s6 =	simm.s32 $0x108;
	_ =	swait.ge @!p0 [sflag:s8], $0x0  }
0x24: {  	s3 =	sadd.s32 $0x88, s3;
	s6 =	simm.s32 @!p1 $0x1082;
	[sflag:s4] =	ssyncset.s32 $0xFFFFF086  }
0x25: {  	[simem:s6], [sflag:s4] =	dma.local [hbm:s3], $0xF7A  }
0x26: {  	[smem:$0x3F9E] =	sst s1;
	(tag) =	ssettag s2;
	_ =	strace s9  }
0x27: {  	s1 =	sld [smem:$0x3FAE]  }
0x28: {  	s2 =	sld [smem:$0x3FAF]  }
0x29: {  	s4 =	sld [smem:$0x3FB1]  }
0x2a: {  	p0 =	seq.s32 s5, $0x0;
	s5 =	sld [smem:$0x3FB2]  }
0x2b: {  	s6 =	sld [smem:$0x3FB3]  }
0x2c: {  	s7 =	sld [smem:$0x3FB4]  }
0x2d: {  	s3 =	simm.s32 $0x108;
	s8 =	sld [smem:$0x3FB5]  }
0x2e: {  	s3 =	simm.s32 @!p0 $0x1082;
	s9 =	sld [smem:$0x3FB6]  }
0x2f: {  	lr =	sadd.s32 s0, s3;
	s0 =	sld [smem:$0x3FAD]  }
0x30: {  	s3 =	sld [smem:$0x3FB0]  }
0x31: {  	[smem:$0x3FB9] =	sst s10  }
0x32: {  	s10 =	sld [smem:$0x3FB7];
	_ =	sdelay $0x3  }
0x33: {  	p0 =	seq.s32 s10, $0x1;
	s10 =	sld [smem:$0x3FB9];
	_ =	sdelay $0x3  }
0x34: {  	[smem:$0x3FB9] =	sst s10  }
0x35: {  	s10 =	sld [smem:$0x3FB8];
	_ =	sdelay $0x3  }
0x36: {  	p1 =	seq.s32 s10, $0x1;
	s10 =	sld [smem:$0x3FB9];
	_ =	sdelay $0x3  }
0x37: {  	[smem:$0x3FB9] =	sst s10  }
0x38: {  	s10 =	sld [smem:$0x3FBA]  }
0x39: {  	_ = 	snop;
	(pc) =	sbr.ind lr, $3  }
0x3a: {  	_ = 	snop  }
0x3b: {  	_ = 	snop  }
0x3c: {  	p2 =	seq.s32 s10, $0x1;
	s10 =	sld [smem:$0x3FB9]  }
0x3d: {  	_ =	shalt  }
0x3e: {  	_ =	shalt  }
0x3f: {  	_ =	shalt  }
0x40: {  	_ =	shalt  }
0x41: {  	_ =	shalt  }
0x42: {  	_ =	shalt  }
0x43: {  	_ =	shalt  }
0x44: {  	_ =	shalt  }
0x45: {  	_ =	shalt  }
0x46: {  	_ =	shalt  }
0x47: {  	_ =	shalt  }
0x48: {  	_ =	shalt  }
0x49: {  	_ =	shalt  }
0x4a: {  	_ =	shalt  }
0x4b: {  	_ =	shalt  }
0x4c: {  	_ =	shalt  }
0x4d: {  	_ =	shalt  }
0x4e: {  	_ =	shalt  }
0x4f: {  	_ =	shalt  }
0x50: {  	_ =	shalt  }
0x51: {  	_ =	shalt  }
0x52: {  	_ =	shalt  }
0x53: {  	_ =	shalt  }
0x54: {  	_ =	shalt  }
0x55: {  	_ =	shalt  }
0x56: {  	_ =	shalt  }
0x57: {  	_ =	shalt  }
0x58: {  	_ =	shalt  }
0x59: {  	_ =	shalt  }
0x5a: {  	_ =	shalt  }
0x5b: {  	_ =	shalt  }
0x5c: {  	_ =	shalt  }
0x5d: {  	_ =	shalt  }
0x5e: {  	_ =	shalt  }
0x5f: {  	_ =	shalt  }
0x60: {  	_ =	shalt  }
0x61: {  	_ =	shalt  }
0x62: {  	_ =	shalt  }
0x63: {  	_ =	shalt  }
0x64: {  	_ =	shalt  }
0x65: {  	_ =	shalt  }
0x66: {  	_ =	shalt  }
0x67: {  	_ =	shalt  }
0x68: {  	_ =	shalt  }
0x69: {  	_ =	shalt  }
0x6a: {  	_ =	shalt  }
0x6b: {  	_ =	shalt  }
0x6c: {  	_ =	shalt  }
0x6d: {  	_ =	shalt  }
0x6e: {  	_ =	shalt  }
0x6f: {  	_ =	shalt  }
0x70: {  	_ =	shalt  }
0x71: {  	_ =	shalt  }
0x72: {  	_ =	shalt  }
0x73: {  	_ =	shalt  }
0x74: {  	_ =	shalt  }
0x75: {  	_ =	shalt  }
0x76: {  	_ =	shalt  }
0x77: {  	_ =	shalt  }
0x78: {  	_ =	shalt  }
0x79: {  	_ =	shalt  }
0x7a: {  	_ =	shalt  }
0x7b: {  	_ =	shalt  }
0x7c: {  	_ =	shalt  }
0x7d: {  	_ =	shalt  }
0x7e: {  	_ =	shalt  }
0x7f: {  	_ =	shalt  }
0x80: {  	_ =	shalt  }
0x81: {  	_ =	shalt  }
0x82: {  	_ =	shalt  }
0x83: {  	_ =	shalt  }
0x84: {  	_ =	shalt  }
0x85: {  	_ =	shalt  }
0x86: {  	_ =	shalt  }
0x87: {  	_ =	shalt  }
.Lfunc_end0:
.L_simem_size_0:
called_computation_lowered:
.L_overlay_start_0:
0x88: {  	s2 =	sld [smem:$0x3FD9]  }
0x89: {  	s3 =	sld [smem:$0x3FFE];
	_ =	sdelay $0x1  }
0x8a: {  	s1 =	srdreg.scid  }
0x8b: {  	s0 =	sand.u32 $0x1, s1  }
0x8c: {  	s17 =	sshll.u32 s0, $0xA;
	s2 =	sadd.s32 s3, s2  }
0x8d: {  	s2 =	sadd.s32 s2, s17  }
0x8e: {  	[smem:$0x3FC5] =	sst s2  }
0x8f: {  	_ = 	snop  }
0x90: {  	s2 =	sld [smem:$0x3FC8]  }
0x91: {  	s18 =	sld [smem:$0x3FC7]  }
0x92: {  	s4 =	sld [smem:$0x3FD0];
	(tm) =	ssettm $0x1  }
0x93: {  	s5 =	sld [smem:$0x3FFB];
	_ =	sdelay $0x3  }
0x94: {  	_ =	strace s5  }
0x95: {  	s5 =	sld [smem:$0x3FFC];
	_ =	sdelay $0x3  }
0x96: {  	_ =	strace s5  }
0x97: {  	s5 =	sld [smem:$0x3FFD];
	_ =	sdelay $0x3  }
0x98: {  	_ =	strace s5  }
0x99: {  	_ =	strace $0x8FFFFFFF  }
0x9a: {  	s19 =	sld [smem:$0x3FDB];
	_ =	sdelay $0x1  }
0x9b: {  	s6 =	simm.s32 $_scs_section_size  }
0x9c: {  	s7 =	simm.s32 $_size__tile_overlayer_lowered;
	s8 =	simm.s32 $_tile_overlayer_lowered  }
0x9d: {  	s22 =	simm.s32 $0x1BFF;
	s21 =	sshll.u32 s8, $0x1;
	s5 =	sadd.s32 s6, s19  }
0x9e: {  	s9 =	simm.s32 $0x0;
	s20 =	sshll.u32 s7, $0x1;
	s7 =	sadd.s32 s21, s5  }
0x9f: {  	[timem:s9], [sflag:s22] =	dma.local [hbm:s7], s20  }
0xa0: {  	_ =	swait.ge [sflag:s22], s20  }
0xa1: {  	s6 =	ssub.s32 $0x0, s20;
	[sflag:s22] =	ssyncset.done $0x0  }
0xa2: {  	[sflag:s22] =	ssyncadd.s32 s6;
	_ =	sdelay $0x1  }
0xa3: {  	s23 =	simm.s32 $0x1B8B  }
0xa4: {  	_ =	swait.ge [sflag:s23], $0x1  }
0xa5: {  	[sflag:s23] =	ssyncset.done $0x0  }
0xa6: {  	s25 =	simm.s32 $0x1B8E;
	s24 =	sld [smem:$0x3FFE];
	[sflag:s23] =	ssyncadd.s32 $0xFFFFFFFF  }
0xa7: {  	s26 =	simm.s32 $execute0_lowered;
	[smem:$0x3FD2] =	sst s25  }
0xa8: {  	s7 =	sshll.u32 s26, $0x1;
	_ =	strace $0x80000046;
	[dreg:$0x1] =	wrdreg $0xFFFFFFFF  }
0xa9: {  	s28 =	simm.s32 $_size_execute0_lowered;
	s5 =	sadd.s32 s5, s7;
	[dreg:$0x0] =	wrdreg $0x0  }
0xaa: {  	s7 =	sshll.u32 s28, $0x1;
	[dreg:$0x2] =	wrdreg s5  }
0xab: {  	[dreg:$0x3] =	wrdreg s7  }
0xac: {  	[dreg:$0x4] =	wrdreg $0xC0  }
0xad: {  	_ =	task [dreg:s9], $0x5FFFF  }
0xae: {  	[dreg:$0x1] =	wrdreg $0xFFFFFFFF  }
0xaf: {  	[dreg:$0x0] =	wrdreg $0x60  }
0xb0: {  	[dreg:$0x2] =	wrdreg s24  }
0xb1: {  	[dreg:$0x3] =	wrdreg s2  }
0xb2: {  	[dreg:$0x4] =	wrdreg s18  }
0xb3: {  	[dreg:$0x5] =	wrdreg s4  }
0xb4: {  	[dreg:$0x6] =	wrdreg $0x9  }
0xb5: {  	_ =	task.clear_ibuf [dreg:s9], $0x7FFFF;
	_ =	strace $0x90000046  }
0xb6: {  	s29 =	simm.s32 $0x9;
	_ =	strace $0x80000048  }
0xb7: {  	_ =	swait.ge [sflag:s29], $0x1  }
0xb8: {  	[sflag:s29] =	ssyncadd.s32 $0xFFFFFFFF  }
0xb9: {  	_ =	strace $0x90000048  }
0xba: {  	_ =	sfence  }
0xbb: {  	s30 =	sld [smem:$0x0];
	_ =	sdelay $0x2  }
0xbc: {  	s31 =	sshll.u32 s1, $0xD;
	s1 =	sshrl.u32 s1, $0x2  }
0xbd: {  	s3 =	sand.u32 $0x4000, s31;
	s1 =	sadd.s32 s1, s30  }
0xbe: {  	s0 =	sor.u32 s3, s0;
	s1 =	sshll.u32 s1, $0x11  }
0xbf: {  	s0 =	sor.u32 s1, s0  }
0xc0: {  	s0 =	sadd.s32 $0x8F2B, s0  }
0xc1: {  	[sflag:s0] =	ssyncadd.remote.s32 $0x1  }
0xc2: {  	_ =	sfence.sel $0xFFFF  }
0xc3: {  	[dreg:$0x0] =	wrdreg $0xFFFFFFFF;
	(pc) =	sbr.abs _section_cstart, $3  }
0xc4: {  	[dreg:$0x1] =	wrdreg $0xFFFFFFFF  }
0xc5: {  	_ =	task.clear_ibuf [dreg:s9], $0x2FFFF;
	_ =	strace $0x9FFFFFFF  }
0xc6: {  	(tm) =	ssettm $0x7FFFFFFF  }
0xc7: {  	_ =	shalt  }
tec
execute0_lowered:
.L_overlay_start_1:
0x0: {  	(tag) =	ssettag $0x1  }
0x1: {  	s0 =	rddreg [dreg:$0x0]  }
0x2: {  	s3 =	rddreg [dreg:$0x1]  }
0x3: {  	s2 =	rddreg [dreg:$0x2];
	s4 =	srdreg.scid  }
0x4: {  	s1 =	stileid.u32;
	s10 =	rddreg [dreg:$0x3]  }
0x5: {  	s11 =	simm.s32 $0xAD00;
	s5 =	sand.u32 $0x1, s4;
	s12 =	sshll.u32 s1, $0x1  }
0x6: {  	s4 =	simm.s32 $0x0;
	s7 =	sshll.u32 s1, $0x9;
	s18 =	sadd.s32 $0x100, s3  }
0x7: {  	s19 =	sadd.s32 $0x200, s3;
	s20 =	sadd.s32 $0x300, s3;
	[smem:$0x7FF] =	sst s4  }
0x8: {  	s21 =	sadd.s32 $0x100, s10;
	_ =	strace $0x80000047;
	[dreg:$0x9] =	wrdreg s18  }
0x9: {  	s22 =	sadd.s32 $0x200, s10;
	s23 =	sadd.s32 $0x300, s10;
	[dreg:$0xa] =	wrdreg s19  }
0xa: {  	s10 =	simm.s32 $0xA500;
	s6 =	sor.u32 s5, s12;
	[dreg:$0xb] =	wrdreg s20  }
0xb: {  	s7 =	sand.u32 $0x1800, s7;
	s5 =	ssub.s32 $0x2, s5;
	[dreg:$0xc] =	wrdreg s21  }
0xc: {  	s12 =	simm.s32 $0xB500;
	s8 =	sshll.u32 s6, $0x7;
	[dreg:$0xd] =	wrdreg s22  }
0xd: {  	s6 =	sshll.u32 s6, $0xD;
	s13 =	sshrl.u32 s5, $0x1;
	[dreg:$0xe] =	wrdreg s23  }
0xe: {  	s18 =	simm.s32 $0xE500;
	s19 =	simm.s32 $0xED00;
	s20 =	simm.s32 $0xF500  }
0xf: {  	s21 =	simm.s32 $0xFD00;
	s9 =	sand.u32 $0x380, s8;
	s14 =	sadd.s32 s2, s6  }
0x10: {  	s15 =	ssub.s32 s5, s13;
	s16 =	sadd.s32 $0x400, s14;
	[dreg:$0x5] =	wrdreg s14  }
0x11: {  	s6 =	simm.s32 $0x8500;
	s24 =	sadd.s32 $0x800, s14;
	[dreg:$0x6] =	wrdreg s16  }
0x12: {  	s13 =	simm.s32 $0xBD00;
	s25 =	sadd.s32 $0xC00, s14;
	[dreg:$0xf] =	wrdreg s24  }
0x13: {  	s2 =	simm.s32 $0x0;
	s26 =	sadd.s32 $0x1000, s14;
	[dreg:$0x10] =	wrdreg s25  }
0x14: {  	s7 =	sor.u32 s7, s9;
	s28 =	sadd.s32 $0x1400, s14;
	[dreg:$0x11] =	wrdreg s26  }
0x15: {  	s29 =	sadd.s32 $0x1800, s14;
	s30 =	sadd.s32 $0x1C00, s14;
	[dreg:$0x12] =	wrdreg s28  }
0x16: {  	s31 =	smax.u32 s15, $0x1;
	s9 =	simm.s32 $0x9D00;
	[dreg:$0x13] =	wrdreg s29  }
0x17: {  	s14 =	simm.s32 $0xC500;
	s7 =	sshrl.u32 s7, $0x3;
	[dreg:$0x14] =	wrdreg s30  }
0x18: {  	s15 =	simm.s32 $0xCD00;
	[dreg:$0x15] =	wrdreg s31;
	s7 =	sadd.s32 s7, s0  }
0x19: {  	v2 =	vlaneseq.u32;
	s16 =	simm.s32 $0xD500;
	s0 =	sadd.s32 s8, s0;
	s17 =	sadd.s32 $0x400, s7  }
0x1a: {  	vm0 =	vmmov $0xffff;
	v1 =	vshrl.u32 v2, $0x3;
	s8 =	simm.s32 $0x9500;
	s0 =	sadd.s32 $0x800, s0;
	[dreg:$0x7] =	wrdreg s17  }
0x1b: {  	v0 =	vand.u32 $0x7, v2;
	v2 =	vor.u32 $0x8, v2;
	v1 =	vmul.u32 $0x8, v1;
	s7 =	simm.s32 $0x8D00;
	[dreg:$0x8] =	wrdreg s0;
	s17 =	simm.s32 $0xDD00  }
.LBB2_1:
0x1c: {  	[dreg:$0x16] =	wrdreg s2  }
0x1d: {  	s0 =	rddreg [dreg:$0x5];
	s1 =	simm.s32 $0x18500  }
0x1e: {  	[tilespmem:s1], [sflag:$0x4] =	stream.linear.gather [hbm4b:s0+s4], $0x2000, $0x38;
	[tilespmem:$0x1C500] =	vst v63  }
0x1f: {  	s30 =	rddreg [dreg:$0x6];
	s31 =	simm.s32 $0x1A500  }
0x20: {  	[tilespmem:s31], [sflag:$0x5] =	stream.linear.gather [hbm4b:s30+s4], $0x2000, $0x38;
	[tilespmem:$0x1C500] =	vst v63  }
0x21: {  	s2 =	simm.s32 $0x80;
	s3 =	simm.s32 $0x400;
	s1 =	rddreg [dreg:$0x7]  }
0x22: {  	[tilespmem:s4], [sflag:$0x9] =	stream.strided.gather [hbm4b:s1+s2], $0x100, s3, s2, $0x38;
	[tilespmem:$0x1C500] =	vst v63  }
0x23: {  	s5 =	rddreg [dreg:$0x8];
	s22 =	simm.s32 $0x100;
	s23 =	simm.s32 $0x9  }
0x24: {  	[tilespmem:s22], [sflag:$0x9] =	stream.linear.gather [hbm4b:s5+s4], $0x400, $0x38;
	[tilespmem:$0x1C500] =	vst v63  }
0x25: {  	_ =	swait.ge [sflag:s23], $0x100  }
0x26: {  	[sflag:s23] =	ssyncset.done $0x0  }
0x27: {  	[sflag:s23] =	ssyncadd.s32 $0xFFFFFF00  }
0x28: {  	_ =	swait.ge [sflag:s23], $0x400  }
0x29: {  	[sflag:s23] =	ssyncset.done $0x0  }
0x2a: {  	[sflag:s23] =	ssyncadd.s32 $0xFFFFFC00  }
0x2b: {  	v3 =	vld [tilespmem:$0x0];
	_ =	sdelay $0x4  }
0x2c: {  	v4 =	vshll.u32 v3, $0x3  }
0x2d: {  	v3 =	vand.u32 $0x7, v3;
	v4 =	vand.u32 $0xFFFFFFC0, v4  }
0x2e: {  	v3 =	vor.u32 v3, v4  }
0x2f: {  	v4 =	vperm.xlane v3, v0;
	_ =	sdelay $0x1  }
0x30: {  	v4 =	vadd.s32 v1, v4;
	_ =	sdelay $0x3  }
0x31: {  	s24 =	simm.s32 $0x500;
	s0 =	rddreg [dreg:$0x1]  }
0x32: {  	[tilespmem:s24], [sflag:$0x1] =	stream.indirect_vreg.gather [hbm4b:s0+s4], $0x80, v4, vm0, $0xb8;
	[tilespmem:$0x1C500] =	vst v63  }
0x33: {  	s25 =	simm.s32 $0xD00;
	s1 =	rddreg [dreg:$0x9];
	v3 =	vperm.xlane v3, v2  }
0x34: {  	[tilespmem:s25], [sflag:$0x1] =	stream.indirect_vreg.gather [hbm4b:s1+s4], $0x80, v4, vm0, $0xb8;
	[tilespmem:$0x1C500] =	vst v63  }
0x35: {  	s3 =	simm.s32 $0x1500;
	s2 =	rddreg [dreg:$0xa];
	v3 =	vadd.s32 v1, v3  }
0x36: {  	[tilespmem:s3], [sflag:$0x1] =	stream.indirect_vreg.gather [hbm4b:s2+s4], $0x80, v4, vm0, $0xb8;
	[tilespmem:$0x1C500] =	vst v63  }
0x37: {  	s5 =	simm.s32 $0x1D00;
	s3 =	rddreg [dreg:$0xb]  }
0x38: {  	[tilespmem:s5], [sflag:$0x1] =	stream.indirect_vreg.gather [hbm4b:s3+s4], $0x80, v4, vm0, $0xb8;
	[tilespmem:$0x1C500] =	vst v63  }
0x39: {  	s26 =	simm.s32 $0x2500  }
0x3a: {  	[tilespmem:s26], [sflag:$0x1] =	stream.indirect_vreg.gather [hbm4b:s0+s4], $0x80, v3, vm0, $0xb8;
	[tilespmem:$0x1C500] =	vst v63  }
0x3b: {  	s28 =	simm.s32 $0x2D00  }
0x3c: {  	[tilespmem:s28], [sflag:$0x1] =	stream.indirect_vreg.gather [hbm4b:s1+s4], $0x80, v3, vm0, $0xb8;
	[tilespmem:$0x1C500] =	vst v63  }
0x3d: {  	s29 =	simm.s32 $0x3500  }
0x3e: {  	[tilespmem:s29], [sflag:$0x1] =	stream.indirect_vreg.gather [hbm4b:s2+s4], $0x80, v3, vm0, $0xb8;
	[tilespmem:$0x1C500] =	vst v63  }
0x3f: {  	s30 =	simm.s32 $0x3D00  }
0x40: {  	[tilespmem:s30], [sflag:$0x1] =	stream.indirect_vreg.gather [hbm4b:s3+s4], $0x80, v3, vm0, $0xb8;
	[tilespmem:$0x1C500] =	vst v63  }
0x41: {  	v3 =	vld [tilespmem:$0x10];
	_ =	sdelay $0x4  }
0x42: {  	v61 =	vshll.u32 v3, $0x3  }
0x43: {  	v3 =	vand.u32 $0x7, v3;
	v4 =	vand.u32 $0xFFFFFFC0, v61  }
0x44: {  	v3 =	vor.u32 v3, v4  }
0x45: {  	v4 =	vperm.xlane v3, v0;
	_ =	sdelay $0x1  }
0x46: {  	v4 =	vadd.s32 v1, v4;
	_ =	sdelay $0x3  }
0x47: {  	s31 =	simm.s32 $0x4500  }
0x48: {  	[tilespmem:s31], [sflag:$0x1] =	stream.indirect_vreg.gather [hbm4b:s0+s4], $0x80, v4, vm0, $0xb8;
	[tilespmem:$0x1C500] =	vst v63  }
0x49: {  	s22 =	simm.s32 $0x4D00;
	v3 =	vperm.xlane v3, v2  }
0x4a: {  	[tilespmem:s22], [sflag:$0x1] =	stream.indirect_vreg.gather [hbm4b:s1+s4], $0x80, v4, vm0, $0xb8;
	[tilespmem:$0x1C500] =	vst v63  }
0x4b: {  	s23 =	simm.s32 $0x5500;
	v3 =	vadd.s32 v1, v3  }
0x4c: {  	[tilespmem:s23], [sflag:$0x1] =	stream.indirect_vreg.gather [hbm4b:s2+s4], $0x80, v4, vm0, $0xb8;
	[tilespmem:$0x1C500] =	vst v63  }
0x4d: {  	s24 =	simm.s32 $0x5D00  }
0x4e: {  	[tilespmem:s24], [sflag:$0x1] =	stream.indirect_vreg.gather [hbm4b:s3+s4], $0x80, v4, vm0, $0xb8;
	[tilespmem:$0x1C500] =	vst v63  }
0x4f: {  	s25 =	simm.s32 $0x6500  }
0x50: {  	[tilespmem:s25], [sflag:$0x1] =	stream.indirect_vreg.gather [hbm4b:s0+s4], $0x80, v3, vm0, $0xb8;
	[tilespmem:$0x1C500] =	vst v63  }
0x51: {  	s26 =	simm.s32 $0x6D00  }
0x52: {  	[tilespmem:s26], [sflag:$0x1] =	stream.indirect_vreg.gather [hbm4b:s1+s4], $0x80, v3, vm0, $0xb8;
	[tilespmem:$0x1C500] =	vst v63  }
0x53: {  	s28 =	simm.s32 $0x7500  }
0x54: {  	[tilespmem:s28], [sflag:$0x1] =	stream.indirect_vreg.gather [hbm4b:s2+s4], $0x80, v3, vm0, $0xb8;
	[tilespmem:$0x1C500] =	vst v63  }
0x55: {  	s29 =	simm.s32 $0x7D00  }
0x56: {  	[tilespmem:s29], [sflag:$0x1] =	stream.indirect_vreg.gather [hbm4b:s3+s4], $0x80, v3, vm0, $0xb8;
	[tilespmem:$0x1C500] =	vst v63  }
0x57: {  	v3 =	vld [tilespmem:$0x20];
	_ =	sdelay $0x4  }
0x58: {  	v62 =	vshll.u32 v3, $0x3  }
0x59: {  	v3 =	vand.u32 $0x7, v3;
	v4 =	vand.u32 $0xFFFFFFC0, v62  }
0x5a: {  	v3 =	vor.u32 v3, v4  }
0x5b: {  	v4 =	vperm.xlane v3, v0;
	_ =	sdelay $0x1  }
0x5c: {  	v4 =	vadd.s32 v1, v4;
	_ =	sdelay $0x4  }
0x5d: {  	[tilespmem:s6], [sflag:$0x2] =	stream.indirect_vreg.gather [hbm4b:s0+s4], $0x80, v4, vm0, $0xb8;
	[tilespmem:$0x1C500] =	vst v63  }
0x5e: {  	v3 =	vperm.xlane v3, v2  }
0x5f: {  	[tilespmem:s7], [sflag:$0x2] =	stream.indirect_vreg.gather [hbm4b:s1+s4], $0x80, v4, vm0, $0xb8;
	[tilespmem:$0x1C500] =	vst v63  }
0x60: {  	v3 =	vadd.s32 v1, v3  }
0x61: {  	[tilespmem:s8], [sflag:$0x2] =	stream.indirect_vreg.gather [hbm4b:s2+s4], $0x80, v4, vm0, $0xb8;
	[tilespmem:$0x1C500] =	vst v63  }
0x62: {  	_ = 	snop  }
0x63: {  	[tilespmem:s9], [sflag:$0x2] =	stream.indirect_vreg.gather [hbm4b:s3+s4], $0x80, v4, vm0, $0xb8;
	[tilespmem:$0x1C500] =	vst v63  }
0x64: {  	_ = 	snop  }
0x65: {  	[tilespmem:s10], [sflag:$0x2] =	stream.indirect_vreg.gather [hbm4b:s0+s4], $0x80, v3, vm0, $0xb8;
	[tilespmem:$0x1C500] =	vst v63  }
0x66: {  	_ = 	snop  }
0x67: {  	[tilespmem:s11], [sflag:$0x2] =	stream.indirect_vreg.gather [hbm4b:s1+s4], $0x80, v3, vm0, $0xb8;
	[tilespmem:$0x1C500] =	vst v63  }
0x68: {  	_ = 	snop  }
0x69: {  	[tilespmem:s12], [sflag:$0x2] =	stream.indirect_vreg.gather [hbm4b:s2+s4], $0x80, v3, vm0, $0xb8;
	[tilespmem:$0x1C500] =	vst v63  }
0x6a: {  	_ = 	snop  }
0x6b: {  	[tilespmem:s13], [sflag:$0x2] =	stream.indirect_vreg.gather [hbm4b:s3+s4], $0x80, v3, vm0, $0xb8;
	[tilespmem:$0x1C500] =	vst v63  }
0x6c: {  	v3 =	vld [tilespmem:$0x30];
	_ =	sdelay $0x4  }
0x6d: {  	v63 =	vshll.u32 v3, $0x3  }
0x6e: {  	v3 =	vand.u32 $0x7, v3;
	v4 =	vand.u32 $0xFFFFFFC0, v63  }
0x6f: {  	v3 =	vor.u32 v3, v4  }
0x70: {  	v4 =	vperm.xlane v3, v0;
	_ =	sdelay $0x1  }
0x71: {  	v4 =	vadd.s32 v1, v4;
	_ =	sdelay $0x4  }
0x72: {  	[tilespmem:s14], [sflag:$0x2] =	stream.indirect_vreg.gather [hbm4b:s0+s4], $0x80, v4, vm0, $0xb8;
	[tilespmem:$0x1C500] =	vst v63  }
0x73: {  	v3 =	vperm.xlane v3, v2  }
0x74: {  	[tilespmem:s15], [sflag:$0x2] =	stream.indirect_vreg.gather [hbm4b:s1+s4], $0x80, v4, vm0, $0xb8;
	[tilespmem:$0x1C500] =	vst v63  }
0x75: {  	v3 =	vadd.s32 v1, v3  }
0x76: {  	[tilespmem:s16], [sflag:$0x2] =	stream.indirect_vreg.gather [hbm4b:s2+s4], $0x80, v4, vm0, $0xb8;
	[tilespmem:$0x1C500] =	vst v63  }
0x77: {  	_ = 	snop  }
0x78: {  	[tilespmem:s17], [sflag:$0x2] =	stream.indirect_vreg.gather [hbm4b:s3+s4], $0x80, v4, vm0, $0xb8;
	[tilespmem:$0x1C500] =	vst v63  }
0x79: {  	_ = 	snop  }
0x7a: {  	[tilespmem:s18], [sflag:$0x2] =	stream.indirect_vreg.gather [hbm4b:s0+s4], $0x80, v3, vm0, $0xb8;
	[tilespmem:$0x1C500] =	vst v63  }
0x7b: {  	_ = 	snop  }
0x7c: {  	[tilespmem:s19], [sflag:$0x2] =	stream.indirect_vreg.gather [hbm4b:s1+s4], $0x80, v3, vm0, $0xb8;
	[tilespmem:$0x1C500] =	vst v63  }
0x7d: {  	_ = 	snop  }
0x7e: {  	[tilespmem:s20], [sflag:$0x2] =	stream.indirect_vreg.gather [hbm4b:s2+s4], $0x80, v3, vm0, $0xb8;
	[tilespmem:$0x1C500] =	vst v63  }
0x7f: {  	s30 =	simm.s32 $0x1  }
0x80: {  	[tilespmem:s21], [sflag:$0x2] =	stream.indirect_vreg.gather [hbm4b:s3+s4], $0x80, v3, vm0, $0xb8;
	[tilespmem:$0x1C500] =	vst v63  }
0x81: {  	_ =	swait.ge [sflag:s30], $0x8000  }
0x82: {  	[sflag:s30] =	ssyncset.done $0x0  }
0x83: {  	s31 =	simm.s32 $0x4;
	[sflag:s30] =	ssyncadd.s32 $0xFFFF8000  }
0x84: {  	_ =	swait.ge [sflag:s31], $0x2000  }
0x85: {  	[sflag:s31] =	ssyncset.done $0x0  }
0x86: {  	s22 =	simm.s32 $0x0;
	[sflag:s31] =	ssyncadd.s32 $0xFFFFE000  }
.LBB2_2:
0x87: {  	s0 =	simm.s32 $0x0  }
0x88: {  	s23 =	sshll.u32 s22, $0x7;
	s2 =	sand.u32 $0x40, s0;
	s0 =	sand.u32 $0x1C00, s0  }
0x89: {  	s5 =	sor.u32 s23, s0;
	s8 =	sor.u32 $0x30, s2  }
0x8a: {  	s6 =	sor.u32 s8, s5  }
0x8b: {  	v3 =	vld [tilespmem:s6+$0x18500]  }
0x8c: {  	s7 =	sor.u32 s2, s5;
	v4 =	vld [tilespmem:s6+$0x500]  }
0x8d: {  	v6 =	vld [tilespmem:s7+$0x18500]  }
0x8e: {  	s15 =	sor.u32 $0x10, s2;
	v7 =	vld [tilespmem:s7+$0x500]  }
0x8f: {  	s16 =	sor.u32 s15, s5  }
0x90: {  	s17 =	sor.u32 $0x20, s2;
	v5 =	vld [tilespmem:s16+$0x18500]  }
0x91: {  	s28 =	sadd.s32 $0x6500, s23;
	s5 =	sor.u32 s17, s5;
	v8 =	vld [tilespmem:s16+$0x500];
	v9 =	vadd.f32 v4, v3  }
0x92: {  	s29 =	sadd.s32 $0x2500, s23;
	s26 =	sadd.s32 s0, s28;
	v10 =	vld [tilespmem:s5+$0x500]  }
0x93: {  	s21 =	sadd.s32 s0, s29;
	s1 =	sadd.s32 s8, s26;
	v4 =	vld [tilespmem:s5+$0x18500];
	v7 =	vadd.f32 v7, v6;
	[tilespmem:s6+$0x500] =	vst v9  }
0x94: {  	s31 =	sadd.s32 $0x4500, s23;
	s18 =	sadd.s32 s8, s21;
	v12 =	vld [tilespmem:s1+$0x0]  }
0x95: {  	s30 =	sadd.s32 s0, s31;
	s19 =	sadd.s32 s2, s21;
	[tilespmem:s7+$0x500] =	vst v7;
	v13 =	vld [tilespmem:s18+$0x0]  }
0x96: {  	s7 =	sadd.s32 s2, s30;
	v7 =	vadd.f32 v8, v5;
	v8 =	vld [tilespmem:s19+$0x0]  }
0x97: {  	s20 =	sadd.s32 s2, s26;
	v11 =	vld [tilespmem:s7+$0x0]  }
0x98: {  	s24 =	sadd.s32 s15, s21;
	[tilespmem:s16+$0x500] =	vst v7;
	v7 =	vadd.f32 v10, v4;
	v10 =	vld [tilespmem:s20+$0x0]  }
0x99: {  	s25 =	sadd.s32 s15, s30;
	s0 =	sadd.s32 s17, s30;
	s6 =	simm.s32 $0x0;
	v9 =	vld [tilespmem:s24+$0x0];
	v14 =	vadd.f32 v12, v3  }
0x9a: {  	s2 =	sadd.s32 s17, s21;
	s30 =	sadd.s32 s8, s30;
	s21 =	sadd.s32 s15, s26;
	[tilespmem:s5+$0x500] =	vst v7;
	v7 =	vld [tilespmem:s25+$0x0];
	v13 =	vadd.f32 v13, v3  }
0x9b: {  	s26 =	sadd.s32 s17, s26;
	s8 =	simm.s32 $0x200;
	s16 =	simm.s32 $0x40;
	v12 =	vadd.f32 v8, v6;
	v8 =	vld [tilespmem:s21+$0x0];
	[tilespmem:s1+$0x0] =	vst v14  }
.LBB2_3:
0x9c: {  	s15 =	sand.u32 $0x40, s16;
	s1 =	sand.u32 $0x1C00, s8;
	v11 =	vadd.f32 v11, v6;
	v14 =	vld [tilespmem:s2+$0x0];
	[tilespmem:s18+$0x0] =	vst v13  }
0x9d: {  	s6 =	sadd.s32 $0x4, s6;
	s5 =	sor.u32 s23, s1;
	s17 =	sor.u32 $0x30, s15;
	[tilespmem:s19+$0x0] =	vst v12;
	v6 =	vadd.f32 v10, v6;
	v10 =	vld [tilespmem:s0+$0x0]  }
0x9e: {  	s3 =	sor.u32 $0x10, s15;
	p0 =	slt.u32 s6, $0x3C;
	s4 =	sor.u32 s17, s5;
	[tilespmem:s7+$0x0] =	vst v11;
	v9 =	vadd.f32 v9, v5;
	v11 =	vld [tilespmem:s26+$0x0]  }
0x9f: {  	s11 =	sor.u32 $0x20, s15;
	s9 =	sor.u32 s15, s5;
	s10 =	sor.u32 s3, s5;
	v12 =	vld [tilespmem:s4+$0x18500];
	[tilespmem:s20+$0x0] =	vst v6;
	v7 =	vadd.f32 v7, v5  }
0xa0: {  	s18 =	sadd.s32 s1, s29;
	s5 =	sor.u32 s11, s5;
	s20 =	sadd.s32 s1, s31;
	v13 =	vld [tilespmem:s4+$0x500];
	[tilespmem:s24+$0x0] =	vst v9;
	v5 =	vadd.f32 v8, v5  }
0xa1: {  	s19 =	sadd.s32 s15, s18;
	s7 =	sadd.s32 s15, s20;
	s24 =	sadd.s32 s3, s18;
	v6 =	vld [tilespmem:s9+$0x18500];
	[tilespmem:s25+$0x0] =	vst v7;
	v7 =	vadd.f32 v14, v4  }
0xa2: {  	s12 =	sadd.s32 s11, s18;
	s13 =	sadd.s32 s11, s20;
	s25 =	sadd.s32 s3, s20;
	v8 =	vld [tilespmem:s9+$0x500];
	[tilespmem:s21+$0x0] =	vst v5;
	v9 =	vadd.f32 v10, v4  }
0xa3: {  	s18 =	sadd.s32 s17, s18;
	s14 =	sadd.s32 s17, s20;
	v5 =	vld [tilespmem:s10+$0x18500];
	[tilespmem:s2+$0x0] =	vst v7;
	v7 =	vadd.f32 v11, v4;
	s2 =	smov.u32 s12  }
0xa4: {  	v10 =	vld [tilespmem:s10+$0x500];
	[tilespmem:s0+$0x0] =	vst v9;
	s0 =	smov.u32 s13  }
0xa5: {  	v4 =	vld [tilespmem:s5+$0x18500];
	v9 =	vadd.f32 v13, v12;
	[tilespmem:s26+$0x0] =	vst v7  }
0xa6: {  	s1 =	sadd.s32 s1, s28;
	v7 =	vld [tilespmem:s5+$0x500]  }
0xa7: {  	s20 =	sadd.s32 s15, s1;
	s21 =	sadd.s32 s3, s1;
	s3 =	sadd.s32 s17, s1;
	v8 =	vadd.f32 v8, v6;
	[tilespmem:s4+$0x500] =	vst v9;
	v9 =	vld [tilespmem:s30+$0x0]  }
0xa8: {  	s26 =	sadd.s32 s11, s1;
	v13 =	vld [tilespmem:s3+$0x0]  }
0xa9: {  	[tilespmem:s9+$0x500] =	vst v8;
	v8 =	vadd.f32 v10, v5;
	v14 =	vld [tilespmem:s18+$0x0]  }
0xaa: {  	v15 =	vld [tilespmem:s19+$0x0]  }
.Ltmp0:
0xab: {  	v11 =	vld [tilespmem:s7+$0x0];
	[tilespmem:s10+$0x500] =	vst v8;
	v7 =	vadd.f32 v7, v4;
	(pc) =	sbr.rel @p0 .LBB2_3-.Ltmp0, $4  }
0xac: {  	v10 =	vld [tilespmem:s20+$0x0];
	v8 =	vadd.f32 v9, v3;
	v3 =	vmov v12  }
0xad: {  	v9 =	vld [tilespmem:s24+$0x0];
	[tilespmem:s5+$0x500] =	vst v7;
	v16 =	vadd.f32 v13, v3  }
0xae: {  	v7 =	vld [tilespmem:s25+$0x0];
	v13 =	vadd.f32 v14, v3;
	[tilespmem:s30+$0x0] =	vst v8;
	s30 =	smov.u32 s14  }
0xaf: {  	s8 =	sadd.s32 $0x200, s8;
	s16 =	sadd.s32 $0x40, s16;
	v12 =	vadd.f32 v15, v6;
	v8 =	vld [tilespmem:s21+$0x0];
	[tilespmem:s3+$0x0] =	vst v16  }
0xb0: {  	v11 =	vadd.f32 v11, v6;
	v14 =	vld [tilespmem:s2+$0x0];
	[tilespmem:s18+$0x0] =	vst v13  }
0xb1: {  	v56 =	vld [tilespmem:s0+$0x0];
	[tilespmem:s19+$0x0] =	vst v12;
	v55 =	vadd.f32 v10, v6  }
0xb2: {  	v59 =	vld [tilespmem:s30+$0x0];
	[tilespmem:s7+$0x0] =	vst v11;
	v9 =	vadd.f32 v9, v5  }
0xb3: {  	v57 =	vld [tilespmem:s26+$0x0];
	[tilespmem:s20+$0x0] =	vst v55;
	v58 =	vadd.f32 v7, v5  }
0xb4: {  	s22 =	sadd.s32 $0x1, s22;
	[tilespmem:s24+$0x0] =	vst v9;
	v60 =	vadd.f32 v8, v5  }
0xb5: {  	p0 =	sne.s32 s22, $0x8;
	[tilespmem:s25+$0x0] =	vst v58;
	v61 =	vadd.f32 v14, v4  }
.Ltmp1:
0xb6: {  	v62 =	vadd.f32 v56, v4;
	[tilespmem:s21+$0x0] =	vst v60;
	(pc) =	sbr.rel @p0 .LBB2_2-.Ltmp1, $4  }
0xb7: {  	v3 =	vadd.f32 v59, v3;
	[tilespmem:s2+$0x0] =	vst v61  }
0xb8: {  	v63 =	vadd.f32 v57, v4;
	[tilespmem:s0+$0x0] =	vst v62  }
0xb9: {  	[tilespmem:s30+$0x0] =	vst v3  }
0xba: {  	[tilespmem:s26+$0x0] =	vst v63  }
0xbb: {  	v3 =	vld [tilespmem:$0x100];
	_ =	sdelay $0x4  }
0xbc: {  	v4 =	vshll.u32 v3, $0x3  }
0xbd: {  	v3 =	vand.u32 $0x7, v3;
	v4 =	vand.u32 $0xFFFFFFC0, v4  }
0xbe: {  	v3 =	vor.u32 v3, v4  }
0xbf: {  	v4 =	vperm.xlane v3, v0;
	_ =	sdelay $0x1  }
0xc0: {  	v4 =	vadd.s32 v1, v4;
	_ =	sdelay $0x3  }
0xc1: {  	s5 =	simm.s32 $0x0;
	s0 =	rddreg [dreg:$0x3];
	s1 =	simm.s32 $0x500  }
0xc2: {  	[hbm4b:s0+s5] =	stream.indirect_vreg.scatter [tilespmem:s1], [sflag:$0x6], $0x80, v4, vm0, $0xb8;
	[tilespmem:$0x1C500] =	vst v63  }
0xc3: {  	s18 =	rddreg [dreg:$0xc];
	s2 =	simm.s32 $0xD00;
	v3 =	vperm.xlane v3, v2  }
0xc4: {  	[hbm4b:s18+s5] =	stream.indirect_vreg.scatter [tilespmem:s2], [sflag:$0x6], $0x80, v4, vm0, $0xb8;
	[tilespmem:$0x1C500] =	vst v63  }
0xc5: {  	s19 =	rddreg [dreg:$0xd];
	s3 =	simm.s32 $0x1500;
	v3 =	vadd.s32 v1, v3  }
0xc6: {  	[hbm4b:s19+s5] =	stream.indirect_vreg.scatter [tilespmem:s3], [sflag:$0x6], $0x80, v4, vm0, $0xb8;
	[tilespmem:$0x1C500] =	vst v63  }
0xc7: {  	s20 =	rddreg [dreg:$0xe];
	s4 =	simm.s32 $0x1D00  }
0xc8: {  	[hbm4b:s20+s5] =	stream.indirect_vreg.scatter [tilespmem:s4], [sflag:$0x6], $0x80, v4, vm0, $0xb8;
	[tilespmem:$0x1C500] =	vst v63  }
0xc9: {  	s21 =	simm.s32 $0x2500  }
0xca: {  	[hbm4b:s0+s5] =	stream.indirect_vreg.scatter [tilespmem:s21], [sflag:$0x6], $0x80, v3, vm0, $0xb8;
	[tilespmem:$0x1C500] =	vst v63  }
0xcb: {  	s22 =	simm.s32 $0x2D00  }
0xcc: {  	[hbm4b:s18+s5] =	stream.indirect_vreg.scatter [tilespmem:s22], [sflag:$0x6], $0x80, v3, vm0, $0xb8;
	[tilespmem:$0x1C500] =	vst v63  }
0xcd: {  	s23 =	simm.s32 $0x3500  }
0xce: {  	[hbm4b:s19+s5] =	stream.indirect_vreg.scatter [tilespmem:s23], [sflag:$0x6], $0x80, v3, vm0, $0xb8;
	[tilespmem:$0x1C500] =	vst v63  }
0xcf: {  	s24 =	simm.s32 $0x3D00  }
0xd0: {  	[hbm4b:s20+s5] =	stream.indirect_vreg.scatter [tilespmem:s24], [sflag:$0x6], $0x80, v3, vm0, $0xb8;
	[tilespmem:$0x1C500] =	vst v63  }
0xd1: {  	v3 =	vld [tilespmem:$0x110];
	_ =	sdelay $0x4  }
0xd2: {  	v61 =	vshll.u32 v3, $0x3  }
0xd3: {  	v3 =	vand.u32 $0x7, v3;
	v4 =	vand.u32 $0xFFFFFFC0, v61  }
0xd4: {  	v3 =	vor.u32 v3, v4  }
0xd5: {  	v4 =	vperm.xlane v3, v0;
	_ =	sdelay $0x1  }
0xd6: {  	v4 =	vadd.s32 v1, v4;
	_ =	sdelay $0x3  }
0xd7: {  	s25 =	simm.s32 $0x4500  }
0xd8: {  	[hbm4b:s0+s5] =	stream.indirect_vreg.scatter [tilespmem:s25], [sflag:$0x6], $0x80, v4, vm0, $0xb8;
	[tilespmem:$0x1C500] =	vst v63  }
0xd9: {  	s26 =	simm.s32 $0x4D00;
	v3 =	vperm.xlane v3, v2  }
0xda: {  	[hbm4b:s18+s5] =	stream.indirect_vreg.scatter [tilespmem:s26], [sflag:$0x6], $0x80, v4, vm0, $0xb8;
	[tilespmem:$0x1C500] =	vst v63  }
0xdb: {  	s28 =	simm.s32 $0x5500;
	v3 =	vadd.s32 v1, v3  }
0xdc: {  	[hbm4b:s19+s5] =	stream.indirect_vreg.scatter [tilespmem:s28], [sflag:$0x6], $0x80, v4, vm0, $0xb8;
	[tilespmem:$0x1C500] =	vst v63  }
0xdd: {  	s29 =	simm.s32 $0x5D00  }
0xde: {  	[hbm4b:s20+s5] =	stream.indirect_vreg.scatter [tilespmem:s29], [sflag:$0x6], $0x80, v4, vm0, $0xb8;
	[tilespmem:$0x1C500] =	vst v63  }
0xdf: {  	s30 =	simm.s32 $0x6500  }
0xe0: {  	[hbm4b:s0+s5] =	stream.indirect_vreg.scatter [tilespmem:s30], [sflag:$0x6], $0x80, v3, vm0, $0xb8;
	[tilespmem:$0x1C500] =	vst v63  }
0xe1: {  	s31 =	simm.s32 $0x6D00  }
0xe2: {  	[hbm4b:s18+s5] =	stream.indirect_vreg.scatter [tilespmem:s31], [sflag:$0x6], $0x80, v3, vm0, $0xb8;
	[tilespmem:$0x1C500] =	vst v63  }
0xe3: {  	s4 =	simm.s32 $0x7500  }
0xe4: {  	[hbm4b:s19+s5] =	stream.indirect_vreg.scatter [tilespmem:s4], [sflag:$0x6], $0x80, v3, vm0, $0xb8;
	[tilespmem:$0x1C500] =	vst v63  }
0xe5: {  	s6 =	simm.s32 $0x7D00  }
0xe6: {  	[hbm4b:s20+s5] =	stream.indirect_vreg.scatter [tilespmem:s6], [sflag:$0x6], $0x80, v3, vm0, $0xb8;
	[tilespmem:$0x1C500] =	vst v63  }
0xe7: {  	s7 =	rddreg [dreg:$0xf];
	s8 =	simm.s32 $0x18500  }
0xe8: {  	[tilespmem:s8], [sflag:$0x4] =	stream.linear.gather [hbm4b:s7+s5], $0x2000, $0x38;
	[tilespmem:$0x1C500] =	vst v63  }
0xe9: {  	v3 =	vld [tilespmem:$0x40];
	_ =	sdelay $0x4  }
0xea: {  	v62 =	vshll.u32 v3, $0x3  }
0xeb: {  	v3 =	vand.u32 $0x7, v3;
	v4 =	vand.u32 $0xFFFFFFC0, v62  }
0xec: {  	v3 =	vor.u32 v3, v4  }
0xed: {  	v4 =	vperm.xlane v3, v0;
	_ =	sdelay $0x1  }
0xee: {  	v4 =	vadd.s32 v1, v4;
	_ =	sdelay $0x3  }
0xef: {  	s9 =	rddreg [dreg:$0x1];
	s10 =	simm.s32 $0x10500  }
0xf0: {  	[tilespmem:s10], [sflag:$0x3] =	stream.indirect_vreg.gather [hbm4b:s9+s5], $0x80, v4, vm0, $0xb8;
	[tilespmem:$0x1C500] =	vst v63  }
0xf1: {  	s11 =	rddreg [dreg:$0x9];
	s12 =	simm.s32 $0x10D00;
	v3 =	vperm.xlane v3, v2  }
0xf2: {  	[tilespmem:s12], [sflag:$0x3] =	stream.indirect_vreg.gather [hbm4b:s11+s5], $0x80, v4, vm0, $0xb8;
	[tilespmem:$0x1C500] =	vst v63  }
0xf3: {  	s13 =	rddreg [dreg:$0xa];
	s14 =	simm.s32 $0x11500;
	v3 =	vadd.s32 v1, v3  }
0xf4: {  	[tilespmem:s14], [sflag:$0x3] =	stream.indirect_vreg.gather [hbm4b:s13+s5], $0x80, v4, vm0, $0xb8;
	[tilespmem:$0x1C500] =	vst v63  }
0xf5: {  	s15 =	rddreg [dreg:$0xb];
	s16 =	simm.s32 $0x11D00  }
0xf6: {  	[tilespmem:s16], [sflag:$0x3] =	stream.indirect_vreg.gather [hbm4b:s15+s5], $0x80, v4, vm0, $0xb8;
	[tilespmem:$0x1C500] =	vst v63  }
0xf7: {  	s17 =	simm.s32 $0x12500  }
0xf8: {  	[tilespmem:s17], [sflag:$0x3] =	stream.indirect_vreg.gather [hbm4b:s9+s5], $0x80, v3, vm0, $0xb8;
	[tilespmem:$0x1C500] =	vst v63  }
0xf9: {  	s18 =	simm.s32 $0x12D00  }
0xfa: {  	[tilespmem:s18], [sflag:$0x3] =	stream.indirect_vreg.gather [hbm4b:s11+s5], $0x80, v3, vm0, $0xb8;
	[tilespmem:$0x1C500] =	vst v63  }
0xfb: {  	s19 =	simm.s32 $0x13500  }
0xfc: {  	[tilespmem:s19], [sflag:$0x3] =	stream.indirect_vreg.gather [hbm4b:s13+s5], $0x80, v3, vm0, $0xb8;
	[tilespmem:$0x1C500] =	vst v63  }
0xfd: {  	s20 =	simm.s32 $0x13D00  }
0xfe: {  	[tilespmem:s20], [sflag:$0x3] =	stream.indirect_vreg.gather [hbm4b:s15+s5], $0x80, v3, vm0, $0xb8;
	[tilespmem:$0x1C500] =	vst v63  }
0xff: {  	v3 =	vld [tilespmem:$0x50];
	_ =	sdelay $0x4  }
0x100: {  	v63 =	vshll.u32 v3, $0x3  }
0x101: {  	v3 =	vand.u32 $0x7, v3;
	v4 =	vand.u32 $0xFFFFFFC0, v63  }
0x102: {  	v3 =	vor.u32 v3, v4  }
0x103: {  	v4 =	vperm.xlane v3, v0;
	_ =	sdelay $0x1  }
0x104: {  	v4 =	vadd.s32 v1, v4;
	_ =	sdelay $0x3  }
0x105: {  	s21 =	simm.s32 $0x14500  }
0x106: {  	[tilespmem:s21], [sflag:$0x3] =	stream.indirect_vreg.gather [hbm4b:s9+s5], $0x80, v4, vm0, $0xb8;
	[tilespmem:$0x1C500] =	vst v63  }
0x107: {  	s22 =	simm.s32 $0x14D00;
	v3 =	vperm.xlane v3, v2  }
0x108: {  	[tilespmem:s22], [sflag:$0x3] =	stream.indirect_vreg.gather [hbm4b:s11+s5], $0x80, v4, vm0, $0xb8;
	[tilespmem:$0x1C500] =	vst v63  }
0x109: {  	s23 =	simm.s32 $0x15500;
	v3 =	vadd.s32 v1, v3  }
0x10a: {  	[tilespmem:s23], [sflag:$0x3] =	stream.indirect_vreg.gather [hbm4b:s13+s5], $0x80, v4, vm0, $0xb8;
	[tilespmem:$0x1C500] =	vst v63  }
0x10b: {  	s24 =	simm.s32 $0x15D00  }
0x10c: {  	[tilespmem:s24], [sflag:$0x3] =	stream.indirect_vreg.gather [hbm4b:s15+s5], $0x80, v4, vm0, $0xb8;
	[tilespmem:$0x1C500] =	vst v63  }
0x10d: {  	s25 =	simm.s32 $0x16500  }
0x10e: {  	[tilespmem:s25], [sflag:$0x3] =	stream.indirect_vreg.gather [hbm4b:s9+s5], $0x80, v3, vm0, $0xb8;
	[tilespmem:$0x1C500] =	vst v63  }
0x10f: {  	s26 =	simm.s32 $0x16D00  }
0x110: {  	[tilespmem:s26], [sflag:$0x3] =	stream.indirect_vreg.gather [hbm4b:s11+s5], $0x80, v3, vm0, $0xb8;
	[tilespmem:$0x1C500] =	vst v63  }
0x111: {  	s28 =	simm.s32 $0x17500  }
0x112: {  	[tilespmem:s28], [sflag:$0x3] =	stream.indirect_vreg.gather [hbm4b:s13+s5], $0x80, v3, vm0, $0xb8;
	[tilespmem:$0x1C500] =	vst v63  }
0x113: {  	s29 =	simm.s32 $0x17D00;
	s30 =	simm.s32 $0x2  }
0x114: {  	[tilespmem:s29], [sflag:$0x3] =	stream.indirect_vreg.gather [hbm4b:s15+s5], $0x80, v3, vm0, $0xb8;
	[tilespmem:$0x1C500] =	vst v63  }
0x115: {  	_ =	swait.ge [sflag:s30], $0x8000  }
0x116: {  	[sflag:s30] =	ssyncset.done $0x0  }
0x117: {  	s31 =	simm.s32 $0x5;
	[sflag:s30] =	ssyncadd.s32 $0xFFFF8000  }
0x118: {  	_ =	swait.ge [sflag:s31], $0x2000  }
0x119: {  	[sflag:s31] =	ssyncset.done $0x0  }
0x11a: {  	s23 =	simm.s32 $0x0;
	[sflag:s31] =	ssyncadd.s32 $0xFFFFE000  }
.LBB2_6:
0x11b: {  	s1 =	simm.s32 $0x0  }
0x11c: {  	s28 =	sshll.u32 s23, $0x7;
	s0 =	sand.u32 $0x40, s1;
	s1 =	sand.u32 $0x1C00, s1  }
0x11d: {  	s2 =	sor.u32 s28, s1;
	s3 =	sor.u32 $0x30, s0  }
0x11e: {  	s4 =	sor.u32 s3, s2  }
0x11f: {  	v3 =	vld [tilespmem:s4+$0x1A500]  }
0x120: {  	s5 =	sor.u32 s0, s2;
	v4 =	vld [tilespmem:s4+$0x8500]  }
0x121: {  	v6 =	vld [tilespmem:s5+$0x1A500]  }
0x122: {  	s6 =	sor.u32 $0x10, s0;
	v7 =	vld [tilespmem:s5+$0x8500]  }
0x123: {  	s7 =	sor.u32 s6, s2  }
0x124: {  	s9 =	sor.u32 $0x20, s0;
	v5 =	vld [tilespmem:s7+$0x1A500]  }
0x125: {  	s29 =	sadd.s32 $0xE500, s28;
	s10 =	sor.u32 s9, s2;
	v8 =	vld [tilespmem:s7+$0x8500];
	v9 =	vadd.f32 v4, v3  }
0x126: {  	s30 =	sadd.s32 $0xA500, s28;
	s11 =	sadd.s32 s1, s29;
	v10 =	vld [tilespmem:s10+$0x8500]  }
0x127: {  	s8 =	sadd.s32 s1, s30;
	s22 =	sadd.s32 s3, s11;
	v4 =	vld [tilespmem:s10+$0x1A500];
	v7 =	vadd.f32 v7, v6;
	[tilespmem:s4+$0x8500] =	vst v9  }
0x128: {  	s2 =	sadd.s32 $0xC500, s28;
	s20 =	sadd.s32 s3, s8;
	v12 =	vld [tilespmem:s22+$0x0]  }
0x129: {  	s21 =	sadd.s32 s0, s8;
	s1 =	sadd.s32 s1, s2;
	[tilespmem:s5+$0x8500] =	vst v7;
	v13 =	vld [tilespmem:s20+$0x0]  }
0x12a: {  	s19 =	sadd.s32 s0, s1;
	v7 =	vadd.f32 v8, v5;
	v8 =	vld [tilespmem:s21+$0x0]  }
0x12b: {  	s15 =	sadd.s32 s0, s11;
	v11 =	vld [tilespmem:s19+$0x0]  }
0x12c: {  	s25 =	sadd.s32 s6, s8;
	[tilespmem:s7+$0x8500] =	vst v7;
	v7 =	vadd.f32 v10, v4;
	v10 =	vld [tilespmem:s15+$0x0]  }
0x12d: {  	s16 =	simm.s32 $0x200;
	s18 =	simm.s32 $0x40;
	s26 =	sadd.s32 s6, s1;
	v9 =	vld [tilespmem:s25+$0x0];
	v14 =	vadd.f32 v12, v3  }
0x12e: {  	s0 =	sadd.s32 s9, s8;
	s24 =	sadd.s32 s9, s1;
	s8 =	sadd.s32 s6, s11;
	[tilespmem:s10+$0x8500] =	vst v7;
	v7 =	vld [tilespmem:s26+$0x0];
	v13 =	vadd.f32 v13, v3  }
0x12f: {  	s31 =	sadd.s32 s3, s1;
	s6 =	sadd.s32 s9, s11;
	s7 =	simm.s32 $0x0;
	v12 =	vadd.f32 v8, v6;
	v8 =	vld [tilespmem:s8+$0x0];
	[tilespmem:s22+$0x0] =	vst v14  }
.LBB2_7:
0x130: {  	s17 =	sand.u32 $0x40, s18;
	s1 =	sand.u32 $0x1C00, s16;
	v11 =	vadd.f32 v11, v6;
	v14 =	vld [tilespmem:s0+$0x0];
	[tilespmem:s20+$0x0] =	vst v13  }
0x131: {  	s7 =	sadd.s32 $0x4, s7;
	s3 =	sor.u32 s28, s1;
	s5 =	sor.u32 $0x30, s17;
	[tilespmem:s21+$0x0] =	vst v12;
	v6 =	vadd.f32 v10, v6;
	v10 =	vld [tilespmem:s24+$0x0]  }
0x132: {  	s4 =	sor.u32 $0x10, s17;
	p0 =	slt.u32 s7, $0x3C;
	s9 =	sor.u32 s5, s3;
	[tilespmem:s19+$0x0] =	vst v11;
	v9 =	vadd.f32 v9, v5;
	v11 =	vld [tilespmem:s6+$0x0]  }
0x133: {  	s12 =	sor.u32 $0x20, s17;
	s10 =	sor.u32 s17, s3;
	s11 =	sor.u32 s4, s3;
	v12 =	vld [tilespmem:s9+$0x1A500];
	[tilespmem:s15+$0x0] =	vst v6;
	v7 =	vadd.f32 v7, v5  }
0x134: {  	s13 =	sadd.s32 s1, s30;
	s14 =	sadd.s32 s1, s2;
	s3 =	sor.u32 s12, s3;
	v13 =	vld [tilespmem:s9+$0x8500];
	[tilespmem:s25+$0x0] =	vst v9;
	v5 =	vadd.f32 v8, v5  }
0x135: {  	s21 =	sadd.s32 s17, s13;
	s19 =	sadd.s32 s17, s14;
	s25 =	sadd.s32 s4, s13;
	v6 =	vld [tilespmem:s10+$0x1A500];
	[tilespmem:s26+$0x0] =	vst v7;
	v7 =	vadd.f32 v14, v4  }
0x136: {  	s22 =	sadd.s32 s12, s14;
	s15 =	sadd.s32 s12, s13;
	s26 =	sadd.s32 s4, s14;
	v8 =	vld [tilespmem:s10+$0x8500];
	[tilespmem:s8+$0x0] =	vst v5;
	v9 =	vadd.f32 v10, v4  }
0x137: {  	s20 =	sadd.s32 s5, s13;
	s13 =	sadd.s32 s5, s14;
	v5 =	vld [tilespmem:s11+$0x1A500];
	[tilespmem:s0+$0x0] =	vst v7;
	v7 =	vadd.f32 v11, v4;
	s0 =	smov.u32 s15  }
0x138: {  	v10 =	vld [tilespmem:s11+$0x8500];
	[tilespmem:s24+$0x0] =	vst v9;
	s24 =	smov.u32 s22  }
0x139: {  	v4 =	vld [tilespmem:s3+$0x1A500];
	v9 =	vadd.f32 v13, v12;
	[tilespmem:s6+$0x0] =	vst v7  }
0x13a: {  	s1 =	sadd.s32 s1, s29;
	v7 =	vld [tilespmem:s3+$0x8500]  }
0x13b: {  	s8 =	sadd.s32 s4, s1;
	s4 =	sadd.s32 s5, s1;
	s15 =	sadd.s32 s17, s1;
	v8 =	vadd.f32 v8, v6;
	[tilespmem:s9+$0x8500] =	vst v9;
	v9 =	vld [tilespmem:s31+$0x0]  }
0x13c: {  	s6 =	sadd.s32 s12, s1;
	v13 =	vld [tilespmem:s4+$0x0]  }
0x13d: {  	[tilespmem:s10+$0x8500] =	vst v8;
	v8 =	vadd.f32 v10, v5;
	v14 =	vld [tilespmem:s20+$0x0]  }
0x13e: {  	v15 =	vld [tilespmem:s21+$0x0]  }
.Ltmp2:
0x13f: {  	v11 =	vld [tilespmem:s19+$0x0];
	[tilespmem:s11+$0x8500] =	vst v8;
	v7 =	vadd.f32 v7, v4;
	(pc) =	sbr.rel @p0 .LBB2_7-.Ltmp2, $4  }
0x140: {  	v10 =	vld [tilespmem:s15+$0x0];
	v8 =	vadd.f32 v9, v3;
	v3 =	vmov v12  }
0x141: {  	v9 =	vld [tilespmem:s25+$0x0];
	[tilespmem:s3+$0x8500] =	vst v7;
	v16 =	vadd.f32 v13, v3  }
0x142: {  	v7 =	vld [tilespmem:s26+$0x0];
	v13 =	vadd.f32 v14, v3;
	[tilespmem:s31+$0x0] =	vst v8;
	s31 =	smov.u32 s13  }
0x143: {  	s16 =	sadd.s32 $0x200, s16;
	s18 =	sadd.s32 $0x40, s18;
	v12 =	vadd.f32 v15, v6;
	v8 =	vld [tilespmem:s8+$0x0];
	[tilespmem:s4+$0x0] =	vst v16  }
0x144: {  	v11 =	vadd.f32 v11, v6;
	v14 =	vld [tilespmem:s0+$0x0];
	[tilespmem:s20+$0x0] =	vst v13  }
0x145: {  	v56 =	vld [tilespmem:s24+$0x0];
	[tilespmem:s21+$0x0] =	vst v12;
	v55 =	vadd.f32 v10, v6  }
0x146: {  	v59 =	vld [tilespmem:s31+$0x0];
	[tilespmem:s19+$0x0] =	vst v11;
	v9 =	vadd.f32 v9, v5  }
0x147: {  	v57 =	vld [tilespmem:s6+$0x0];
	[tilespmem:s15+$0x0] =	vst v55;
	v58 =	vadd.f32 v7, v5  }
0x148: {  	s23 =	sadd.s32 $0x1, s23;
	[tilespmem:s25+$0x0] =	vst v9;
	v60 =	vadd.f32 v8, v5  }
0x149: {  	p0 =	sne.s32 s23, $0x8;
	[tilespmem:s26+$0x0] =	vst v58;
	v61 =	vadd.f32 v14, v4  }
.Ltmp3:
0x14a: {  	v62 =	vadd.f32 v56, v4;
	[tilespmem:s8+$0x0] =	vst v60;
	(pc) =	sbr.rel @p0 .LBB2_6-.Ltmp3, $4  }
0x14b: {  	v3 =	vadd.f32 v59, v3;
	[tilespmem:s0+$0x0] =	vst v61  }
0x14c: {  	v63 =	vadd.f32 v57, v4;
	[tilespmem:s24+$0x0] =	vst v62  }
0x14d: {  	[tilespmem:s31+$0x0] =	vst v3  }
0x14e: {  	[tilespmem:s6+$0x0] =	vst v63  }
0x14f: {  	v3 =	vld [tilespmem:$0x180];
	_ =	sdelay $0x4  }
0x150: {  	v4 =	vshll.u32 v3, $0x3  }
0x151: {  	v3 =	vand.u32 $0x7, v3;
	v4 =	vand.u32 $0xFFFFFFC0, v4  }
0x152: {  	v3 =	vor.u32 v3, v4  }
0x153: {  	v4 =	vperm.xlane v3, v0;
	_ =	sdelay $0x1  }
0x154: {  	v4 =	vadd.s32 v1, v4;
	_ =	sdelay $0x3  }
0x155: {  	s5 =	simm.s32 $0x0;
	s0 =	rddreg [dreg:$0x3];
	s1 =	simm.s32 $0x8500  }
0x156: {  	[hbm4b:s0+s5] =	stream.indirect_vreg.scatter [tilespmem:s1], [sflag:$0x7], $0x80, v4, vm0, $0xb8;
	[tilespmem:$0x1C500] =	vst v63  }
0x157: {  	s18 =	rddreg [dreg:$0xc];
	s2 =	simm.s32 $0x8D00;
	v3 =	vperm.xlane v3, v2  }
0x158: {  	[hbm4b:s18+s5] =	stream.indirect_vreg.scatter [tilespmem:s2], [sflag:$0x7], $0x80, v4, vm0, $0xb8;
	[tilespmem:$0x1C500] =	vst v63  }
0x159: {  	s19 =	rddreg [dreg:$0xd];
	s3 =	simm.s32 $0x9500;
	v3 =	vadd.s32 v1, v3  }
0x15a: {  	[hbm4b:s19+s5] =	stream.indirect_vreg.scatter [tilespmem:s3], [sflag:$0x7], $0x80, v4, vm0, $0xb8;
	[tilespmem:$0x1C500] =	vst v63  }
0x15b: {  	s20 =	rddreg [dreg:$0xe];
	s4 =	simm.s32 $0x9D00  }
0x15c: {  	[hbm4b:s20+s5] =	stream.indirect_vreg.scatter [tilespmem:s4], [sflag:$0x7], $0x80, v4, vm0, $0xb8;
	[tilespmem:$0x1C500] =	vst v63  }
0x15d: {  	s21 =	simm.s32 $0xA500  }
0x15e: {  	[hbm4b:s0+s5] =	stream.indirect_vreg.scatter [tilespmem:s21], [sflag:$0x7], $0x80, v3, vm0, $0xb8;
	[tilespmem:$0x1C500] =	vst v63  }
0x15f: {  	s22 =	simm.s32 $0xAD00  }
0x160: {  	[hbm4b:s18+s5] =	stream.indirect_vreg.scatter [tilespmem:s22], [sflag:$0x7], $0x80, v3, vm0, $0xb8;
	[tilespmem:$0x1C500] =	vst v63  }
0x161: {  	s23 =	simm.s32 $0xB500  }
0x162: {  	[hbm4b:s19+s5] =	stream.indirect_vreg.scatter [tilespmem:s23], [sflag:$0x7], $0x80, v3, vm0, $0xb8;
	[tilespmem:$0x1C500] =	vst v63  }
0x163: {  	s24 =	simm.s32 $0xBD00  }
0x164: {  	[hbm4b:s20+s5] =	stream.indirect_vreg.scatter [tilespmem:s24], [sflag:$0x7], $0x80, v3, vm0, $0xb8;
	[tilespmem:$0x1C500] =	vst v63  }
0x165: {  	v3 =	vld [tilespmem:$0x190];
	_ =	sdelay $0x4  }
0x166: {  	v61 =	vshll.u32 v3, $0x3  }
0x167: {  	v3 =	vand.u32 $0x7, v3;
	v4 =	vand.u32 $0xFFFFFFC0, v61  }
0x168: {  	v3 =	vor.u32 v3, v4  }
0x169: {  	v4 =	vperm.xlane v3, v0;
	_ =	sdelay $0x1  }
0x16a: {  	v4 =	vadd.s32 v1, v4;
	_ =	sdelay $0x3  }
0x16b: {  	s25 =	simm.s32 $0xC500  }
0x16c: {  	[hbm4b:s0+s5] =	stream.indirect_vreg.scatter [tilespmem:s25], [sflag:$0x7], $0x80, v4, vm0, $0xb8;
	[tilespmem:$0x1C500] =	vst v63  }
0x16d: {  	s26 =	simm.s32 $0xCD00;
	v3 =	vperm.xlane v3, v2  }
0x16e: {  	[hbm4b:s18+s5] =	stream.indirect_vreg.scatter [tilespmem:s26], [sflag:$0x7], $0x80, v4, vm0, $0xb8;
	[tilespmem:$0x1C500] =	vst v63  }
0x16f: {  	s28 =	simm.s32 $0xD500;
	v3 =	vadd.s32 v1, v3  }
0x170: {  	[hbm4b:s19+s5] =	stream.indirect_vreg.scatter [tilespmem:s28], [sflag:$0x7], $0x80, v4, vm0, $0xb8;
	[tilespmem:$0x1C500] =	vst v63  }
0x171: {  	s29 =	simm.s32 $0xDD00  }
0x172: {  	[hbm4b:s20+s5] =	stream.indirect_vreg.scatter [tilespmem:s29], [sflag:$0x7], $0x80, v4, vm0, $0xb8;
	[tilespmem:$0x1C500] =	vst v63  }
0x173: {  	s30 =	simm.s32 $0xE500  }
0x174: {  	[hbm4b:s0+s5] =	stream.indirect_vreg.scatter [tilespmem:s30], [sflag:$0x7], $0x80, v3, vm0, $0xb8;
	[tilespmem:$0x1C500] =	vst v63  }
0x175: {  	s31 =	simm.s32 $0xED00  }
0x176: {  	[hbm4b:s18+s5] =	stream.indirect_vreg.scatter [tilespmem:s31], [sflag:$0x7], $0x80, v3, vm0, $0xb8;
	[tilespmem:$0x1C500] =	vst v63  }
0x177: {  	s4 =	simm.s32 $0xF500  }
0x178: {  	[hbm4b:s19+s5] =	stream.indirect_vreg.scatter [tilespmem:s4], [sflag:$0x7], $0x80, v3, vm0, $0xb8;
	[tilespmem:$0x1C500] =	vst v63  }
0x179: {  	s6 =	simm.s32 $0xFD00  }
0x17a: {  	[hbm4b:s20+s5] =	stream.indirect_vreg.scatter [tilespmem:s6], [sflag:$0x7], $0x80, v3, vm0, $0xb8;
	[tilespmem:$0x1C500] =	vst v63  }
0x17b: {  	s7 =	rddreg [dreg:$0x10];
	s8 =	simm.s32 $0x1A500;
	s9 =	simm.s32 $0x6  }
0x17c: {  	[tilespmem:s8], [sflag:$0x5] =	stream.linear.gather [hbm4b:s7+s5], $0x2000, $0x38;
	[tilespmem:$0x1C500] =	vst v63  }
0x17d: {  	_ =	swait.ge [sflag:s9], $0x8000  }
0x17e: {  	[sflag:s9] =	ssyncset.done $0x0  }
0x17f: {  	[sflag:s9] =	ssyncadd.s32 $0xFFFF8000  }
0x180: {  	v3 =	vld [tilespmem:$0x60];
	_ =	sdelay $0x4  }
0x181: {  	v62 =	vshll.u32 v3, $0x3  }
0x182: {  	v3 =	vand.u32 $0x7, v3;
	v4 =	vand.u32 $0xFFFFFFC0, v62  }
0x183: {  	v3 =	vor.u32 v3, v4  }
0x184: {  	v4 =	vperm.xlane v3, v0;
	_ =	sdelay $0x1  }
0x185: {  	v4 =	vadd.s32 v1, v4;
	_ =	sdelay $0x3  }
0x186: {  	s10 =	simm.s32 $0x500;
	s0 =	rddreg [dreg:$0x1]  }
0x187: {  	[tilespmem:s10], [sflag:$0x1] =	stream.indirect_vreg.gather [hbm4b:s0+s5], $0x80, v4, vm0, $0xb8;
	[tilespmem:$0x1C500] =	vst v63  }
0x188: {  	s12 =	simm.s32 $0xD00;
	s11 =	rddreg [dreg:$0x9];
	v3 =	vperm.xlane v3, v2  }
0x189: {  	[tilespmem:s12], [sflag:$0x1] =	stream.indirect_vreg.gather [hbm4b:s11+s5], $0x80, v4, vm0, $0xb8;
	[tilespmem:$0x1C500] =	vst v63  }
0x18a: {  	s14 =	simm.s32 $0x1500;
	s13 =	rddreg [dreg:$0xa];
	v3 =	vadd.s32 v1, v3  }
0x18b: {  	[tilespmem:s14], [sflag:$0x1] =	stream.indirect_vreg.gather [hbm4b:s13+s5], $0x80, v4, vm0, $0xb8;
	[tilespmem:$0x1C500] =	vst v63  }
0x18c: {  	s16 =	simm.s32 $0x1D00;
	s15 =	rddreg [dreg:$0xb]  }
0x18d: {  	[tilespmem:s16], [sflag:$0x1] =	stream.indirect_vreg.gather [hbm4b:s15+s5], $0x80, v4, vm0, $0xb8;
	[tilespmem:$0x1C500] =	vst v63  }
0x18e: {  	s17 =	simm.s32 $0x2500  }
0x18f: {  	[tilespmem:s17], [sflag:$0x1] =	stream.indirect_vreg.gather [hbm4b:s0+s5], $0x80, v3, vm0, $0xb8;
	[tilespmem:$0x1C500] =	vst v63  }
0x190: {  	s18 =	simm.s32 $0x2D00  }
0x191: {  	[tilespmem:s18], [sflag:$0x1] =	stream.indirect_vreg.gather [hbm4b:s11+s5], $0x80, v3, vm0, $0xb8;
	[tilespmem:$0x1C500] =	vst v63  }
0x192: {  	s19 =	simm.s32 $0x3500  }
0x193: {  	[tilespmem:s19], [sflag:$0x1] =	stream.indirect_vreg.gather [hbm4b:s13+s5], $0x80, v3, vm0, $0xb8;
	[tilespmem:$0x1C500] =	vst v63  }
0x194: {  	s20 =	simm.s32 $0x3D00  }
0x195: {  	[tilespmem:s20], [sflag:$0x1] =	stream.indirect_vreg.gather [hbm4b:s15+s5], $0x80, v3, vm0, $0xb8;
	[tilespmem:$0x1C500] =	vst v63  }
0x196: {  	v3 =	vld [tilespmem:$0x70];
	_ =	sdelay $0x4  }
0x197: {  	v63 =	vshll.u32 v3, $0x3  }
0x198: {  	v3 =	vand.u32 $0x7, v3;
	v4 =	vand.u32 $0xFFFFFFC0, v63  }
0x199: {  	v3 =	vor.u32 v3, v4  }
0x19a: {  	v4 =	vperm.xlane v3, v0;
	_ =	sdelay $0x1  }
0x19b: {  	v4 =	vadd.s32 v1, v4;
	_ =	sdelay $0x3  }
0x19c: {  	s21 =	simm.s32 $0x4500  }
0x19d: {  	[tilespmem:s21], [sflag:$0x1] =	stream.indirect_vreg.gather [hbm4b:s0+s5], $0x80, v4, vm0, $0xb8;
	[tilespmem:$0x1C500] =	vst v63  }
0x19e: {  	s22 =	simm.s32 $0x4D00;
	v3 =	vperm.xlane v3, v2  }
0x19f: {  	[tilespmem:s22], [sflag:$0x1] =	stream.indirect_vreg.gather [hbm4b:s11+s5], $0x80, v4, vm0, $0xb8;
	[tilespmem:$0x1C500] =	vst v63  }
0x1a0: {  	s23 =	simm.s32 $0x5500;
	v3 =	vadd.s32 v1, v3  }
0x1a1: {  	[tilespmem:s23], [sflag:$0x1] =	stream.indirect_vreg.gather [hbm4b:s13+s5], $0x80, v4, vm0, $0xb8;
	[tilespmem:$0x1C500] =	vst v63  }
0x1a2: {  	s24 =	simm.s32 $0x5D00  }
0x1a3: {  	[tilespmem:s24], [sflag:$0x1] =	stream.indirect_vreg.gather [hbm4b:s15+s5], $0x80, v4, vm0, $0xb8;
	[tilespmem:$0x1C500] =	vst v63  }
0x1a4: {  	s25 =	simm.s32 $0x6500  }
0x1a5: {  	[tilespmem:s25], [sflag:$0x1] =	stream.indirect_vreg.gather [hbm4b:s0+s5], $0x80, v3, vm0, $0xb8;
	[tilespmem:$0x1C500] =	vst v63  }
0x1a6: {  	s26 =	simm.s32 $0x6D00  }
0x1a7: {  	[tilespmem:s26], [sflag:$0x1] =	stream.indirect_vreg.gather [hbm4b:s11+s5], $0x80, v3, vm0, $0xb8;
	[tilespmem:$0x1C500] =	vst v63  }
0x1a8: {  	s28 =	simm.s32 $0x7500  }
0x1a9: {  	[tilespmem:s28], [sflag:$0x1] =	stream.indirect_vreg.gather [hbm4b:s13+s5], $0x80, v3, vm0, $0xb8;
	[tilespmem:$0x1C500] =	vst v63  }
0x1aa: {  	s29 =	simm.s32 $0x7D00;
	s30 =	simm.s32 $0x3  }
0x1ab: {  	[tilespmem:s29], [sflag:$0x1] =	stream.indirect_vreg.gather [hbm4b:s15+s5], $0x80, v3, vm0, $0xb8;
	[tilespmem:$0x1C500] =	vst v63  }
0x1ac: {  	_ =	swait.ge [sflag:s30], $0x8000  }
0x1ad: {  	[sflag:s30] =	ssyncset.done $0x0  }
0x1ae: {  	s31 =	simm.s32 $0x4;
	[sflag:s30] =	ssyncadd.s32 $0xFFFF8000  }
0x1af: {  	_ =	swait.ge [sflag:s31], $0x2000  }
0x1b0: {  	[sflag:s31] =	ssyncset.done $0x0  }
0x1b1: {  	s23 =	simm.s32 $0x0;
	[sflag:s31] =	ssyncadd.s32 $0xFFFFE000  }
.LBB2_10:
0x1b2: {  	s1 =	simm.s32 $0x0  }
0x1b3: {  	s28 =	sshll.u32 s23, $0x7;
	s0 =	sand.u32 $0x40, s1;
	s1 =	sand.u32 $0x1C00, s1  }
0x1b4: {  	s2 =	sor.u32 s28, s1;
	s3 =	sor.u32 $0x30, s0  }
0x1b5: {  	s4 =	sor.u32 s3, s2  }
0x1b6: {  	v3 =	vld [tilespmem:s4+$0x18500]  }
0x1b7: {  	s5 =	sor.u32 s0, s2;
	v4 =	vld [tilespmem:s4+$0x10500]  }
0x1b8: {  	v6 =	vld [tilespmem:s5+$0x18500]  }
0x1b9: {  	s6 =	sor.u32 $0x10, s0;
	v7 =	vld [tilespmem:s5+$0x10500]  }
0x1ba: {  	s7 =	sor.u32 s6, s2  }
0x1bb: {  	s9 =	sor.u32 $0x20, s0;
	v5 =	vld [tilespmem:s7+$0x18500]  }
0x1bc: {  	s29 =	sadd.s32 $0x16500, s28;
	s10 =	sor.u32 s9, s2;
	v8 =	vld [tilespmem:s7+$0x10500];
	v9 =	vadd.f32 v4, v3  }
0x1bd: {  	s30 =	sadd.s32 $0x12500, s28;
	s11 =	sadd.s32 s1, s29;
	v10 =	vld [tilespmem:s10+$0x10500]  }
0x1be: {  	s8 =	sadd.s32 s1, s30;
	s22 =	sadd.s32 s3, s11;
	v4 =	vld [tilespmem:s10+$0x18500];
	v7 =	vadd.f32 v7, v6;
	[tilespmem:s4+$0x10500] =	vst v9  }
0x1bf: {  	s2 =	sadd.s32 $0x14500, s28;
	s15 =	sadd.s32 s3, s8;
	v12 =	vld [tilespmem:s22+$0x0]  }
0x1c0: {  	s21 =	sadd.s32 s0, s8;
	s1 =	sadd.s32 s1, s2;
	[tilespmem:s5+$0x10500] =	vst v7;
	v13 =	vld [tilespmem:s15+$0x0]  }
0x1c1: {  	s19 =	sadd.s32 s0, s1;
	v7 =	vadd.f32 v8, v5;
	v8 =	vld [tilespmem:s21+$0x0]  }
0x1c2: {  	s20 =	sadd.s32 s0, s11;
	v11 =	vld [tilespmem:s19+$0x0]  }
0x1c3: {  	s25 =	sadd.s32 s6, s8;
	[tilespmem:s7+$0x10500] =	vst v7;
	v7 =	vadd.f32 v10, v4;
	v10 =	vld [tilespmem:s20+$0x0]  }
0x1c4: {  	s16 =	simm.s32 $0x200;
	s18 =	simm.s32 $0x40;
	s26 =	sadd.s32 s6, s1;
	v9 =	vld [tilespmem:s25+$0x0];
	v14 =	vadd.f32 v12, v3  }
0x1c5: {  	s0 =	sadd.s32 s9, s8;
	s24 =	sadd.s32 s9, s1;
	s8 =	sadd.s32 s6, s11;
	[tilespmem:s10+$0x10500] =	vst v7;
	v7 =	vld [tilespmem:s26+$0x0];
	v13 =	vadd.f32 v13, v3  }
0x1c6: {  	s31 =	sadd.s32 s3, s1;
	s6 =	sadd.s32 s9, s11;
	s7 =	simm.s32 $0x0;
	v12 =	vadd.f32 v8, v6;
	v8 =	vld [tilespmem:s8+$0x0];
	[tilespmem:s22+$0x0] =	vst v14  }
.LBB2_11:
0x1c7: {  	s17 =	sand.u32 $0x40, s18;
	s1 =	sand.u32 $0x1C00, s16;
	v11 =	vadd.f32 v11, v6;
	v14 =	vld [tilespmem:s0+$0x0];
	[tilespmem:s15+$0x0] =	vst v13  }
0x1c8: {  	s7 =	sadd.s32 $0x4, s7;
	s3 =	sor.u32 s28, s1;
	s5 =	sor.u32 $0x30, s17;
	[tilespmem:s21+$0x0] =	vst v12;
	v6 =	vadd.f32 v10, v6;
	v10 =	vld [tilespmem:s24+$0x0]  }
0x1c9: {  	s4 =	sor.u32 $0x10, s17;
	p0 =	slt.u32 s7, $0x3C;
	s9 =	sor.u32 s5, s3;
	[tilespmem:s19+$0x0] =	vst v11;
	v9 =	vadd.f32 v9, v5;
	v11 =	vld [tilespmem:s6+$0x0]  }
0x1ca: {  	s12 =	sor.u32 $0x20, s17;
	s10 =	sor.u32 s17, s3;
	s11 =	sor.u32 s4, s3;
	v12 =	vld [tilespmem:s9+$0x18500];
	[tilespmem:s20+$0x0] =	vst v6;
	v7 =	vadd.f32 v7, v5  }
0x1cb: {  	s13 =	sadd.s32 s1, s30;
	s14 =	sadd.s32 s1, s2;
	s3 =	sor.u32 s12, s3;
	v13 =	vld [tilespmem:s9+$0x10500];
	[tilespmem:s25+$0x0] =	vst v9;
	v5 =	vadd.f32 v8, v5  }
0x1cc: {  	s21 =	sadd.s32 s17, s13;
	s19 =	sadd.s32 s17, s14;
	s25 =	sadd.s32 s4, s13;
	v6 =	vld [tilespmem:s10+$0x18500];
	[tilespmem:s26+$0x0] =	vst v7;
	v7 =	vadd.f32 v14, v4  }
0x1cd: {  	s22 =	sadd.s32 s12, s14;
	s20 =	sadd.s32 s12, s13;
	s26 =	sadd.s32 s4, s14;
	v8 =	vld [tilespmem:s10+$0x10500];
	[tilespmem:s8+$0x0] =	vst v5;
	v9 =	vadd.f32 v10, v4  }
0x1ce: {  	s15 =	sadd.s32 s5, s13;
	s13 =	sadd.s32 s5, s14;
	v5 =	vld [tilespmem:s11+$0x18500];
	[tilespmem:s0+$0x0] =	vst v7;
	v7 =	vadd.f32 v11, v4;
	s0 =	smov.u32 s20  }
0x1cf: {  	v10 =	vld [tilespmem:s11+$0x10500];
	[tilespmem:s24+$0x0] =	vst v9;
	s24 =	smov.u32 s22  }
0x1d0: {  	v4 =	vld [tilespmem:s3+$0x18500];
	v9 =	vadd.f32 v13, v12;
	[tilespmem:s6+$0x0] =	vst v7  }
0x1d1: {  	s1 =	sadd.s32 s1, s29;
	v7 =	vld [tilespmem:s3+$0x10500]  }
0x1d2: {  	s8 =	sadd.s32 s4, s1;
	s4 =	sadd.s32 s5, s1;
	s20 =	sadd.s32 s17, s1;
	v8 =	vadd.f32 v8, v6;
	[tilespmem:s9+$0x10500] =	vst v9;
	v9 =	vld [tilespmem:s31+$0x0]  }
0x1d3: {  	s6 =	sadd.s32 s12, s1;
	v13 =	vld [tilespmem:s4+$0x0]  }
0x1d4: {  	[tilespmem:s10+$0x10500] =	vst v8;
	v8 =	vadd.f32 v10, v5;
	v14 =	vld [tilespmem:s15+$0x0]  }
0x1d5: {  	v15 =	vld [tilespmem:s21+$0x0]  }
.Ltmp4:
0x1d6: {  	v11 =	vld [tilespmem:s19+$0x0];
	[tilespmem:s11+$0x10500] =	vst v8;
	v7 =	vadd.f32 v7, v4;
	(pc) =	sbr.rel @p0 .LBB2_11-.Ltmp4, $4  }
0x1d7: {  	v10 =	vld [tilespmem:s20+$0x0];
	v8 =	vadd.f32 v9, v3;
	v3 =	vmov v12  }
0x1d8: {  	v9 =	vld [tilespmem:s25+$0x0];
	[tilespmem:s3+$0x10500] =	vst v7;
	v16 =	vadd.f32 v13, v3  }
0x1d9: {  	v7 =	vld [tilespmem:s26+$0x0];
	v13 =	vadd.f32 v14, v3;
	[tilespmem:s31+$0x0] =	vst v8;
	s31 =	smov.u32 s13  }
0x1da: {  	s16 =	sadd.s32 $0x200, s16;
	s18 =	sadd.s32 $0x40, s18;
	v12 =	vadd.f32 v15, v6;
	v8 =	vld [tilespmem:s8+$0x0];
	[tilespmem:s4+$0x0] =	vst v16  }
0x1db: {  	v11 =	vadd.f32 v11, v6;
	v14 =	vld [tilespmem:s0+$0x0];
	[tilespmem:s15+$0x0] =	vst v13  }
0x1dc: {  	v56 =	vld [tilespmem:s24+$0x0];
	[tilespmem:s21+$0x0] =	vst v12;
	v55 =	vadd.f32 v10, v6  }
0x1dd: {  	v59 =	vld [tilespmem:s31+$0x0];
	[tilespmem:s19+$0x0] =	vst v11;
	v9 =	vadd.f32 v9, v5  }
0x1de: {  	v57 =	vld [tilespmem:s6+$0x0];
	[tilespmem:s20+$0x0] =	vst v55;
	v58 =	vadd.f32 v7, v5  }
0x1df: {  	s23 =	sadd.s32 $0x1, s23;
	[tilespmem:s25+$0x0] =	vst v9;
	v60 =	vadd.f32 v8, v5  }
0x1e0: {  	p0 =	sne.s32 s23, $0x8;
	[tilespmem:s26+$0x0] =	vst v58;
	v61 =	vadd.f32 v14, v4  }
.Ltmp5:
0x1e1: {  	v62 =	vadd.f32 v56, v4;
	[tilespmem:s8+$0x0] =	vst v60;
	(pc) =	sbr.rel @p0 .LBB2_10-.Ltmp5, $4  }
0x1e2: {  	v3 =	vadd.f32 v59, v3;
	[tilespmem:s0+$0x0] =	vst v61  }
0x1e3: {  	v63 =	vadd.f32 v57, v4;
	[tilespmem:s24+$0x0] =	vst v62  }
0x1e4: {  	[tilespmem:s31+$0x0] =	vst v3  }
0x1e5: {  	[tilespmem:s6+$0x0] =	vst v63  }
0x1e6: {  	v3 =	vld [tilespmem:$0x200];
	_ =	sdelay $0x4  }
0x1e7: {  	v4 =	vshll.u32 v3, $0x3  }
0x1e8: {  	v3 =	vand.u32 $0x7, v3;
	v4 =	vand.u32 $0xFFFFFFC0, v4  }
0x1e9: {  	v3 =	vor.u32 v3, v4  }
0x1ea: {  	v4 =	vperm.xlane v3, v0;
	_ =	sdelay $0x1  }
0x1eb: {  	v4 =	vadd.s32 v1, v4;
	_ =	sdelay $0x3  }
0x1ec: {  	s5 =	simm.s32 $0x0;
	s0 =	rddreg [dreg:$0x3];
	s1 =	simm.s32 $0x10500  }
0x1ed: {  	[hbm4b:s0+s5] =	stream.indirect_vreg.scatter [tilespmem:s1], [sflag:$0x8], $0x80, v4, vm0, $0xb8;
	[tilespmem:$0x1C500] =	vst v63  }
0x1ee: {  	s18 =	rddreg [dreg:$0xc];
	s2 =	simm.s32 $0x10D00;
	v3 =	vperm.xlane v3, v2  }
0x1ef: {  	[hbm4b:s18+s5] =	stream.indirect_vreg.scatter [tilespmem:s2], [sflag:$0x8], $0x80, v4, vm0, $0xb8;
	[tilespmem:$0x1C500] =	vst v63  }
0x1f0: {  	s19 =	rddreg [dreg:$0xd];
	s3 =	simm.s32 $0x11500;
	v3 =	vadd.s32 v1, v3  }
0x1f1: {  	[hbm4b:s19+s5] =	stream.indirect_vreg.scatter [tilespmem:s3], [sflag:$0x8], $0x80, v4, vm0, $0xb8;
	[tilespmem:$0x1C500] =	vst v63  }
0x1f2: {  	s20 =	rddreg [dreg:$0xe];
	s4 =	simm.s32 $0x11D00  }
0x1f3: {  	[hbm4b:s20+s5] =	stream.indirect_vreg.scatter [tilespmem:s4], [sflag:$0x8], $0x80, v4, vm0, $0xb8;
	[tilespmem:$0x1C500] =	vst v63  }
0x1f4: {  	s21 =	simm.s32 $0x12500  }
0x1f5: {  	[hbm4b:s0+s5] =	stream.indirect_vreg.scatter [tilespmem:s21], [sflag:$0x8], $0x80, v3, vm0, $0xb8;
	[tilespmem:$0x1C500] =	vst v63  }
0x1f6: {  	s22 =	simm.s32 $0x12D00  }
0x1f7: {  	[hbm4b:s18+s5] =	stream.indirect_vreg.scatter [tilespmem:s22], [sflag:$0x8], $0x80, v3, vm0, $0xb8;
	[tilespmem:$0x1C500] =	vst v63  }
0x1f8: {  	s23 =	simm.s32 $0x13500  }
0x1f9: {  	[hbm4b:s19+s5] =	stream.indirect_vreg.scatter [tilespmem:s23], [sflag:$0x8], $0x80, v3, vm0, $0xb8;
	[tilespmem:$0x1C500] =	vst v63  }
0x1fa: {  	s24 =	simm.s32 $0x13D00  }
0x1fb: {  	[hbm4b:s20+s5] =	stream.indirect_vreg.scatter [tilespmem:s24], [sflag:$0x8], $0x80, v3, vm0, $0xb8;
	[tilespmem:$0x1C500] =	vst v63  }
0x1fc: {  	v3 =	vld [tilespmem:$0x210];
	_ =	sdelay $0x4  }
0x1fd: {  	v61 =	vshll.u32 v3, $0x3  }
0x1fe: {  	v3 =	vand.u32 $0x7, v3;
	v4 =	vand.u32 $0xFFFFFFC0, v61  }
0x1ff: {  	v3 =	vor.u32 v3, v4  }
0x200: {  	v4 =	vperm.xlane v3, v0;
	_ =	sdelay $0x1  }
0x201: {  	v4 =	vadd.s32 v1, v4;
	_ =	sdelay $0x3  }
0x202: {  	s25 =	simm.s32 $0x14500  }
0x203: {  	[hbm4b:s0+s5] =	stream.indirect_vreg.scatter [tilespmem:s25], [sflag:$0x8], $0x80, v4, vm0, $0xb8;
	[tilespmem:$0x1C500] =	vst v63  }
0x204: {  	s26 =	simm.s32 $0x14D00;
	v3 =	vperm.xlane v3, v2  }
0x205: {  	[hbm4b:s18+s5] =	stream.indirect_vreg.scatter [tilespmem:s26], [sflag:$0x8], $0x80, v4, vm0, $0xb8;
	[tilespmem:$0x1C500] =	vst v63  }
0x206: {  	s28 =	simm.s32 $0x15500;
	v3 =	vadd.s32 v1, v3  }
0x207: {  	[hbm4b:s19+s5] =	stream.indirect_vreg.scatter [tilespmem:s28], [sflag:$0x8], $0x80, v4, vm0, $0xb8;
	[tilespmem:$0x1C500] =	vst v63  }
0x208: {  	s29 =	simm.s32 $0x15D00  }
0x209: {  	[hbm4b:s20+s5] =	stream.indirect_vreg.scatter [tilespmem:s29], [sflag:$0x8], $0x80, v4, vm0, $0xb8;
	[tilespmem:$0x1C500] =	vst v63  }
0x20a: {  	s30 =	simm.s32 $0x16500  }
0x20b: {  	[hbm4b:s0+s5] =	stream.indirect_vreg.scatter [tilespmem:s30], [sflag:$0x8], $0x80, v3, vm0, $0xb8;
	[tilespmem:$0x1C500] =	vst v63  }
0x20c: {  	s31 =	simm.s32 $0x16D00  }
0x20d: {  	[hbm4b:s18+s5] =	stream.indirect_vreg.scatter [tilespmem:s31], [sflag:$0x8], $0x80, v3, vm0, $0xb8;
	[tilespmem:$0x1C500] =	vst v63  }
0x20e: {  	s4 =	simm.s32 $0x17500  }
0x20f: {  	[hbm4b:s19+s5] =	stream.indirect_vreg.scatter [tilespmem:s4], [sflag:$0x8], $0x80, v3, vm0, $0xb8;
	[tilespmem:$0x1C500] =	vst v63  }
0x210: {  	s6 =	simm.s32 $0x17D00  }
0x211: {  	[hbm4b:s20+s5] =	stream.indirect_vreg.scatter [tilespmem:s6], [sflag:$0x8], $0x80, v3, vm0, $0xb8;
	[tilespmem:$0x1C500] =	vst v63  }
0x212: {  	s7 =	rddreg [dreg:$0x11];
	s8 =	simm.s32 $0x18500;
	s9 =	simm.s32 $0x7  }
0x213: {  	[tilespmem:s8], [sflag:$0x4] =	stream.linear.gather [hbm4b:s7+s5], $0x2000, $0x38;
	[tilespmem:$0x1C500] =	vst v63  }
0x214: {  	_ =	swait.ge [sflag:s9], $0x8000  }
0x215: {  	[sflag:s9] =	ssyncset.done $0x0  }
0x216: {  	[sflag:s9] =	ssyncadd.s32 $0xFFFF8000  }
0x217: {  	v3 =	vld [tilespmem:$0x80];
	_ =	sdelay $0x4  }
0x218: {  	v62 =	vshll.u32 v3, $0x3  }
0x219: {  	v3 =	vand.u32 $0x7, v3;
	v4 =	vand.u32 $0xFFFFFFC0, v62  }
0x21a: {  	v3 =	vor.u32 v3, v4  }
0x21b: {  	v4 =	vperm.xlane v3, v0;
	_ =	sdelay $0x1  }
0x21c: {  	v4 =	vadd.s32 v1, v4;
	_ =	sdelay $0x3  }
0x21d: {  	s10 =	simm.s32 $0x8500;
	s0 =	rddreg [dreg:$0x1]  }
0x21e: {  	[tilespmem:s10], [sflag:$0x2] =	stream.indirect_vreg.gather [hbm4b:s0+s5], $0x80, v4, vm0, $0xb8;
	[tilespmem:$0x1C500] =	vst v63  }
0x21f: {  	s12 =	simm.s32 $0x8D00;
	s11 =	rddreg [dreg:$0x9];
	v3 =	vperm.xlane v3, v2  }
0x220: {  	[tilespmem:s12], [sflag:$0x2] =	stream.indirect_vreg.gather [hbm4b:s11+s5], $0x80, v4, vm0, $0xb8;
	[tilespmem:$0x1C500] =	vst v63  }
0x221: {  	s14 =	simm.s32 $0x9500;
	s13 =	rddreg [dreg:$0xa];
	v3 =	vadd.s32 v1, v3  }
0x222: {  	[tilespmem:s14], [sflag:$0x2] =	stream.indirect_vreg.gather [hbm4b:s13+s5], $0x80, v4, vm0, $0xb8;
	[tilespmem:$0x1C500] =	vst v63  }
0x223: {  	s16 =	simm.s32 $0x9D00;
	s15 =	rddreg [dreg:$0xb]  }
0x224: {  	[tilespmem:s16], [sflag:$0x2] =	stream.indirect_vreg.gather [hbm4b:s15+s5], $0x80, v4, vm0, $0xb8;
	[tilespmem:$0x1C500] =	vst v63  }
0x225: {  	s17 =	simm.s32 $0xA500  }
0x226: {  	[tilespmem:s17], [sflag:$0x2] =	stream.indirect_vreg.gather [hbm4b:s0+s5], $0x80, v3, vm0, $0xb8;
	[tilespmem:$0x1C500] =	vst v63  }
0x227: {  	s18 =	simm.s32 $0xAD00  }
0x228: {  	[tilespmem:s18], [sflag:$0x2] =	stream.indirect_vreg.gather [hbm4b:s11+s5], $0x80, v3, vm0, $0xb8;
	[tilespmem:$0x1C500] =	vst v63  }
0x229: {  	s19 =	simm.s32 $0xB500  }
0x22a: {  	[tilespmem:s19], [sflag:$0x2] =	stream.indirect_vreg.gather [hbm4b:s13+s5], $0x80, v3, vm0, $0xb8;
	[tilespmem:$0x1C500] =	vst v63  }
0x22b: {  	s20 =	simm.s32 $0xBD00  }
0x22c: {  	[tilespmem:s20], [sflag:$0x2] =	stream.indirect_vreg.gather [hbm4b:s15+s5], $0x80, v3, vm0, $0xb8;
	[tilespmem:$0x1C500] =	vst v63  }
0x22d: {  	v3 =	vld [tilespmem:$0x90];
	_ =	sdelay $0x4  }
0x22e: {  	v63 =	vshll.u32 v3, $0x3  }
0x22f: {  	v3 =	vand.u32 $0x7, v3;
	v4 =	vand.u32 $0xFFFFFFC0, v63  }
0x230: {  	v3 =	vor.u32 v3, v4  }
0x231: {  	v4 =	vperm.xlane v3, v0;
	_ =	sdelay $0x1  }
0x232: {  	v4 =	vadd.s32 v1, v4;
	_ =	sdelay $0x3  }
0x233: {  	s21 =	simm.s32 $0xC500  }
0x234: {  	[tilespmem:s21], [sflag:$0x2] =	stream.indirect_vreg.gather [hbm4b:s0+s5], $0x80, v4, vm0, $0xb8;
	[tilespmem:$0x1C500] =	vst v63  }
0x235: {  	s22 =	simm.s32 $0xCD00;
	v3 =	vperm.xlane v3, v2  }
0x236: {  	[tilespmem:s22], [sflag:$0x2] =	stream.indirect_vreg.gather [hbm4b:s11+s5], $0x80, v4, vm0, $0xb8;
	[tilespmem:$0x1C500] =	vst v63  }
0x237: {  	s23 =	simm.s32 $0xD500;
	v3 =	vadd.s32 v1, v3  }
0x238: {  	[tilespmem:s23], [sflag:$0x2] =	stream.indirect_vreg.gather [hbm4b:s13+s5], $0x80, v4, vm0, $0xb8;
	[tilespmem:$0x1C500] =	vst v63  }
0x239: {  	s24 =	simm.s32 $0xDD00  }
0x23a: {  	[tilespmem:s24], [sflag:$0x2] =	stream.indirect_vreg.gather [hbm4b:s15+s5], $0x80, v4, vm0, $0xb8;
	[tilespmem:$0x1C500] =	vst v63  }
0x23b: {  	s25 =	simm.s32 $0xE500  }
0x23c: {  	[tilespmem:s25], [sflag:$0x2] =	stream.indirect_vreg.gather [hbm4b:s0+s5], $0x80, v3, vm0, $0xb8;
	[tilespmem:$0x1C500] =	vst v63  }
0x23d: {  	s26 =	simm.s32 $0xED00  }
0x23e: {  	[tilespmem:s26], [sflag:$0x2] =	stream.indirect_vreg.gather [hbm4b:s11+s5], $0x80, v3, vm0, $0xb8;
	[tilespmem:$0x1C500] =	vst v63  }
0x23f: {  	s28 =	simm.s32 $0xF500  }
0x240: {  	[tilespmem:s28], [sflag:$0x2] =	stream.indirect_vreg.gather [hbm4b:s13+s5], $0x80, v3, vm0, $0xb8;
	[tilespmem:$0x1C500] =	vst v63  }
0x241: {  	s29 =	simm.s32 $0xFD00;
	s30 =	simm.s32 $0x1  }
0x242: {  	[tilespmem:s29], [sflag:$0x2] =	stream.indirect_vreg.gather [hbm4b:s15+s5], $0x80, v3, vm0, $0xb8;
	[tilespmem:$0x1C500] =	vst v63  }
0x243: {  	_ =	swait.ge [sflag:s30], $0x8000  }
0x244: {  	[sflag:s30] =	ssyncset.done $0x0  }
0x245: {  	s31 =	simm.s32 $0x5;
	[sflag:s30] =	ssyncadd.s32 $0xFFFF8000  }
0x246: {  	_ =	swait.ge [sflag:s31], $0x2000  }
0x247: {  	[sflag:s31] =	ssyncset.done $0x0  }
0x248: {  	s23 =	simm.s32 $0x0;
	[sflag:s31] =	ssyncadd.s32 $0xFFFFE000  }
.LBB2_14:
0x249: {  	s1 =	simm.s32 $0x0  }
0x24a: {  	s28 =	sshll.u32 s23, $0x7;
	s0 =	sand.u32 $0x40, s1;
	s1 =	sand.u32 $0x1C00, s1  }
0x24b: {  	s2 =	sor.u32 s28, s1;
	s3 =	sor.u32 $0x30, s0  }
0x24c: {  	s4 =	sor.u32 s3, s2  }
0x24d: {  	v3 =	vld [tilespmem:s4+$0x1A500]  }
0x24e: {  	s5 =	sor.u32 s0, s2;
	v4 =	vld [tilespmem:s4+$0x500]  }
0x24f: {  	v6 =	vld [tilespmem:s5+$0x1A500]  }
0x250: {  	s6 =	sor.u32 $0x10, s0;
	v7 =	vld [tilespmem:s5+$0x500]  }
0x251: {  	s7 =	sor.u32 s6, s2  }
0x252: {  	s9 =	sor.u32 $0x20, s0;
	v5 =	vld [tilespmem:s7+$0x1A500]  }
0x253: {  	s29 =	sadd.s32 $0x6500, s28;
	s10 =	sor.u32 s9, s2;
	v8 =	vld [tilespmem:s7+$0x500];
	v9 =	vadd.f32 v4, v3  }
0x254: {  	s30 =	sadd.s32 $0x2500, s28;
	s11 =	sadd.s32 s1, s29;
	v10 =	vld [tilespmem:s10+$0x500]  }
0x255: {  	s8 =	sadd.s32 s1, s30;
	s22 =	sadd.s32 s3, s11;
	v4 =	vld [tilespmem:s10+$0x1A500];
	v7 =	vadd.f32 v7, v6;
	[tilespmem:s4+$0x500] =	vst v9  }
0x256: {  	s2 =	sadd.s32 $0x4500, s28;
	s15 =	sadd.s32 s3, s8;
	v12 =	vld [tilespmem:s22+$0x0]  }
0x257: {  	s21 =	sadd.s32 s0, s8;
	s1 =	sadd.s32 s1, s2;
	[tilespmem:s5+$0x500] =	vst v7;
	v13 =	vld [tilespmem:s15+$0x0]  }
0x258: {  	s19 =	sadd.s32 s0, s1;
	v7 =	vadd.f32 v8, v5;
	v8 =	vld [tilespmem:s21+$0x0]  }
0x259: {  	s20 =	sadd.s32 s0, s11;
	v11 =	vld [tilespmem:s19+$0x0]  }
0x25a: {  	s25 =	sadd.s32 s6, s8;
	[tilespmem:s7+$0x500] =	vst v7;
	v7 =	vadd.f32 v10, v4;
	v10 =	vld [tilespmem:s20+$0x0]  }
0x25b: {  	s16 =	simm.s32 $0x200;
	s18 =	simm.s32 $0x40;
	s26 =	sadd.s32 s6, s1;
	v9 =	vld [tilespmem:s25+$0x0];
	v14 =	vadd.f32 v12, v3  }
0x25c: {  	s0 =	sadd.s32 s9, s8;
	s24 =	sadd.s32 s9, s1;
	s8 =	sadd.s32 s6, s11;
	[tilespmem:s10+$0x500] =	vst v7;
	v7 =	vld [tilespmem:s26+$0x0];
	v13 =	vadd.f32 v13, v3  }
0x25d: {  	s31 =	sadd.s32 s3, s1;
	s6 =	sadd.s32 s9, s11;
	s7 =	simm.s32 $0x0;
	v12 =	vadd.f32 v8, v6;
	v8 =	vld [tilespmem:s8+$0x0];
	[tilespmem:s22+$0x0] =	vst v14  }
.LBB2_15:
0x25e: {  	s17 =	sand.u32 $0x40, s18;
	s1 =	sand.u32 $0x1C00, s16;
	v11 =	vadd.f32 v11, v6;
	v14 =	vld [tilespmem:s0+$0x0];
	[tilespmem:s15+$0x0] =	vst v13  }
0x25f: {  	s7 =	sadd.s32 $0x4, s7;
	s3 =	sor.u32 s28, s1;
	s5 =	sor.u32 $0x30, s17;
	[tilespmem:s21+$0x0] =	vst v12;
	v6 =	vadd.f32 v10, v6;
	v10 =	vld [tilespmem:s24+$0x0]  }
0x260: {  	s4 =	sor.u32 $0x10, s17;
	p0 =	slt.u32 s7, $0x3C;
	s9 =	sor.u32 s5, s3;
	[tilespmem:s19+$0x0] =	vst v11;
	v9 =	vadd.f32 v9, v5;
	v11 =	vld [tilespmem:s6+$0x0]  }
0x261: {  	s12 =	sor.u32 $0x20, s17;
	s10 =	sor.u32 s17, s3;
	s11 =	sor.u32 s4, s3;
	v12 =	vld [tilespmem:s9+$0x1A500];
	[tilespmem:s20+$0x0] =	vst v6;
	v7 =	vadd.f32 v7, v5  }
0x262: {  	s13 =	sadd.s32 s1, s30;
	s14 =	sadd.s32 s1, s2;
	s3 =	sor.u32 s12, s3;
	v13 =	vld [tilespmem:s9+$0x500];
	[tilespmem:s25+$0x0] =	vst v9;
	v5 =	vadd.f32 v8, v5  }
0x263: {  	s21 =	sadd.s32 s17, s13;
	s19 =	sadd.s32 s17, s14;
	s25 =	sadd.s32 s4, s13;
	v6 =	vld [tilespmem:s10+$0x1A500];
	[tilespmem:s26+$0x0] =	vst v7;
	v7 =	vadd.f32 v14, v4  }
0x264: {  	s22 =	sadd.s32 s12, s14;
	s20 =	sadd.s32 s12, s13;
	s26 =	sadd.s32 s4, s14;
	v8 =	vld [tilespmem:s10+$0x500];
	[tilespmem:s8+$0x0] =	vst v5;
	v9 =	vadd.f32 v10, v4  }
0x265: {  	s15 =	sadd.s32 s5, s13;
	s13 =	sadd.s32 s5, s14;
	v5 =	vld [tilespmem:s11+$0x1A500];
	[tilespmem:s0+$0x0] =	vst v7;
	v7 =	vadd.f32 v11, v4;
	s0 =	smov.u32 s20  }
0x266: {  	v10 =	vld [tilespmem:s11+$0x500];
	[tilespmem:s24+$0x0] =	vst v9;
	s24 =	smov.u32 s22  }
0x267: {  	v4 =	vld [tilespmem:s3+$0x1A500];
	v9 =	vadd.f32 v13, v12;
	[tilespmem:s6+$0x0] =	vst v7  }
0x268: {  	s1 =	sadd.s32 s1, s29;
	v7 =	vld [tilespmem:s3+$0x500]  }
0x269: {  	s8 =	sadd.s32 s4, s1;
	s4 =	sadd.s32 s5, s1;
	s20 =	sadd.s32 s17, s1;
	v8 =	vadd.f32 v8, v6;
	[tilespmem:s9+$0x500] =	vst v9;
	v9 =	vld [tilespmem:s31+$0x0]  }
0x26a: {  	s6 =	sadd.s32 s12, s1;
	v13 =	vld [tilespmem:s4+$0x0]  }
0x26b: {  	[tilespmem:s10+$0x500] =	vst v8;
	v8 =	vadd.f32 v10, v5;
	v14 =	vld [tilespmem:s15+$0x0]  }
0x26c: {  	v15 =	vld [tilespmem:s21+$0x0]  }
.Ltmp6:
0x26d: {  	v11 =	vld [tilespmem:s19+$0x0];
	[tilespmem:s11+$0x500] =	vst v8;
	v7 =	vadd.f32 v7, v4;
	(pc) =	sbr.rel @p0 .LBB2_15-.Ltmp6, $4  }
0x26e: {  	v10 =	vld [tilespmem:s20+$0x0];
	v8 =	vadd.f32 v9, v3;
	v3 =	vmov v12  }
0x26f: {  	v9 =	vld [tilespmem:s25+$0x0];
	[tilespmem:s3+$0x500] =	vst v7;
	v16 =	vadd.f32 v13, v3  }
0x270: {  	v7 =	vld [tilespmem:s26+$0x0];
	v13 =	vadd.f32 v14, v3;
	[tilespmem:s31+$0x0] =	vst v8;
	s31 =	smov.u32 s13  }
0x271: {  	s16 =	sadd.s32 $0x200, s16;
	s18 =	sadd.s32 $0x40, s18;
	v12 =	vadd.f32 v15, v6;
	v8 =	vld [tilespmem:s8+$0x0];
	[tilespmem:s4+$0x0] =	vst v16  }
0x272: {  	v11 =	vadd.f32 v11, v6;
	v14 =	vld [tilespmem:s0+$0x0];
	[tilespmem:s15+$0x0] =	vst v13  }
0x273: {  	v56 =	vld [tilespmem:s24+$0x0];
	[tilespmem:s21+$0x0] =	vst v12;
	v55 =	vadd.f32 v10, v6  }
0x274: {  	v59 =	vld [tilespmem:s31+$0x0];
	[tilespmem:s19+$0x0] =	vst v11;
	v9 =	vadd.f32 v9, v5  }
0x275: {  	v57 =	vld [tilespmem:s6+$0x0];
	[tilespmem:s20+$0x0] =	vst v55;
	v58 =	vadd.f32 v7, v5  }
0x276: {  	s23 =	sadd.s32 $0x1, s23;
	[tilespmem:s25+$0x0] =	vst v9;
	v60 =	vadd.f32 v8, v5  }
0x277: {  	p0 =	sne.s32 s23, $0x8;
	[tilespmem:s26+$0x0] =	vst v58;
	v61 =	vadd.f32 v14, v4  }
.Ltmp7:
0x278: {  	v62 =	vadd.f32 v56, v4;
	[tilespmem:s8+$0x0] =	vst v60;
	(pc) =	sbr.rel @p0 .LBB2_14-.Ltmp7, $4  }
0x279: {  	v3 =	vadd.f32 v59, v3;
	[tilespmem:s0+$0x0] =	vst v61  }
0x27a: {  	v63 =	vadd.f32 v57, v4;
	[tilespmem:s24+$0x0] =	vst v62  }
0x27b: {  	[tilespmem:s31+$0x0] =	vst v3  }
0x27c: {  	[tilespmem:s6+$0x0] =	vst v63  }
0x27d: {  	v3 =	vld [tilespmem:$0x280];
	_ =	sdelay $0x4  }
0x27e: {  	v4 =	vshll.u32 v3, $0x3  }
0x27f: {  	v3 =	vand.u32 $0x7, v3;
	v4 =	vand.u32 $0xFFFFFFC0, v4  }
0x280: {  	v3 =	vor.u32 v3, v4  }
0x281: {  	v4 =	vperm.xlane v3, v0;
	_ =	sdelay $0x1  }
0x282: {  	v4 =	vadd.s32 v1, v4;
	_ =	sdelay $0x3  }
0x283: {  	s5 =	simm.s32 $0x0;
	s0 =	rddreg [dreg:$0x3];
	s1 =	simm.s32 $0x500  }
0x284: {  	[hbm4b:s0+s5] =	stream.indirect_vreg.scatter [tilespmem:s1], [sflag:$0x6], $0x80, v4, vm0, $0xb8;
	[tilespmem:$0x1C500] =	vst v63  }
0x285: {  	s18 =	rddreg [dreg:$0xc];
	s2 =	simm.s32 $0xD00;
	v3 =	vperm.xlane v3, v2  }
0x286: {  	[hbm4b:s18+s5] =	stream.indirect_vreg.scatter [tilespmem:s2], [sflag:$0x6], $0x80, v4, vm0, $0xb8;
	[tilespmem:$0x1C500] =	vst v63  }
0x287: {  	s19 =	rddreg [dreg:$0xd];
	s3 =	simm.s32 $0x1500;
	v3 =	vadd.s32 v1, v3  }
0x288: {  	[hbm4b:s19+s5] =	stream.indirect_vreg.scatter [tilespmem:s3], [sflag:$0x6], $0x80, v4, vm0, $0xb8;
	[tilespmem:$0x1C500] =	vst v63  }
0x289: {  	s20 =	rddreg [dreg:$0xe];
	s4 =	simm.s32 $0x1D00  }
0x28a: {  	[hbm4b:s20+s5] =	stream.indirect_vreg.scatter [tilespmem:s4], [sflag:$0x6], $0x80, v4, vm0, $0xb8;
	[tilespmem:$0x1C500] =	vst v63  }
0x28b: {  	s21 =	simm.s32 $0x2500  }
0x28c: {  	[hbm4b:s0+s5] =	stream.indirect_vreg.scatter [tilespmem:s21], [sflag:$0x6], $0x80, v3, vm0, $0xb8;
	[tilespmem:$0x1C500] =	vst v63  }
0x28d: {  	s22 =	simm.s32 $0x2D00  }
0x28e: {  	[hbm4b:s18+s5] =	stream.indirect_vreg.scatter [tilespmem:s22], [sflag:$0x6], $0x80, v3, vm0, $0xb8;
	[tilespmem:$0x1C500] =	vst v63  }
0x28f: {  	s23 =	simm.s32 $0x3500  }
0x290: {  	[hbm4b:s19+s5] =	stream.indirect_vreg.scatter [tilespmem:s23], [sflag:$0x6], $0x80, v3, vm0, $0xb8;
	[tilespmem:$0x1C500] =	vst v63  }
0x291: {  	s24 =	simm.s32 $0x3D00  }
0x292: {  	[hbm4b:s20+s5] =	stream.indirect_vreg.scatter [tilespmem:s24], [sflag:$0x6], $0x80, v3, vm0, $0xb8;
	[tilespmem:$0x1C500] =	vst v63  }
0x293: {  	v3 =	vld [tilespmem:$0x290];
	_ =	sdelay $0x4  }
0x294: {  	v61 =	vshll.u32 v3, $0x3  }
0x295: {  	v3 =	vand.u32 $0x7, v3;
	v4 =	vand.u32 $0xFFFFFFC0, v61  }
0x296: {  	v3 =	vor.u32 v3, v4  }
0x297: {  	v4 =	vperm.xlane v3, v0;
	_ =	sdelay $0x1  }
0x298: {  	v4 =	vadd.s32 v1, v4;
	_ =	sdelay $0x3  }
0x299: {  	s25 =	simm.s32 $0x4500  }
0x29a: {  	[hbm4b:s0+s5] =	stream.indirect_vreg.scatter [tilespmem:s25], [sflag:$0x6], $0x80, v4, vm0, $0xb8;
	[tilespmem:$0x1C500] =	vst v63  }
0x29b: {  	s26 =	simm.s32 $0x4D00;
	v3 =	vperm.xlane v3, v2  }
0x29c: {  	[hbm4b:s18+s5] =	stream.indirect_vreg.scatter [tilespmem:s26], [sflag:$0x6], $0x80, v4, vm0, $0xb8;
	[tilespmem:$0x1C500] =	vst v63  }
0x29d: {  	s28 =	simm.s32 $0x5500;
	v3 =	vadd.s32 v1, v3  }
0x29e: {  	[hbm4b:s19+s5] =	stream.indirect_vreg.scatter [tilespmem:s28], [sflag:$0x6], $0x80, v4, vm0, $0xb8;
	[tilespmem:$0x1C500] =	vst v63  }
0x29f: {  	s29 =	simm.s32 $0x5D00  }
0x2a0: {  	[hbm4b:s20+s5] =	stream.indirect_vreg.scatter [tilespmem:s29], [sflag:$0x6], $0x80, v4, vm0, $0xb8;
	[tilespmem:$0x1C500] =	vst v63  }
0x2a1: {  	s30 =	simm.s32 $0x6500  }
0x2a2: {  	[hbm4b:s0+s5] =	stream.indirect_vreg.scatter [tilespmem:s30], [sflag:$0x6], $0x80, v3, vm0, $0xb8;
	[tilespmem:$0x1C500] =	vst v63  }
0x2a3: {  	s31 =	simm.s32 $0x6D00  }
0x2a4: {  	[hbm4b:s18+s5] =	stream.indirect_vreg.scatter [tilespmem:s31], [sflag:$0x6], $0x80, v3, vm0, $0xb8;
	[tilespmem:$0x1C500] =	vst v63  }
0x2a5: {  	s4 =	simm.s32 $0x7500  }
0x2a6: {  	[hbm4b:s19+s5] =	stream.indirect_vreg.scatter [tilespmem:s4], [sflag:$0x6], $0x80, v3, vm0, $0xb8;
	[tilespmem:$0x1C500] =	vst v63  }
0x2a7: {  	s6 =	simm.s32 $0x7D00  }
0x2a8: {  	[hbm4b:s20+s5] =	stream.indirect_vreg.scatter [tilespmem:s6], [sflag:$0x6], $0x80, v3, vm0, $0xb8;
	[tilespmem:$0x1C500] =	vst v63  }
0x2a9: {  	s7 =	rddreg [dreg:$0x12];
	s8 =	simm.s32 $0x1A500;
	s9 =	simm.s32 $0x8  }
0x2aa: {  	[tilespmem:s8], [sflag:$0x5] =	stream.linear.gather [hbm4b:s7+s5], $0x2000, $0x38;
	[tilespmem:$0x1C500] =	vst v63  }
0x2ab: {  	_ =	swait.ge [sflag:s9], $0x8000  }
0x2ac: {  	[sflag:s9] =	ssyncset.done $0x0  }
0x2ad: {  	[sflag:s9] =	ssyncadd.s32 $0xFFFF8000  }
0x2ae: {  	v3 =	vld [tilespmem:$0xA0];
	_ =	sdelay $0x4  }
0x2af: {  	v62 =	vshll.u32 v3, $0x3  }
0x2b0: {  	v3 =	vand.u32 $0x7, v3;
	v4 =	vand.u32 $0xFFFFFFC0, v62  }
0x2b1: {  	v3 =	vor.u32 v3, v4  }
0x2b2: {  	v4 =	vperm.xlane v3, v0;
	_ =	sdelay $0x1  }
0x2b3: {  	v4 =	vadd.s32 v1, v4;
	_ =	sdelay $0x3  }
0x2b4: {  	s10 =	simm.s32 $0x10500;
	s0 =	rddreg [dreg:$0x1]  }
0x2b5: {  	[tilespmem:s10], [sflag:$0x3] =	stream.indirect_vreg.gather [hbm4b:s0+s5], $0x80, v4, vm0, $0xb8;
	[tilespmem:$0x1C500] =	vst v63  }
0x2b6: {  	s12 =	simm.s32 $0x10D00;
	s11 =	rddreg [dreg:$0x9];
	v3 =	vperm.xlane v3, v2  }
0x2b7: {  	[tilespmem:s12], [sflag:$0x3] =	stream.indirect_vreg.gather [hbm4b:s11+s5], $0x80, v4, vm0, $0xb8;
	[tilespmem:$0x1C500] =	vst v63  }
0x2b8: {  	s14 =	simm.s32 $0x11500;
	s13 =	rddreg [dreg:$0xa];
	v3 =	vadd.s32 v1, v3  }
0x2b9: {  	[tilespmem:s14], [sflag:$0x3] =	stream.indirect_vreg.gather [hbm4b:s13+s5], $0x80, v4, vm0, $0xb8;
	[tilespmem:$0x1C500] =	vst v63  }
0x2ba: {  	s16 =	simm.s32 $0x11D00;
	s15 =	rddreg [dreg:$0xb]  }
0x2bb: {  	[tilespmem:s16], [sflag:$0x3] =	stream.indirect_vreg.gather [hbm4b:s15+s5], $0x80, v4, vm0, $0xb8;
	[tilespmem:$0x1C500] =	vst v63  }
0x2bc: {  	s17 =	simm.s32 $0x12500  }
0x2bd: {  	[tilespmem:s17], [sflag:$0x3] =	stream.indirect_vreg.gather [hbm4b:s0+s5], $0x80, v3, vm0, $0xb8;
	[tilespmem:$0x1C500] =	vst v63  }
0x2be: {  	s18 =	simm.s32 $0x12D00  }
0x2bf: {  	[tilespmem:s18], [sflag:$0x3] =	stream.indirect_vreg.gather [hbm4b:s11+s5], $0x80, v3, vm0, $0xb8;
	[tilespmem:$0x1C500] =	vst v63  }
0x2c0: {  	s19 =	simm.s32 $0x13500  }
0x2c1: {  	[tilespmem:s19], [sflag:$0x3] =	stream.indirect_vreg.gather [hbm4b:s13+s5], $0x80, v3, vm0, $0xb8;
	[tilespmem:$0x1C500] =	vst v63  }
0x2c2: {  	s20 =	simm.s32 $0x13D00  }
0x2c3: {  	[tilespmem:s20], [sflag:$0x3] =	stream.indirect_vreg.gather [hbm4b:s15+s5], $0x80, v3, vm0, $0xb8;
	[tilespmem:$0x1C500] =	vst v63  }
0x2c4: {  	v3 =	vld [tilespmem:$0xB0];
	_ =	sdelay $0x4  }
0x2c5: {  	v63 =	vshll.u32 v3, $0x3  }
0x2c6: {  	v3 =	vand.u32 $0x7, v3;
	v4 =	vand.u32 $0xFFFFFFC0, v63  }
0x2c7: {  	v3 =	vor.u32 v3, v4  }
0x2c8: {  	v4 =	vperm.xlane v3, v0;
	_ =	sdelay $0x1  }
0x2c9: {  	v4 =	vadd.s32 v1, v4;
	_ =	sdelay $0x3  }
0x2ca: {  	s21 =	simm.s32 $0x14500  }
0x2cb: {  	[tilespmem:s21], [sflag:$0x3] =	stream.indirect_vreg.gather [hbm4b:s0+s5], $0x80, v4, vm0, $0xb8;
	[tilespmem:$0x1C500] =	vst v63  }
0x2cc: {  	s22 =	simm.s32 $0x14D00;
	v3 =	vperm.xlane v3, v2  }
0x2cd: {  	[tilespmem:s22], [sflag:$0x3] =	stream.indirect_vreg.gather [hbm4b:s11+s5], $0x80, v4, vm0, $0xb8;
	[tilespmem:$0x1C500] =	vst v63  }
0x2ce: {  	s23 =	simm.s32 $0x15500;
	v3 =	vadd.s32 v1, v3  }
0x2cf: {  	[tilespmem:s23], [sflag:$0x3] =	stream.indirect_vreg.gather [hbm4b:s13+s5], $0x80, v4, vm0, $0xb8;
	[tilespmem:$0x1C500] =	vst v63  }
0x2d0: {  	s24 =	simm.s32 $0x15D00  }
0x2d1: {  	[tilespmem:s24], [sflag:$0x3] =	stream.indirect_vreg.gather [hbm4b:s15+s5], $0x80, v4, vm0, $0xb8;
	[tilespmem:$0x1C500] =	vst v63  }
0x2d2: {  	s25 =	simm.s32 $0x16500  }
0x2d3: {  	[tilespmem:s25], [sflag:$0x3] =	stream.indirect_vreg.gather [hbm4b:s0+s5], $0x80, v3, vm0, $0xb8;
	[tilespmem:$0x1C500] =	vst v63  }
0x2d4: {  	s26 =	simm.s32 $0x16D00  }
0x2d5: {  	[tilespmem:s26], [sflag:$0x3] =	stream.indirect_vreg.gather [hbm4b:s11+s5], $0x80, v3, vm0, $0xb8;
	[tilespmem:$0x1C500] =	vst v63  }
0x2d6: {  	s28 =	simm.s32 $0x17500  }
0x2d7: {  	[tilespmem:s28], [sflag:$0x3] =	stream.indirect_vreg.gather [hbm4b:s13+s5], $0x80, v3, vm0, $0xb8;
	[tilespmem:$0x1C500] =	vst v63  }
0x2d8: {  	s29 =	simm.s32 $0x17D00;
	s30 =	simm.s32 $0x2  }
0x2d9: {  	[tilespmem:s29], [sflag:$0x3] =	stream.indirect_vreg.gather [hbm4b:s15+s5], $0x80, v3, vm0, $0xb8;
	[tilespmem:$0x1C500] =	vst v63  }
0x2da: {  	_ =	swait.ge [sflag:s30], $0x8000  }
0x2db: {  	[sflag:s30] =	ssyncset.done $0x0  }
0x2dc: {  	s31 =	simm.s32 $0x4;
	[sflag:s30] =	ssyncadd.s32 $0xFFFF8000  }
0x2dd: {  	_ =	swait.ge [sflag:s31], $0x2000  }
0x2de: {  	[sflag:s31] =	ssyncset.done $0x0  }
0x2df: {  	s23 =	simm.s32 $0x0;
	[sflag:s31] =	ssyncadd.s32 $0xFFFFE000  }
.LBB2_18:
0x2e0: {  	s1 =	simm.s32 $0x0  }
0x2e1: {  	s28 =	sshll.u32 s23, $0x7;
	s0 =	sand.u32 $0x40, s1;
	s1 =	sand.u32 $0x1C00, s1  }
0x2e2: {  	s2 =	sor.u32 s28, s1;
	s3 =	sor.u32 $0x30, s0  }
0x2e3: {  	s4 =	sor.u32 s3, s2  }
0x2e4: {  	v3 =	vld [tilespmem:s4+$0x18500]  }
0x2e5: {  	s5 =	sor.u32 s0, s2;
	v4 =	vld [tilespmem:s4+$0x8500]  }
0x2e6: {  	v6 =	vld [tilespmem:s5+$0x18500]  }
0x2e7: {  	s6 =	sor.u32 $0x10, s0;
	v7 =	vld [tilespmem:s5+$0x8500]  }
0x2e8: {  	s7 =	sor.u32 s6, s2  }
0x2e9: {  	s9 =	sor.u32 $0x20, s0;
	v5 =	vld [tilespmem:s7+$0x18500]  }
0x2ea: {  	s29 =	sadd.s32 $0xE500, s28;
	s10 =	sor.u32 s9, s2;
	v8 =	vld [tilespmem:s7+$0x8500];
	v9 =	vadd.f32 v4, v3  }
0x2eb: {  	s30 =	sadd.s32 $0xA500, s28;
	s11 =	sadd.s32 s1, s29;
	v10 =	vld [tilespmem:s10+$0x8500]  }
0x2ec: {  	s8 =	sadd.s32 s1, s30;
	s22 =	sadd.s32 s3, s11;
	v4 =	vld [tilespmem:s10+$0x18500];
	v7 =	vadd.f32 v7, v6;
	[tilespmem:s4+$0x8500] =	vst v9  }
0x2ed: {  	s2 =	sadd.s32 $0xC500, s28;
	s15 =	sadd.s32 s3, s8;
	v12 =	vld [tilespmem:s22+$0x0]  }
0x2ee: {  	s21 =	sadd.s32 s0, s8;
	s1 =	sadd.s32 s1, s2;
	[tilespmem:s5+$0x8500] =	vst v7;
	v13 =	vld [tilespmem:s15+$0x0]  }
0x2ef: {  	s19 =	sadd.s32 s0, s1;
	v7 =	vadd.f32 v8, v5;
	v8 =	vld [tilespmem:s21+$0x0]  }
0x2f0: {  	s20 =	sadd.s32 s0, s11;
	v11 =	vld [tilespmem:s19+$0x0]  }
0x2f1: {  	s25 =	sadd.s32 s6, s8;
	[tilespmem:s7+$0x8500] =	vst v7;
	v7 =	vadd.f32 v10, v4;
	v10 =	vld [tilespmem:s20+$0x0]  }
0x2f2: {  	s16 =	simm.s32 $0x200;
	s18 =	simm.s32 $0x40;
	s26 =	sadd.s32 s6, s1;
	v9 =	vld [tilespmem:s25+$0x0];
	v14 =	vadd.f32 v12, v3  }
0x2f3: {  	s0 =	sadd.s32 s9, s8;
	s24 =	sadd.s32 s9, s1;
	s8 =	sadd.s32 s6, s11;
	[tilespmem:s10+$0x8500] =	vst v7;
	v7 =	vld [tilespmem:s26+$0x0];
	v13 =	vadd.f32 v13, v3  }
0x2f4: {  	s31 =	sadd.s32 s3, s1;
	s6 =	sadd.s32 s9, s11;
	s7 =	simm.s32 $0x0;
	v12 =	vadd.f32 v8, v6;
	v8 =	vld [tilespmem:s8+$0x0];
	[tilespmem:s22+$0x0] =	vst v14  }
.LBB2_19:
0x2f5: {  	s17 =	sand.u32 $0x40, s18;
	s1 =	sand.u32 $0x1C00, s16;
	v11 =	vadd.f32 v11, v6;
	v14 =	vld [tilespmem:s0+$0x0];
	[tilespmem:s15+$0x0] =	vst v13  }
0x2f6: {  	s7 =	sadd.s32 $0x4, s7;
	s3 =	sor.u32 s28, s1;
	s5 =	sor.u32 $0x30, s17;
	[tilespmem:s21+$0x0] =	vst v12;
	v6 =	vadd.f32 v10, v6;
	v10 =	vld [tilespmem:s24+$0x0]  }
0x2f7: {  	s4 =	sor.u32 $0x10, s17;
	p0 =	slt.u32 s7, $0x3C;
	s9 =	sor.u32 s5, s3;
	[tilespmem:s19+$0x0] =	vst v11;
	v9 =	vadd.f32 v9, v5;
	v11 =	vld [tilespmem:s6+$0x0]  }
0x2f8: {  	s12 =	sor.u32 $0x20, s17;
	s10 =	sor.u32 s17, s3;
	s11 =	sor.u32 s4, s3;
	v12 =	vld [tilespmem:s9+$0x18500];
	[tilespmem:s20+$0x0] =	vst v6;
	v7 =	vadd.f32 v7, v5  }
0x2f9: {  	s13 =	sadd.s32 s1, s30;
	s14 =	sadd.s32 s1, s2;
	s3 =	sor.u32 s12, s3;
	v13 =	vld [tilespmem:s9+$0x8500];
	[tilespmem:s25+$0x0] =	vst v9;
	v5 =	vadd.f32 v8, v5  }
0x2fa: {  	s21 =	sadd.s32 s17, s13;
	s19 =	sadd.s32 s17, s14;
	s25 =	sadd.s32 s4, s13;
	v6 =	vld [tilespmem:s10+$0x18500];
	[tilespmem:s26+$0x0] =	vst v7;
	v7 =	vadd.f32 v14, v4  }
0x2fb: {  	s22 =	sadd.s32 s12, s14;
	s20 =	sadd.s32 s12, s13;
	s26 =	sadd.s32 s4, s14;
	v8 =	vld [tilespmem:s10+$0x8500];
	[tilespmem:s8+$0x0] =	vst v5;
	v9 =	vadd.f32 v10, v4  }
0x2fc: {  	s15 =	sadd.s32 s5, s13;
	s13 =	sadd.s32 s5, s14;
	v5 =	vld [tilespmem:s11+$0x18500];
	[tilespmem:s0+$0x0] =	vst v7;
	v7 =	vadd.f32 v11, v4;
	s0 =	smov.u32 s20  }
0x2fd: {  	v10 =	vld [tilespmem:s11+$0x8500];
	[tilespmem:s24+$0x0] =	vst v9;
	s24 =	smov.u32 s22  }
0x2fe: {  	v4 =	vld [tilespmem:s3+$0x18500];
	v9 =	vadd.f32 v13, v12;
	[tilespmem:s6+$0x0] =	vst v7  }
0x2ff: {  	s1 =	sadd.s32 s1, s29;
	v7 =	vld [tilespmem:s3+$0x8500]  }
0x300: {  	s8 =	sadd.s32 s4, s1;
	s4 =	sadd.s32 s5, s1;
	s20 =	sadd.s32 s17, s1;
	v8 =	vadd.f32 v8, v6;
	[tilespmem:s9+$0x8500] =	vst v9;
	v9 =	vld [tilespmem:s31+$0x0]  }
0x301: {  	s6 =	sadd.s32 s12, s1;
	v13 =	vld [tilespmem:s4+$0x0]  }
0x302: {  	[tilespmem:s10+$0x8500] =	vst v8;
	v8 =	vadd.f32 v10, v5;
	v14 =	vld [tilespmem:s15+$0x0]  }
0x303: {  	v15 =	vld [tilespmem:s21+$0x0]  }
.Ltmp8:
0x304: {  	v11 =	vld [tilespmem:s19+$0x0];
	[tilespmem:s11+$0x8500] =	vst v8;
	v7 =	vadd.f32 v7, v4;
	(pc) =	sbr.rel @p0 .LBB2_19-.Ltmp8, $4  }
0x305: {  	v10 =	vld [tilespmem:s20+$0x0];
	v8 =	vadd.f32 v9, v3;
	v3 =	vmov v12  }
0x306: {  	v9 =	vld [tilespmem:s25+$0x0];
	[tilespmem:s3+$0x8500] =	vst v7;
	v16 =	vadd.f32 v13, v3  }
0x307: {  	v7 =	vld [tilespmem:s26+$0x0];
	v13 =	vadd.f32 v14, v3;
	[tilespmem:s31+$0x0] =	vst v8;
	s31 =	smov.u32 s13  }
0x308: {  	s16 =	sadd.s32 $0x200, s16;
	s18 =	sadd.s32 $0x40, s18;
	v12 =	vadd.f32 v15, v6;
	v8 =	vld [tilespmem:s8+$0x0];
	[tilespmem:s4+$0x0] =	vst v16  }
0x309: {  	v11 =	vadd.f32 v11, v6;
	v14 =	vld [tilespmem:s0+$0x0];
	[tilespmem:s15+$0x0] =	vst v13  }
0x30a: {  	v56 =	vld [tilespmem:s24+$0x0];
	[tilespmem:s21+$0x0] =	vst v12;
	v55 =	vadd.f32 v10, v6  }
0x30b: {  	v59 =	vld [tilespmem:s31+$0x0];
	[tilespmem:s19+$0x0] =	vst v11;
	v9 =	vadd.f32 v9, v5  }
0x30c: {  	v57 =	vld [tilespmem:s6+$0x0];
	[tilespmem:s20+$0x0] =	vst v55;
	v58 =	vadd.f32 v7, v5  }
0x30d: {  	s23 =	sadd.s32 $0x1, s23;
	[tilespmem:s25+$0x0] =	vst v9;
	v60 =	vadd.f32 v8, v5  }
0x30e: {  	p0 =	sne.s32 s23, $0x8;
	[tilespmem:s26+$0x0] =	vst v58;
	v61 =	vadd.f32 v14, v4  }
.Ltmp9:
0x30f: {  	v62 =	vadd.f32 v56, v4;
	[tilespmem:s8+$0x0] =	vst v60;
	(pc) =	sbr.rel @p0 .LBB2_18-.Ltmp9, $4  }
0x310: {  	v3 =	vadd.f32 v59, v3;
	[tilespmem:s0+$0x0] =	vst v61  }
0x311: {  	v63 =	vadd.f32 v57, v4;
	[tilespmem:s24+$0x0] =	vst v62  }
0x312: {  	[tilespmem:s31+$0x0] =	vst v3  }
0x313: {  	[tilespmem:s6+$0x0] =	vst v63  }
0x314: {  	v3 =	vld [tilespmem:$0x300];
	_ =	sdelay $0x4  }
0x315: {  	v4 =	vshll.u32 v3, $0x3  }
0x316: {  	v3 =	vand.u32 $0x7, v3;
	v4 =	vand.u32 $0xFFFFFFC0, v4  }
0x317: {  	v3 =	vor.u32 v3, v4  }
0x318: {  	v4 =	vperm.xlane v3, v0;
	_ =	sdelay $0x1  }
0x319: {  	v4 =	vadd.s32 v1, v4;
	_ =	sdelay $0x3  }
0x31a: {  	s5 =	simm.s32 $0x0;
	s0 =	rddreg [dreg:$0x3];
	s1 =	simm.s32 $0x8500  }
0x31b: {  	[hbm4b:s0+s5] =	stream.indirect_vreg.scatter [tilespmem:s1], [sflag:$0x7], $0x80, v4, vm0, $0xb8;
	[tilespmem:$0x1C500] =	vst v63  }
0x31c: {  	s18 =	rddreg [dreg:$0xc];
	s2 =	simm.s32 $0x8D00;
	v3 =	vperm.xlane v3, v2  }
0x31d: {  	[hbm4b:s18+s5] =	stream.indirect_vreg.scatter [tilespmem:s2], [sflag:$0x7], $0x80, v4, vm0, $0xb8;
	[tilespmem:$0x1C500] =	vst v63  }
0x31e: {  	s19 =	rddreg [dreg:$0xd];
	s3 =	simm.s32 $0x9500;
	v3 =	vadd.s32 v1, v3  }
0x31f: {  	[hbm4b:s19+s5] =	stream.indirect_vreg.scatter [tilespmem:s3], [sflag:$0x7], $0x80, v4, vm0, $0xb8;
	[tilespmem:$0x1C500] =	vst v63  }
0x320: {  	s20 =	rddreg [dreg:$0xe];
	s4 =	simm.s32 $0x9D00  }
0x321: {  	[hbm4b:s20+s5] =	stream.indirect_vreg.scatter [tilespmem:s4], [sflag:$0x7], $0x80, v4, vm0, $0xb8;
	[tilespmem:$0x1C500] =	vst v63  }
0x322: {  	s21 =	simm.s32 $0xA500  }
0x323: {  	[hbm4b:s0+s5] =	stream.indirect_vreg.scatter [tilespmem:s21], [sflag:$0x7], $0x80, v3, vm0, $0xb8;
	[tilespmem:$0x1C500] =	vst v63  }
0x324: {  	s22 =	simm.s32 $0xAD00  }
0x325: {  	[hbm4b:s18+s5] =	stream.indirect_vreg.scatter [tilespmem:s22], [sflag:$0x7], $0x80, v3, vm0, $0xb8;
	[tilespmem:$0x1C500] =	vst v63  }
0x326: {  	s23 =	simm.s32 $0xB500  }
0x327: {  	[hbm4b:s19+s5] =	stream.indirect_vreg.scatter [tilespmem:s23], [sflag:$0x7], $0x80, v3, vm0, $0xb8;
	[tilespmem:$0x1C500] =	vst v63  }
0x328: {  	s24 =	simm.s32 $0xBD00  }
0x329: {  	[hbm4b:s20+s5] =	stream.indirect_vreg.scatter [tilespmem:s24], [sflag:$0x7], $0x80, v3, vm0, $0xb8;
	[tilespmem:$0x1C500] =	vst v63  }
0x32a: {  	v3 =	vld [tilespmem:$0x310];
	_ =	sdelay $0x4  }
0x32b: {  	v61 =	vshll.u32 v3, $0x3  }
0x32c: {  	v3 =	vand.u32 $0x7, v3;
	v4 =	vand.u32 $0xFFFFFFC0, v61  }
0x32d: {  	v3 =	vor.u32 v3, v4  }
0x32e: {  	v4 =	vperm.xlane v3, v0;
	_ =	sdelay $0x1  }
0x32f: {  	v4 =	vadd.s32 v1, v4;
	_ =	sdelay $0x3  }
0x330: {  	s25 =	simm.s32 $0xC500  }
0x331: {  	[hbm4b:s0+s5] =	stream.indirect_vreg.scatter [tilespmem:s25], [sflag:$0x7], $0x80, v4, vm0, $0xb8;
	[tilespmem:$0x1C500] =	vst v63  }
0x332: {  	s26 =	simm.s32 $0xCD00;
	v3 =	vperm.xlane v3, v2  }
0x333: {  	[hbm4b:s18+s5] =	stream.indirect_vreg.scatter [tilespmem:s26], [sflag:$0x7], $0x80, v4, vm0, $0xb8;
	[tilespmem:$0x1C500] =	vst v63  }
0x334: {  	s28 =	simm.s32 $0xD500;
	v3 =	vadd.s32 v1, v3  }
0x335: {  	[hbm4b:s19+s5] =	stream.indirect_vreg.scatter [tilespmem:s28], [sflag:$0x7], $0x80, v4, vm0, $0xb8;
	[tilespmem:$0x1C500] =	vst v63  }
0x336: {  	s29 =	simm.s32 $0xDD00  }
0x337: {  	[hbm4b:s20+s5] =	stream.indirect_vreg.scatter [tilespmem:s29], [sflag:$0x7], $0x80, v4, vm0, $0xb8;
	[tilespmem:$0x1C500] =	vst v63  }
0x338: {  	s30 =	simm.s32 $0xE500  }
0x339: {  	[hbm4b:s0+s5] =	stream.indirect_vreg.scatter [tilespmem:s30], [sflag:$0x7], $0x80, v3, vm0, $0xb8;
	[tilespmem:$0x1C500] =	vst v63  }
0x33a: {  	s31 =	simm.s32 $0xED00  }
0x33b: {  	[hbm4b:s18+s5] =	stream.indirect_vreg.scatter [tilespmem:s31], [sflag:$0x7], $0x80, v3, vm0, $0xb8;
	[tilespmem:$0x1C500] =	vst v63  }
0x33c: {  	s4 =	simm.s32 $0xF500  }
0x33d: {  	[hbm4b:s19+s5] =	stream.indirect_vreg.scatter [tilespmem:s4], [sflag:$0x7], $0x80, v3, vm0, $0xb8;
	[tilespmem:$0x1C500] =	vst v63  }
0x33e: {  	s6 =	simm.s32 $0xFD00  }
0x33f: {  	[hbm4b:s20+s5] =	stream.indirect_vreg.scatter [tilespmem:s6], [sflag:$0x7], $0x80, v3, vm0, $0xb8;
	[tilespmem:$0x1C500] =	vst v63  }
0x340: {  	s7 =	rddreg [dreg:$0x13];
	s8 =	simm.s32 $0x18500;
	s9 =	simm.s32 $0x6  }
0x341: {  	[tilespmem:s8], [sflag:$0x4] =	stream.linear.gather [hbm4b:s7+s5], $0x2000, $0x38;
	[tilespmem:$0x1C500] =	vst v63  }
0x342: {  	_ =	swait.ge [sflag:s9], $0x8000  }
0x343: {  	[sflag:s9] =	ssyncset.done $0x0  }
0x344: {  	[sflag:s9] =	ssyncadd.s32 $0xFFFF8000  }
0x345: {  	v3 =	vld [tilespmem:$0xC0];
	_ =	sdelay $0x4  }
0x346: {  	v62 =	vshll.u32 v3, $0x3  }
0x347: {  	v3 =	vand.u32 $0x7, v3;
	v4 =	vand.u32 $0xFFFFFFC0, v62  }
0x348: {  	v3 =	vor.u32 v3, v4  }
0x349: {  	v4 =	vperm.xlane v3, v0;
	_ =	sdelay $0x1  }
0x34a: {  	v4 =	vadd.s32 v1, v4;
	_ =	sdelay $0x3  }
0x34b: {  	s10 =	simm.s32 $0x500;
	s0 =	rddreg [dreg:$0x1]  }
0x34c: {  	[tilespmem:s10], [sflag:$0x1] =	stream.indirect_vreg.gather [hbm4b:s0+s5], $0x80, v4, vm0, $0xb8;
	[tilespmem:$0x1C500] =	vst v63  }
0x34d: {  	s12 =	simm.s32 $0xD00;
	s11 =	rddreg [dreg:$0x9];
	v3 =	vperm.xlane v3, v2  }
0x34e: {  	[tilespmem:s12], [sflag:$0x1] =	stream.indirect_vreg.gather [hbm4b:s11+s5], $0x80, v4, vm0, $0xb8;
	[tilespmem:$0x1C500] =	vst v63  }
0x34f: {  	s14 =	simm.s32 $0x1500;
	s13 =	rddreg [dreg:$0xa];
	v3 =	vadd.s32 v1, v3  }
0x350: {  	[tilespmem:s14], [sflag:$0x1] =	stream.indirect_vreg.gather [hbm4b:s13+s5], $0x80, v4, vm0, $0xb8;
	[tilespmem:$0x1C500] =	vst v63  }
0x351: {  	s16 =	simm.s32 $0x1D00;
	s15 =	rddreg [dreg:$0xb]  }
0x352: {  	[tilespmem:s16], [sflag:$0x1] =	stream.indirect_vreg.gather [hbm4b:s15+s5], $0x80, v4, vm0, $0xb8;
	[tilespmem:$0x1C500] =	vst v63  }
0x353: {  	s17 =	simm.s32 $0x2500  }
0x354: {  	[tilespmem:s17], [sflag:$0x1] =	stream.indirect_vreg.gather [hbm4b:s0+s5], $0x80, v3, vm0, $0xb8;
	[tilespmem:$0x1C500] =	vst v63  }
0x355: {  	s18 =	simm.s32 $0x2D00  }
0x356: {  	[tilespmem:s18], [sflag:$0x1] =	stream.indirect_vreg.gather [hbm4b:s11+s5], $0x80, v3, vm0, $0xb8;
	[tilespmem:$0x1C500] =	vst v63  }
0x357: {  	s19 =	simm.s32 $0x3500  }
0x358: {  	[tilespmem:s19], [sflag:$0x1] =	stream.indirect_vreg.gather [hbm4b:s13+s5], $0x80, v3, vm0, $0xb8;
	[tilespmem:$0x1C500] =	vst v63  }
0x359: {  	s20 =	simm.s32 $0x3D00  }
0x35a: {  	[tilespmem:s20], [sflag:$0x1] =	stream.indirect_vreg.gather [hbm4b:s15+s5], $0x80, v3, vm0, $0xb8;
	[tilespmem:$0x1C500] =	vst v63  }
0x35b: {  	v3 =	vld [tilespmem:$0xD0];
	_ =	sdelay $0x4  }
0x35c: {  	v63 =	vshll.u32 v3, $0x3  }
0x35d: {  	v3 =	vand.u32 $0x7, v3;
	v4 =	vand.u32 $0xFFFFFFC0, v63  }
0x35e: {  	v3 =	vor.u32 v3, v4  }
0x35f: {  	v4 =	vperm.xlane v3, v0;
	_ =	sdelay $0x1  }
0x360: {  	v4 =	vadd.s32 v1, v4;
	_ =	sdelay $0x3  }
0x361: {  	s21 =	simm.s32 $0x4500  }
0x362: {  	[tilespmem:s21], [sflag:$0x1] =	stream.indirect_vreg.gather [hbm4b:s0+s5], $0x80, v4, vm0, $0xb8;
	[tilespmem:$0x1C500] =	vst v63  }
0x363: {  	s22 =	simm.s32 $0x4D00;
	v3 =	vperm.xlane v3, v2  }
0x364: {  	[tilespmem:s22], [sflag:$0x1] =	stream.indirect_vreg.gather [hbm4b:s11+s5], $0x80, v4, vm0, $0xb8;
	[tilespmem:$0x1C500] =	vst v63  }
0x365: {  	s23 =	simm.s32 $0x5500;
	v3 =	vadd.s32 v1, v3  }
0x366: {  	[tilespmem:s23], [sflag:$0x1] =	stream.indirect_vreg.gather [hbm4b:s13+s5], $0x80, v4, vm0, $0xb8;
	[tilespmem:$0x1C500] =	vst v63  }
0x367: {  	s24 =	simm.s32 $0x5D00  }
0x368: {  	[tilespmem:s24], [sflag:$0x1] =	stream.indirect_vreg.gather [hbm4b:s15+s5], $0x80, v4, vm0, $0xb8;
	[tilespmem:$0x1C500] =	vst v63  }
0x369: {  	s25 =	simm.s32 $0x6500  }
0x36a: {  	[tilespmem:s25], [sflag:$0x1] =	stream.indirect_vreg.gather [hbm4b:s0+s5], $0x80, v3, vm0, $0xb8;
	[tilespmem:$0x1C500] =	vst v63  }
0x36b: {  	s26 =	simm.s32 $0x6D00  }
0x36c: {  	[tilespmem:s26], [sflag:$0x1] =	stream.indirect_vreg.gather [hbm4b:s11+s5], $0x80, v3, vm0, $0xb8;
	[tilespmem:$0x1C500] =	vst v63  }
0x36d: {  	s28 =	simm.s32 $0x7500  }
0x36e: {  	[tilespmem:s28], [sflag:$0x1] =	stream.indirect_vreg.gather [hbm4b:s13+s5], $0x80, v3, vm0, $0xb8;
	[tilespmem:$0x1C500] =	vst v63  }
0x36f: {  	s29 =	simm.s32 $0x7D00;
	s30 =	simm.s32 $0x3  }
0x370: {  	[tilespmem:s29], [sflag:$0x1] =	stream.indirect_vreg.gather [hbm4b:s15+s5], $0x80, v3, vm0, $0xb8;
	[tilespmem:$0x1C500] =	vst v63  }
0x371: {  	_ =	swait.ge [sflag:s30], $0x8000  }
0x372: {  	[sflag:s30] =	ssyncset.done $0x0  }
0x373: {  	s31 =	simm.s32 $0x5;
	[sflag:s30] =	ssyncadd.s32 $0xFFFF8000  }
0x374: {  	_ =	swait.ge [sflag:s31], $0x2000  }
0x375: {  	[sflag:s31] =	ssyncset.done $0x0  }
0x376: {  	s23 =	simm.s32 $0x0;
	[sflag:s31] =	ssyncadd.s32 $0xFFFFE000  }
.LBB2_22:
0x377: {  	s1 =	simm.s32 $0x0  }
0x378: {  	s28 =	sshll.u32 s23, $0x7;
	s0 =	sand.u32 $0x40, s1;
	s1 =	sand.u32 $0x1C00, s1  }
0x379: {  	s2 =	sor.u32 s28, s1;
	s3 =	sor.u32 $0x30, s0  }
0x37a: {  	s4 =	sor.u32 s3, s2  }
0x37b: {  	v3 =	vld [tilespmem:s4+$0x1A500]  }
0x37c: {  	s5 =	sor.u32 s0, s2;
	v4 =	vld [tilespmem:s4+$0x10500]  }
0x37d: {  	v6 =	vld [tilespmem:s5+$0x1A500]  }
0x37e: {  	s6 =	sor.u32 $0x10, s0;
	v7 =	vld [tilespmem:s5+$0x10500]  }
0x37f: {  	s7 =	sor.u32 s6, s2  }
0x380: {  	s9 =	sor.u32 $0x20, s0;
	v5 =	vld [tilespmem:s7+$0x1A500]  }
0x381: {  	s29 =	sadd.s32 $0x16500, s28;
	s10 =	sor.u32 s9, s2;
	v8 =	vld [tilespmem:s7+$0x10500];
	v9 =	vadd.f32 v4, v3  }
0x382: {  	s30 =	sadd.s32 $0x12500, s28;
	s11 =	sadd.s32 s1, s29;
	v10 =	vld [tilespmem:s10+$0x10500]  }
0x383: {  	s8 =	sadd.s32 s1, s30;
	s22 =	sadd.s32 s3, s11;
	v4 =	vld [tilespmem:s10+$0x1A500];
	v7 =	vadd.f32 v7, v6;
	[tilespmem:s4+$0x10500] =	vst v9  }
0x384: {  	s2 =	sadd.s32 $0x14500, s28;
	s15 =	sadd.s32 s3, s8;
	v12 =	vld [tilespmem:s22+$0x0]  }
0x385: {  	s21 =	sadd.s32 s0, s8;
	s1 =	sadd.s32 s1, s2;
	[tilespmem:s5+$0x10500] =	vst v7;
	v13 =	vld [tilespmem:s15+$0x0]  }
0x386: {  	s19 =	sadd.s32 s0, s1;
	v7 =	vadd.f32 v8, v5;
	v8 =	vld [tilespmem:s21+$0x0]  }
0x387: {  	s20 =	sadd.s32 s0, s11;
	v11 =	vld [tilespmem:s19+$0x0]  }
0x388: {  	s25 =	sadd.s32 s6, s8;
	[tilespmem:s7+$0x10500] =	vst v7;
	v7 =	vadd.f32 v10, v4;
	v10 =	vld [tilespmem:s20+$0x0]  }
0x389: {  	s16 =	simm.s32 $0x200;
	s18 =	simm.s32 $0x40;
	s26 =	sadd.s32 s6, s1;
	v9 =	vld [tilespmem:s25+$0x0];
	v14 =	vadd.f32 v12, v3  }
0x38a: {  	s0 =	sadd.s32 s9, s8;
	s24 =	sadd.s32 s9, s1;
	s8 =	sadd.s32 s6, s11;
	[tilespmem:s10+$0x10500] =	vst v7;
	v7 =	vld [tilespmem:s26+$0x0];
	v13 =	vadd.f32 v13, v3  }
0x38b: {  	s31 =	sadd.s32 s3, s1;
	s6 =	sadd.s32 s9, s11;
	s7 =	simm.s32 $0x0;
	v12 =	vadd.f32 v8, v6;
	v8 =	vld [tilespmem:s8+$0x0];
	[tilespmem:s22+$0x0] =	vst v14  }
.LBB2_23:
0x38c: {  	s17 =	sand.u32 $0x40, s18;
	s1 =	sand.u32 $0x1C00, s16;
	v11 =	vadd.f32 v11, v6;
	v14 =	vld [tilespmem:s0+$0x0];
	[tilespmem:s15+$0x0] =	vst v13  }
0x38d: {  	s7 =	sadd.s32 $0x4, s7;
	s3 =	sor.u32 s28, s1;
	s5 =	sor.u32 $0x30, s17;
	[tilespmem:s21+$0x0] =	vst v12;
	v6 =	vadd.f32 v10, v6;
	v10 =	vld [tilespmem:s24+$0x0]  }
0x38e: {  	s4 =	sor.u32 $0x10, s17;
	p0 =	slt.u32 s7, $0x3C;
	s9 =	sor.u32 s5, s3;
	[tilespmem:s19+$0x0] =	vst v11;
	v9 =	vadd.f32 v9, v5;
	v11 =	vld [tilespmem:s6+$0x0]  }
0x38f: {  	s12 =	sor.u32 $0x20, s17;
	s10 =	sor.u32 s17, s3;
	s11 =	sor.u32 s4, s3;
	v12 =	vld [tilespmem:s9+$0x1A500];
	[tilespmem:s20+$0x0] =	vst v6;
	v7 =	vadd.f32 v7, v5  }
0x390: {  	s13 =	sadd.s32 s1, s30;
	s14 =	sadd.s32 s1, s2;
	s3 =	sor.u32 s12, s3;
	v13 =	vld [tilespmem:s9+$0x10500];
	[tilespmem:s25+$0x0] =	vst v9;
	v5 =	vadd.f32 v8, v5  }
0x391: {  	s21 =	sadd.s32 s17, s13;
	s19 =	sadd.s32 s17, s14;
	s25 =	sadd.s32 s4, s13;
	v6 =	vld [tilespmem:s10+$0x1A500];
	[tilespmem:s26+$0x0] =	vst v7;
	v7 =	vadd.f32 v14, v4  }
0x392: {  	s22 =	sadd.s32 s12, s14;
	s20 =	sadd.s32 s12, s13;
	s26 =	sadd.s32 s4, s14;
	v8 =	vld [tilespmem:s10+$0x10500];
	[tilespmem:s8+$0x0] =	vst v5;
	v9 =	vadd.f32 v10, v4  }
0x393: {  	s15 =	sadd.s32 s5, s13;
	s13 =	sadd.s32 s5, s14;
	v5 =	vld [tilespmem:s11+$0x1A500];
	[tilespmem:s0+$0x0] =	vst v7;
	v7 =	vadd.f32 v11, v4;
	s0 =	smov.u32 s20  }
0x394: {  	v10 =	vld [tilespmem:s11+$0x10500];
	[tilespmem:s24+$0x0] =	vst v9;
	s24 =	smov.u32 s22  }
0x395: {  	v4 =	vld [tilespmem:s3+$0x1A500];
	v9 =	vadd.f32 v13, v12;
	[tilespmem:s6+$0x0] =	vst v7  }
0x396: {  	s1 =	sadd.s32 s1, s29;
	v7 =	vld [tilespmem:s3+$0x10500]  }
0x397: {  	s8 =	sadd.s32 s4, s1;
	s4 =	sadd.s32 s5, s1;
	s20 =	sadd.s32 s17, s1;
	v8 =	vadd.f32 v8, v6;
	[tilespmem:s9+$0x10500] =	vst v9;
	v9 =	vld [tilespmem:s31+$0x0]  }
0x398: {  	s6 =	sadd.s32 s12, s1;
	v13 =	vld [tilespmem:s4+$0x0]  }
0x399: {  	[tilespmem:s10+$0x10500] =	vst v8;
	v8 =	vadd.f32 v10, v5;
	v14 =	vld [tilespmem:s15+$0x0]  }
0x39a: {  	v15 =	vld [tilespmem:s21+$0x0]  }
.Ltmp10:
0x39b: {  	v11 =	vld [tilespmem:s19+$0x0];
	[tilespmem:s11+$0x10500] =	vst v8;
	v7 =	vadd.f32 v7, v4;
	(pc) =	sbr.rel @p0 .LBB2_23-.Ltmp10, $4  }
0x39c: {  	v10 =	vld [tilespmem:s20+$0x0];
	v8 =	vadd.f32 v9, v3;
	v3 =	vmov v12  }
0x39d: {  	v9 =	vld [tilespmem:s25+$0x0];
	[tilespmem:s3+$0x10500] =	vst v7;
	v16 =	vadd.f32 v13, v3  }
0x39e: {  	v7 =	vld [tilespmem:s26+$0x0];
	v13 =	vadd.f32 v14, v3;
	[tilespmem:s31+$0x0] =	vst v8;
	s31 =	smov.u32 s13  }
0x39f: {  	s16 =	sadd.s32 $0x200, s16;
	s18 =	sadd.s32 $0x40, s18;
	v12 =	vadd.f32 v15, v6;
	v8 =	vld [tilespmem:s8+$0x0];
	[tilespmem:s4+$0x0] =	vst v16  }
0x3a0: {  	v11 =	vadd.f32 v11, v6;
	v14 =	vld [tilespmem:s0+$0x0];
	[tilespmem:s15+$0x0] =	vst v13  }
0x3a1: {  	v56 =	vld [tilespmem:s24+$0x0];
	[tilespmem:s21+$0x0] =	vst v12;
	v55 =	vadd.f32 v10, v6  }
0x3a2: {  	v59 =	vld [tilespmem:s31+$0x0];
	[tilespmem:s19+$0x0] =	vst v11;
	v9 =	vadd.f32 v9, v5  }
0x3a3: {  	v57 =	vld [tilespmem:s6+$0x0];
	[tilespmem:s20+$0x0] =	vst v55;
	v58 =	vadd.f32 v7, v5  }
0x3a4: {  	s23 =	sadd.s32 $0x1, s23;
	[tilespmem:s25+$0x0] =	vst v9;
	v60 =	vadd.f32 v8, v5  }
0x3a5: {  	p0 =	sne.s32 s23, $0x8;
	[tilespmem:s26+$0x0] =	vst v58;
	v61 =	vadd.f32 v14, v4  }
.Ltmp11:
0x3a6: {  	v62 =	vadd.f32 v56, v4;
	[tilespmem:s8+$0x0] =	vst v60;
	(pc) =	sbr.rel @p0 .LBB2_22-.Ltmp11, $4  }
0x3a7: {  	v3 =	vadd.f32 v59, v3;
	[tilespmem:s0+$0x0] =	vst v61  }
0x3a8: {  	v63 =	vadd.f32 v57, v4;
	[tilespmem:s24+$0x0] =	vst v62  }
0x3a9: {  	[tilespmem:s31+$0x0] =	vst v3  }
0x3aa: {  	[tilespmem:s6+$0x0] =	vst v63  }
0x3ab: {  	v3 =	vld [tilespmem:$0x380];
	_ =	sdelay $0x4  }
0x3ac: {  	v4 =	vshll.u32 v3, $0x3  }
0x3ad: {  	v3 =	vand.u32 $0x7, v3;
	v4 =	vand.u32 $0xFFFFFFC0, v4  }
0x3ae: {  	v3 =	vor.u32 v3, v4  }
0x3af: {  	v4 =	vperm.xlane v3, v0;
	_ =	sdelay $0x1  }
0x3b0: {  	v4 =	vadd.s32 v1, v4;
	_ =	sdelay $0x3  }
0x3b1: {  	s5 =	simm.s32 $0x0;
	s0 =	rddreg [dreg:$0x3];
	s1 =	simm.s32 $0x10500  }
0x3b2: {  	[hbm4b:s0+s5] =	stream.indirect_vreg.scatter [tilespmem:s1], [sflag:$0x8], $0x80, v4, vm0, $0xb8;
	[tilespmem:$0x1C500] =	vst v63  }
0x3b3: {  	s18 =	rddreg [dreg:$0xc];
	s2 =	simm.s32 $0x10D00;
	v3 =	vperm.xlane v3, v2  }
0x3b4: {  	[hbm4b:s18+s5] =	stream.indirect_vreg.scatter [tilespmem:s2], [sflag:$0x8], $0x80, v4, vm0, $0xb8;
	[tilespmem:$0x1C500] =	vst v63  }
0x3b5: {  	s19 =	rddreg [dreg:$0xd];
	s3 =	simm.s32 $0x11500;
	v3 =	vadd.s32 v1, v3  }
0x3b6: {  	[hbm4b:s19+s5] =	stream.indirect_vreg.scatter [tilespmem:s3], [sflag:$0x8], $0x80, v4, vm0, $0xb8;
	[tilespmem:$0x1C500] =	vst v63  }
0x3b7: {  	s20 =	rddreg [dreg:$0xe];
	s4 =	simm.s32 $0x11D00  }
0x3b8: {  	[hbm4b:s20+s5] =	stream.indirect_vreg.scatter [tilespmem:s4], [sflag:$0x8], $0x80, v4, vm0, $0xb8;
	[tilespmem:$0x1C500] =	vst v63  }
0x3b9: {  	s21 =	simm.s32 $0x12500  }
0x3ba: {  	[hbm4b:s0+s5] =	stream.indirect_vreg.scatter [tilespmem:s21], [sflag:$0x8], $0x80, v3, vm0, $0xb8;
	[tilespmem:$0x1C500] =	vst v63  }
0x3bb: {  	s22 =	simm.s32 $0x12D00  }
0x3bc: {  	[hbm4b:s18+s5] =	stream.indirect_vreg.scatter [tilespmem:s22], [sflag:$0x8], $0x80, v3, vm0, $0xb8;
	[tilespmem:$0x1C500] =	vst v63  }
0x3bd: {  	s23 =	simm.s32 $0x13500  }
0x3be: {  	[hbm4b:s19+s5] =	stream.indirect_vreg.scatter [tilespmem:s23], [sflag:$0x8], $0x80, v3, vm0, $0xb8;
	[tilespmem:$0x1C500] =	vst v63  }
0x3bf: {  	s24 =	simm.s32 $0x13D00  }
0x3c0: {  	[hbm4b:s20+s5] =	stream.indirect_vreg.scatter [tilespmem:s24], [sflag:$0x8], $0x80, v3, vm0, $0xb8;
	[tilespmem:$0x1C500] =	vst v63  }
0x3c1: {  	v3 =	vld [tilespmem:$0x390];
	_ =	sdelay $0x4  }
0x3c2: {  	v61 =	vshll.u32 v3, $0x3  }
0x3c3: {  	v3 =	vand.u32 $0x7, v3;
	v4 =	vand.u32 $0xFFFFFFC0, v61  }
0x3c4: {  	v3 =	vor.u32 v3, v4  }
0x3c5: {  	v4 =	vperm.xlane v3, v0;
	_ =	sdelay $0x1  }
0x3c6: {  	v4 =	vadd.s32 v1, v4;
	_ =	sdelay $0x3  }
0x3c7: {  	s25 =	simm.s32 $0x14500  }
0x3c8: {  	[hbm4b:s0+s5] =	stream.indirect_vreg.scatter [tilespmem:s25], [sflag:$0x8], $0x80, v4, vm0, $0xb8;
	[tilespmem:$0x1C500] =	vst v63  }
0x3c9: {  	s26 =	simm.s32 $0x14D00;
	v3 =	vperm.xlane v3, v2  }
0x3ca: {  	[hbm4b:s18+s5] =	stream.indirect_vreg.scatter [tilespmem:s26], [sflag:$0x8], $0x80, v4, vm0, $0xb8;
	[tilespmem:$0x1C500] =	vst v63  }
0x3cb: {  	s28 =	simm.s32 $0x15500;
	v3 =	vadd.s32 v1, v3  }
0x3cc: {  	[hbm4b:s19+s5] =	stream.indirect_vreg.scatter [tilespmem:s28], [sflag:$0x8], $0x80, v4, vm0, $0xb8;
	[tilespmem:$0x1C500] =	vst v63  }
0x3cd: {  	s29 =	simm.s32 $0x15D00  }
0x3ce: {  	[hbm4b:s20+s5] =	stream.indirect_vreg.scatter [tilespmem:s29], [sflag:$0x8], $0x80, v4, vm0, $0xb8;
	[tilespmem:$0x1C500] =	vst v63  }
0x3cf: {  	s30 =	simm.s32 $0x16500  }
0x3d0: {  	[hbm4b:s0+s5] =	stream.indirect_vreg.scatter [tilespmem:s30], [sflag:$0x8], $0x80, v3, vm0, $0xb8;
	[tilespmem:$0x1C500] =	vst v63  }
0x3d1: {  	s31 =	simm.s32 $0x16D00  }
0x3d2: {  	[hbm4b:s18+s5] =	stream.indirect_vreg.scatter [tilespmem:s31], [sflag:$0x8], $0x80, v3, vm0, $0xb8;
	[tilespmem:$0x1C500] =	vst v63  }
0x3d3: {  	s4 =	simm.s32 $0x17500  }
0x3d4: {  	[hbm4b:s19+s5] =	stream.indirect_vreg.scatter [tilespmem:s4], [sflag:$0x8], $0x80, v3, vm0, $0xb8;
	[tilespmem:$0x1C500] =	vst v63  }
0x3d5: {  	s6 =	simm.s32 $0x17D00  }
0x3d6: {  	[hbm4b:s20+s5] =	stream.indirect_vreg.scatter [tilespmem:s6], [sflag:$0x8], $0x80, v3, vm0, $0xb8;
	[tilespmem:$0x1C500] =	vst v63  }
0x3d7: {  	s7 =	rddreg [dreg:$0x14];
	s8 =	simm.s32 $0x1A500;
	s9 =	simm.s32 $0x7  }
0x3d8: {  	[tilespmem:s8], [sflag:$0x5] =	stream.linear.gather [hbm4b:s7+s5], $0x2000, $0x38;
	[tilespmem:$0x1C500] =	vst v63  }
0x3d9: {  	_ =	swait.ge [sflag:s9], $0x8000  }
0x3da: {  	[sflag:s9] =	ssyncset.done $0x0  }
0x3db: {  	[sflag:s9] =	ssyncadd.s32 $0xFFFF8000  }
0x3dc: {  	v3 =	vld [tilespmem:$0xE0];
	_ =	sdelay $0x4  }
0x3dd: {  	v62 =	vshll.u32 v3, $0x3  }
0x3de: {  	v3 =	vand.u32 $0x7, v3;
	v4 =	vand.u32 $0xFFFFFFC0, v62  }
0x3df: {  	v3 =	vor.u32 v3, v4  }
0x3e0: {  	v4 =	vperm.xlane v3, v0;
	_ =	sdelay $0x1  }
0x3e1: {  	v4 =	vadd.s32 v1, v4;
	_ =	sdelay $0x3  }
0x3e2: {  	s10 =	simm.s32 $0x8500;
	s0 =	rddreg [dreg:$0x1]  }
0x3e3: {  	[tilespmem:s10], [sflag:$0x2] =	stream.indirect_vreg.gather [hbm4b:s0+s5], $0x80, v4, vm0, $0xb8;
	[tilespmem:$0x1C500] =	vst v63  }
0x3e4: {  	s12 =	simm.s32 $0x8D00;
	s11 =	rddreg [dreg:$0x9];
	v3 =	vperm.xlane v3, v2  }
0x3e5: {  	[tilespmem:s12], [sflag:$0x2] =	stream.indirect_vreg.gather [hbm4b:s11+s5], $0x80, v4, vm0, $0xb8;
	[tilespmem:$0x1C500] =	vst v63  }
0x3e6: {  	s14 =	simm.s32 $0x9500;
	s13 =	rddreg [dreg:$0xa];
	v3 =	vadd.s32 v1, v3  }
0x3e7: {  	[tilespmem:s14], [sflag:$0x2] =	stream.indirect_vreg.gather [hbm4b:s13+s5], $0x80, v4, vm0, $0xb8;
	[tilespmem:$0x1C500] =	vst v63  }
0x3e8: {  	s16 =	simm.s32 $0x9D00;
	s15 =	rddreg [dreg:$0xb]  }
0x3e9: {  	[tilespmem:s16], [sflag:$0x2] =	stream.indirect_vreg.gather [hbm4b:s15+s5], $0x80, v4, vm0, $0xb8;
	[tilespmem:$0x1C500] =	vst v63  }
0x3ea: {  	s17 =	simm.s32 $0xA500  }
0x3eb: {  	[tilespmem:s17], [sflag:$0x2] =	stream.indirect_vreg.gather [hbm4b:s0+s5], $0x80, v3, vm0, $0xb8;
	[tilespmem:$0x1C500] =	vst v63  }
0x3ec: {  	s18 =	simm.s32 $0xAD00  }
0x3ed: {  	[tilespmem:s18], [sflag:$0x2] =	stream.indirect_vreg.gather [hbm4b:s11+s5], $0x80, v3, vm0, $0xb8;
	[tilespmem:$0x1C500] =	vst v63  }
0x3ee: {  	s19 =	simm.s32 $0xB500  }
0x3ef: {  	[tilespmem:s19], [sflag:$0x2] =	stream.indirect_vreg.gather [hbm4b:s13+s5], $0x80, v3, vm0, $0xb8;
	[tilespmem:$0x1C500] =	vst v63  }
0x3f0: {  	s20 =	simm.s32 $0xBD00  }
0x3f1: {  	[tilespmem:s20], [sflag:$0x2] =	stream.indirect_vreg.gather [hbm4b:s15+s5], $0x80, v3, vm0, $0xb8;
	[tilespmem:$0x1C500] =	vst v63  }
0x3f2: {  	v3 =	vld [tilespmem:$0xF0];
	_ =	sdelay $0x4  }
0x3f3: {  	v63 =	vshll.u32 v3, $0x3  }
0x3f4: {  	v3 =	vand.u32 $0x7, v3;
	v4 =	vand.u32 $0xFFFFFFC0, v63  }
0x3f5: {  	v3 =	vor.u32 v3, v4  }
0x3f6: {  	v4 =	vperm.xlane v3, v0;
	_ =	sdelay $0x1  }
0x3f7: {  	v4 =	vadd.s32 v1, v4;
	_ =	sdelay $0x3  }
0x3f8: {  	s21 =	simm.s32 $0xC500  }
0x3f9: {  	[tilespmem:s21], [sflag:$0x2] =	stream.indirect_vreg.gather [hbm4b:s0+s5], $0x80, v4, vm0, $0xb8;
	[tilespmem:$0x1C500] =	vst v63  }
0x3fa: {  	s22 =	simm.s32 $0xCD00;
	v3 =	vperm.xlane v3, v2  }
0x3fb: {  	[tilespmem:s22], [sflag:$0x2] =	stream.indirect_vreg.gather [hbm4b:s11+s5], $0x80, v4, vm0, $0xb8;
	[tilespmem:$0x1C500] =	vst v63  }
0x3fc: {  	s23 =	simm.s32 $0xD500;
	v3 =	vadd.s32 v1, v3  }
0x3fd: {  	[tilespmem:s23], [sflag:$0x2] =	stream.indirect_vreg.gather [hbm4b:s13+s5], $0x80, v4, vm0, $0xb8;
	[tilespmem:$0x1C500] =	vst v63  }
0x3fe: {  	s24 =	simm.s32 $0xDD00  }
0x3ff: {  	[tilespmem:s24], [sflag:$0x2] =	stream.indirect_vreg.gather [hbm4b:s15+s5], $0x80, v4, vm0, $0xb8;
	[tilespmem:$0x1C500] =	vst v63  }
0x400: {  	s25 =	simm.s32 $0xE500  }
0x401: {  	[tilespmem:s25], [sflag:$0x2] =	stream.indirect_vreg.gather [hbm4b:s0+s5], $0x80, v3, vm0, $0xb8;
	[tilespmem:$0x1C500] =	vst v63  }
0x402: {  	s26 =	simm.s32 $0xED00  }
0x403: {  	[tilespmem:s26], [sflag:$0x2] =	stream.indirect_vreg.gather [hbm4b:s11+s5], $0x80, v3, vm0, $0xb8;
	[tilespmem:$0x1C500] =	vst v63  }
0x404: {  	s28 =	simm.s32 $0xF500  }
0x405: {  	[tilespmem:s28], [sflag:$0x2] =	stream.indirect_vreg.gather [hbm4b:s13+s5], $0x80, v3, vm0, $0xb8;
	[tilespmem:$0x1C500] =	vst v63  }
0x406: {  	s29 =	simm.s32 $0xFD00;
	s30 =	simm.s32 $0x1  }
0x407: {  	[tilespmem:s29], [sflag:$0x2] =	stream.indirect_vreg.gather [hbm4b:s15+s5], $0x80, v3, vm0, $0xb8;
	[tilespmem:$0x1C500] =	vst v63  }
0x408: {  	_ =	swait.ge [sflag:s30], $0x8000  }
0x409: {  	[sflag:s30] =	ssyncset.done $0x0  }
0x40a: {  	s31 =	simm.s32 $0x4;
	[sflag:s30] =	ssyncadd.s32 $0xFFFF8000  }
0x40b: {  	_ =	swait.ge [sflag:s31], $0x2000  }
0x40c: {  	[sflag:s31] =	ssyncset.done $0x0  }
0x40d: {  	s23 =	simm.s32 $0x0;
	[sflag:s31] =	ssyncadd.s32 $0xFFFFE000  }
.LBB2_26:
0x40e: {  	s1 =	simm.s32 $0x0  }
0x40f: {  	s28 =	sshll.u32 s23, $0x7;
	s0 =	sand.u32 $0x40, s1;
	s1 =	sand.u32 $0x1C00, s1  }
0x410: {  	s2 =	sor.u32 s28, s1;
	s3 =	sor.u32 $0x30, s0  }
0x411: {  	s4 =	sor.u32 s3, s2  }
0x412: {  	v3 =	vld [tilespmem:s4+$0x18500]  }
0x413: {  	s5 =	sor.u32 s0, s2;
	v4 =	vld [tilespmem:s4+$0x500]  }
0x414: {  	v6 =	vld [tilespmem:s5+$0x18500]  }
0x415: {  	s6 =	sor.u32 $0x10, s0;
	v7 =	vld [tilespmem:s5+$0x500]  }
0x416: {  	s7 =	sor.u32 s6, s2  }
0x417: {  	s9 =	sor.u32 $0x20, s0;
	v5 =	vld [tilespmem:s7+$0x18500]  }
0x418: {  	s29 =	sadd.s32 $0x6500, s28;
	s10 =	sor.u32 s9, s2;
	v8 =	vld [tilespmem:s7+$0x500];
	v9 =	vadd.f32 v4, v3  }
0x419: {  	s30 =	sadd.s32 $0x2500, s28;
	s11 =	sadd.s32 s1, s29;
	v10 =	vld [tilespmem:s10+$0x500]  }
0x41a: {  	s8 =	sadd.s32 s1, s30;
	s22 =	sadd.s32 s3, s11;
	v4 =	vld [tilespmem:s10+$0x18500];
	v7 =	vadd.f32 v7, v6;
	[tilespmem:s4+$0x500] =	vst v9  }
0x41b: {  	s2 =	sadd.s32 $0x4500, s28;
	s15 =	sadd.s32 s3, s8;
	v12 =	vld [tilespmem:s22+$0x0]  }
0x41c: {  	s21 =	sadd.s32 s0, s8;
	s1 =	sadd.s32 s1, s2;
	[tilespmem:s5+$0x500] =	vst v7;
	v13 =	vld [tilespmem:s15+$0x0]  }
0x41d: {  	s19 =	sadd.s32 s0, s1;
	v7 =	vadd.f32 v8, v5;
	v8 =	vld [tilespmem:s21+$0x0]  }
0x41e: {  	s20 =	sadd.s32 s0, s11;
	v11 =	vld [tilespmem:s19+$0x0]  }
0x41f: {  	s25 =	sadd.s32 s6, s8;
	[tilespmem:s7+$0x500] =	vst v7;
	v7 =	vadd.f32 v10, v4;
	v10 =	vld [tilespmem:s20+$0x0]  }
0x420: {  	s16 =	simm.s32 $0x200;
	s18 =	simm.s32 $0x40;
	s26 =	sadd.s32 s6, s1;
	v9 =	vld [tilespmem:s25+$0x0];
	v14 =	vadd.f32 v12, v3  }
0x421: {  	s0 =	sadd.s32 s9, s8;
	s24 =	sadd.s32 s9, s1;
	s8 =	sadd.s32 s6, s11;
	[tilespmem:s10+$0x500] =	vst v7;
	v7 =	vld [tilespmem:s26+$0x0];
	v13 =	vadd.f32 v13, v3  }
0x422: {  	s31 =	sadd.s32 s3, s1;
	s6 =	sadd.s32 s9, s11;
	s7 =	simm.s32 $0x0;
	v12 =	vadd.f32 v8, v6;
	v8 =	vld [tilespmem:s8+$0x0];
	[tilespmem:s22+$0x0] =	vst v14  }
.LBB2_27:
0x423: {  	s17 =	sand.u32 $0x40, s18;
	s1 =	sand.u32 $0x1C00, s16;
	v11 =	vadd.f32 v11, v6;
	v14 =	vld [tilespmem:s0+$0x0];
	[tilespmem:s15+$0x0] =	vst v13  }
0x424: {  	s7 =	sadd.s32 $0x4, s7;
	s3 =	sor.u32 s28, s1;
	s5 =	sor.u32 $0x30, s17;
	[tilespmem:s21+$0x0] =	vst v12;
	v6 =	vadd.f32 v10, v6;
	v10 =	vld [tilespmem:s24+$0x0]  }
0x425: {  	s4 =	sor.u32 $0x10, s17;
	p0 =	slt.u32 s7, $0x3C;
	s9 =	sor.u32 s5, s3;
	[tilespmem:s19+$0x0] =	vst v11;
	v9 =	vadd.f32 v9, v5;
	v11 =	vld [tilespmem:s6+$0x0]  }
0x426: {  	s12 =	sor.u32 $0x20, s17;
	s10 =	sor.u32 s17, s3;
	s11 =	sor.u32 s4, s3;
	v12 =	vld [tilespmem:s9+$0x18500];
	[tilespmem:s20+$0x0] =	vst v6;
	v7 =	vadd.f32 v7, v5  }
0x427: {  	s13 =	sadd.s32 s1, s30;
	s14 =	sadd.s32 s1, s2;
	s3 =	sor.u32 s12, s3;
	v13 =	vld [tilespmem:s9+$0x500];
	[tilespmem:s25+$0x0] =	vst v9;
	v5 =	vadd.f32 v8, v5  }
0x428: {  	s21 =	sadd.s32 s17, s13;
	s19 =	sadd.s32 s17, s14;
	s25 =	sadd.s32 s4, s13;
	v6 =	vld [tilespmem:s10+$0x18500];
	[tilespmem:s26+$0x0] =	vst v7;
	v7 =	vadd.f32 v14, v4  }
0x429: {  	s22 =	sadd.s32 s12, s14;
	s20 =	sadd.s32 s12, s13;
	s26 =	sadd.s32 s4, s14;
	v8 =	vld [tilespmem:s10+$0x500];
	[tilespmem:s8+$0x0] =	vst v5;
	v9 =	vadd.f32 v10, v4  }
0x42a: {  	s15 =	sadd.s32 s5, s13;
	s13 =	sadd.s32 s5, s14;
	v5 =	vld [tilespmem:s11+$0x18500];
	[tilespmem:s0+$0x0] =	vst v7;
	v7 =	vadd.f32 v11, v4;
	s0 =	smov.u32 s20  }
0x42b: {  	v10 =	vld [tilespmem:s11+$0x500];
	[tilespmem:s24+$0x0] =	vst v9;
	s24 =	smov.u32 s22  }
0x42c: {  	v4 =	vld [tilespmem:s3+$0x18500];
	v9 =	vadd.f32 v13, v12;
	[tilespmem:s6+$0x0] =	vst v7  }
0x42d: {  	s1 =	sadd.s32 s1, s29;
	v7 =	vld [tilespmem:s3+$0x500]  }
0x42e: {  	s8 =	sadd.s32 s4, s1;
	s4 =	sadd.s32 s5, s1;
	s20 =	sadd.s32 s17, s1;
	v8 =	vadd.f32 v8, v6;
	[tilespmem:s9+$0x500] =	vst v9;
	v9 =	vld [tilespmem:s31+$0x0]  }
0x42f: {  	s6 =	sadd.s32 s12, s1;
	v13 =	vld [tilespmem:s4+$0x0]  }
0x430: {  	[tilespmem:s10+$0x500] =	vst v8;
	v8 =	vadd.f32 v10, v5;
	v14 =	vld [tilespmem:s15+$0x0]  }
0x431: {  	v15 =	vld [tilespmem:s21+$0x0]  }
.Ltmp12:
0x432: {  	v11 =	vld [tilespmem:s19+$0x0];
	[tilespmem:s11+$0x500] =	vst v8;
	v7 =	vadd.f32 v7, v4;
	(pc) =	sbr.rel @p0 .LBB2_27-.Ltmp12, $4  }
0x433: {  	v10 =	vld [tilespmem:s20+$0x0];
	v8 =	vadd.f32 v9, v3;
	v3 =	vmov v12  }
0x434: {  	v9 =	vld [tilespmem:s25+$0x0];
	[tilespmem:s3+$0x500] =	vst v7;
	v16 =	vadd.f32 v13, v3  }
0x435: {  	v7 =	vld [tilespmem:s26+$0x0];
	v13 =	vadd.f32 v14, v3;
	[tilespmem:s31+$0x0] =	vst v8;
	s31 =	smov.u32 s13  }
0x436: {  	s16 =	sadd.s32 $0x200, s16;
	s18 =	sadd.s32 $0x40, s18;
	v12 =	vadd.f32 v15, v6;
	v8 =	vld [tilespmem:s8+$0x0];
	[tilespmem:s4+$0x0] =	vst v16  }
0x437: {  	v11 =	vadd.f32 v11, v6;
	v14 =	vld [tilespmem:s0+$0x0];
	[tilespmem:s15+$0x0] =	vst v13  }
0x438: {  	v56 =	vld [tilespmem:s24+$0x0];
	[tilespmem:s21+$0x0] =	vst v12;
	v55 =	vadd.f32 v10, v6  }
0x439: {  	v59 =	vld [tilespmem:s31+$0x0];
	[tilespmem:s19+$0x0] =	vst v11;
	v9 =	vadd.f32 v9, v5  }
0x43a: {  	v57 =	vld [tilespmem:s6+$0x0];
	[tilespmem:s20+$0x0] =	vst v55;
	v58 =	vadd.f32 v7, v5  }
0x43b: {  	s23 =	sadd.s32 $0x1, s23;
	[tilespmem:s25+$0x0] =	vst v9;
	v60 =	vadd.f32 v8, v5  }
0x43c: {  	p0 =	sne.s32 s23, $0x8;
	[tilespmem:s26+$0x0] =	vst v58;
	v61 =	vadd.f32 v14, v4  }
.Ltmp13:
0x43d: {  	v62 =	vadd.f32 v56, v4;
	[tilespmem:s8+$0x0] =	vst v60;
	(pc) =	sbr.rel @p0 .LBB2_26-.Ltmp13, $4  }
0x43e: {  	v3 =	vadd.f32 v59, v3;
	[tilespmem:s0+$0x0] =	vst v61  }
0x43f: {  	v63 =	vadd.f32 v57, v4;
	[tilespmem:s24+$0x0] =	vst v62  }
0x440: {  	[tilespmem:s31+$0x0] =	vst v3  }
0x441: {  	[tilespmem:s6+$0x0] =	vst v63  }
0x442: {  	v3 =	vld [tilespmem:$0x400];
	_ =	sdelay $0x4  }
0x443: {  	v4 =	vshll.u32 v3, $0x3  }
0x444: {  	v3 =	vand.u32 $0x7, v3;
	v4 =	vand.u32 $0xFFFFFFC0, v4  }
0x445: {  	v3 =	vor.u32 v3, v4  }
0x446: {  	v4 =	vperm.xlane v3, v0;
	_ =	sdelay $0x1  }
0x447: {  	v4 =	vadd.s32 v1, v4;
	_ =	sdelay $0x3  }
0x448: {  	s5 =	simm.s32 $0x0;
	s0 =	rddreg [dreg:$0x3];
	s1 =	simm.s32 $0x500  }
0x449: {  	[hbm4b:s0+s5] =	stream.indirect_vreg.scatter [tilespmem:s1], [sflag:$0x6], $0x80, v4, vm0, $0xb8;
	[tilespmem:$0x1C500] =	vst v63  }
0x44a: {  	s14 =	rddreg [dreg:$0xc];
	s2 =	simm.s32 $0xD00;
	v3 =	vperm.xlane v3, v2  }
0x44b: {  	[hbm4b:s14+s5] =	stream.indirect_vreg.scatter [tilespmem:s2], [sflag:$0x6], $0x80, v4, vm0, $0xb8;
	[tilespmem:$0x1C500] =	vst v63  }
0x44c: {  	s15 =	rddreg [dreg:$0xd];
	s3 =	simm.s32 $0x1500;
	v3 =	vadd.s32 v1, v3  }
0x44d: {  	[hbm4b:s15+s5] =	stream.indirect_vreg.scatter [tilespmem:s3], [sflag:$0x6], $0x80, v4, vm0, $0xb8;
	[tilespmem:$0x1C500] =	vst v63  }
0x44e: {  	s16 =	rddreg [dreg:$0xe];
	s4 =	simm.s32 $0x1D00  }
0x44f: {  	[hbm4b:s16+s5] =	stream.indirect_vreg.scatter [tilespmem:s4], [sflag:$0x6], $0x80, v4, vm0, $0xb8;
	[tilespmem:$0x1C500] =	vst v63  }
0x450: {  	s17 =	simm.s32 $0x2500  }
0x451: {  	[hbm4b:s0+s5] =	stream.indirect_vreg.scatter [tilespmem:s17], [sflag:$0x6], $0x80, v3, vm0, $0xb8;
	[tilespmem:$0x1C500] =	vst v63  }
0x452: {  	s18 =	simm.s32 $0x2D00  }
0x453: {  	[hbm4b:s14+s5] =	stream.indirect_vreg.scatter [tilespmem:s18], [sflag:$0x6], $0x80, v3, vm0, $0xb8;
	[tilespmem:$0x1C500] =	vst v63  }
0x454: {  	s19 =	simm.s32 $0x3500  }
0x455: {  	[hbm4b:s15+s5] =	stream.indirect_vreg.scatter [tilespmem:s19], [sflag:$0x6], $0x80, v3, vm0, $0xb8;
	[tilespmem:$0x1C500] =	vst v63  }
0x456: {  	s20 =	simm.s32 $0x3D00  }
0x457: {  	[hbm4b:s16+s5] =	stream.indirect_vreg.scatter [tilespmem:s20], [sflag:$0x6], $0x80, v3, vm0, $0xb8;
	[tilespmem:$0x1C500] =	vst v63  }
0x458: {  	v3 =	vld [tilespmem:$0x410];
	_ =	sdelay $0x4  }
0x459: {  	v63 =	vshll.u32 v3, $0x3  }
0x45a: {  	v3 =	vand.u32 $0x7, v3;
	v4 =	vand.u32 $0xFFFFFFC0, v63  }
0x45b: {  	v3 =	vor.u32 v3, v4  }
0x45c: {  	v4 =	vperm.xlane v3, v0;
	_ =	sdelay $0x1  }
0x45d: {  	v4 =	vadd.s32 v1, v4;
	_ =	sdelay $0x3  }
0x45e: {  	s21 =	simm.s32 $0x4500  }
0x45f: {  	[hbm4b:s0+s5] =	stream.indirect_vreg.scatter [tilespmem:s21], [sflag:$0x6], $0x80, v4, vm0, $0xb8;
	[tilespmem:$0x1C500] =	vst v63  }
0x460: {  	s22 =	simm.s32 $0x4D00;
	v3 =	vperm.xlane v3, v2  }
0x461: {  	[hbm4b:s14+s5] =	stream.indirect_vreg.scatter [tilespmem:s22], [sflag:$0x6], $0x80, v4, vm0, $0xb8;
	[tilespmem:$0x1C500] =	vst v63  }
0x462: {  	s23 =	simm.s32 $0x5500;
	v3 =	vadd.s32 v1, v3  }
0x463: {  	[hbm4b:s15+s5] =	stream.indirect_vreg.scatter [tilespmem:s23], [sflag:$0x6], $0x80, v4, vm0, $0xb8;
	[tilespmem:$0x1C500] =	vst v63  }
0x464: {  	s24 =	simm.s32 $0x5D00  }
0x465: {  	[hbm4b:s16+s5] =	stream.indirect_vreg.scatter [tilespmem:s24], [sflag:$0x6], $0x80, v4, vm0, $0xb8;
	[tilespmem:$0x1C500] =	vst v63  }
0x466: {  	s25 =	simm.s32 $0x6500  }
0x467: {  	[hbm4b:s0+s5] =	stream.indirect_vreg.scatter [tilespmem:s25], [sflag:$0x6], $0x80, v3, vm0, $0xb8;
	[tilespmem:$0x1C500] =	vst v63  }
0x468: {  	s26 =	simm.s32 $0x6D00  }
0x469: {  	[hbm4b:s14+s5] =	stream.indirect_vreg.scatter [tilespmem:s26], [sflag:$0x6], $0x80, v3, vm0, $0xb8;
	[tilespmem:$0x1C500] =	vst v63  }
0x46a: {  	s28 =	simm.s32 $0x7500  }
0x46b: {  	[hbm4b:s15+s5] =	stream.indirect_vreg.scatter [tilespmem:s28], [sflag:$0x6], $0x80, v3, vm0, $0xb8;
	[tilespmem:$0x1C500] =	vst v63  }
0x46c: {  	s29 =	simm.s32 $0x7D00;
	s30 =	simm.s32 $0x2  }
0x46d: {  	[hbm4b:s16+s5] =	stream.indirect_vreg.scatter [tilespmem:s29], [sflag:$0x6], $0x80, v3, vm0, $0xb8;
	[tilespmem:$0x1C500] =	vst v63  }
0x46e: {  	_ =	swait.ge [sflag:s30], $0x8000  }
0x46f: {  	[sflag:s30] =	ssyncset.done $0x0  }
0x470: {  	s31 =	simm.s32 $0x5;
	[sflag:s30] =	ssyncadd.s32 $0xFFFF8000  }
0x471: {  	_ =	swait.ge [sflag:s31], $0x2000  }
0x472: {  	[sflag:s31] =	ssyncset.done $0x0  }
0x473: {  	s23 =	simm.s32 $0x0;
	[sflag:s31] =	ssyncadd.s32 $0xFFFFE000  }
.LBB2_30:
0x474: {  	s1 =	simm.s32 $0x0  }
0x475: {  	s28 =	sshll.u32 s23, $0x7;
	s0 =	sand.u32 $0x40, s1;
	s1 =	sand.u32 $0x1C00, s1  }
0x476: {  	s2 =	sor.u32 s28, s1;
	s3 =	sor.u32 $0x30, s0  }
0x477: {  	s4 =	sor.u32 s3, s2  }
0x478: {  	v3 =	vld [tilespmem:s4+$0x1A500]  }
0x479: {  	s5 =	sor.u32 s0, s2;
	v4 =	vld [tilespmem:s4+$0x8500]  }
0x47a: {  	v6 =	vld [tilespmem:s5+$0x1A500]  }
0x47b: {  	s6 =	sor.u32 $0x10, s0;
	v7 =	vld [tilespmem:s5+$0x8500]  }
0x47c: {  	s7 =	sor.u32 s6, s2  }
0x47d: {  	s9 =	sor.u32 $0x20, s0;
	v5 =	vld [tilespmem:s7+$0x1A500]  }
0x47e: {  	s29 =	sadd.s32 $0xE500, s28;
	s10 =	sor.u32 s9, s2;
	v8 =	vld [tilespmem:s7+$0x8500];
	v9 =	vadd.f32 v4, v3  }
0x47f: {  	s30 =	sadd.s32 $0xA500, s28;
	s11 =	sadd.s32 s1, s29;
	v10 =	vld [tilespmem:s10+$0x8500]  }
0x480: {  	s8 =	sadd.s32 s1, s30;
	s22 =	sadd.s32 s3, s11;
	v4 =	vld [tilespmem:s10+$0x1A500];
	v7 =	vadd.f32 v7, v6;
	[tilespmem:s4+$0x8500] =	vst v9  }
0x481: {  	s2 =	sadd.s32 $0xC500, s28;
	s15 =	sadd.s32 s3, s8;
	v12 =	vld [tilespmem:s22+$0x0]  }
0x482: {  	s21 =	sadd.s32 s0, s8;
	s1 =	sadd.s32 s1, s2;
	[tilespmem:s5+$0x8500] =	vst v7;
	v13 =	vld [tilespmem:s15+$0x0]  }
0x483: {  	s19 =	sadd.s32 s0, s1;
	v7 =	vadd.f32 v8, v5;
	v8 =	vld [tilespmem:s21+$0x0]  }
0x484: {  	s20 =	sadd.s32 s0, s11;
	v11 =	vld [tilespmem:s19+$0x0]  }
0x485: {  	s25 =	sadd.s32 s6, s8;
	[tilespmem:s7+$0x8500] =	vst v7;
	v7 =	vadd.f32 v10, v4;
	v10 =	vld [tilespmem:s20+$0x0]  }
0x486: {  	s16 =	simm.s32 $0x200;
	s18 =	simm.s32 $0x40;
	s26 =	sadd.s32 s6, s1;
	v9 =	vld [tilespmem:s25+$0x0];
	v14 =	vadd.f32 v12, v3  }
0x487: {  	s0 =	sadd.s32 s9, s8;
	s24 =	sadd.s32 s9, s1;
	s8 =	sadd.s32 s6, s11;
	[tilespmem:s10+$0x8500] =	vst v7;
	v7 =	vld [tilespmem:s26+$0x0];
	v13 =	vadd.f32 v13, v3  }
0x488: {  	s31 =	sadd.s32 s3, s1;
	s6 =	sadd.s32 s9, s11;
	s7 =	simm.s32 $0x0;
	v12 =	vadd.f32 v8, v6;
	v8 =	vld [tilespmem:s8+$0x0];
	[tilespmem:s22+$0x0] =	vst v14  }
.LBB2_31:
0x489: {  	s17 =	sand.u32 $0x40, s18;
	s1 =	sand.u32 $0x1C00, s16;
	v11 =	vadd.f32 v11, v6;
	v14 =	vld [tilespmem:s0+$0x0];
	[tilespmem:s15+$0x0] =	vst v13  }
0x48a: {  	s7 =	sadd.s32 $0x4, s7;
	s3 =	sor.u32 s28, s1;
	s5 =	sor.u32 $0x30, s17;
	[tilespmem:s21+$0x0] =	vst v12;
	v6 =	vadd.f32 v10, v6;
	v10 =	vld [tilespmem:s24+$0x0]  }
0x48b: {  	s4 =	sor.u32 $0x10, s17;
	p0 =	slt.u32 s7, $0x3C;
	s9 =	sor.u32 s5, s3;
	[tilespmem:s19+$0x0] =	vst v11;
	v9 =	vadd.f32 v9, v5;
	v11 =	vld [tilespmem:s6+$0x0]  }
0x48c: {  	s12 =	sor.u32 $0x20, s17;
	s10 =	sor.u32 s17, s3;
	s11 =	sor.u32 s4, s3;
	v12 =	vld [tilespmem:s9+$0x1A500];
	[tilespmem:s20+$0x0] =	vst v6;
	v7 =	vadd.f32 v7, v5  }
0x48d: {  	s13 =	sadd.s32 s1, s30;
	s14 =	sadd.s32 s1, s2;
	s3 =	sor.u32 s12, s3;
	v13 =	vld [tilespmem:s9+$0x8500];
	[tilespmem:s25+$0x0] =	vst v9;
	v5 =	vadd.f32 v8, v5  }
0x48e: {  	s21 =	sadd.s32 s17, s13;
	s19 =	sadd.s32 s17, s14;
	s25 =	sadd.s32 s4, s13;
	v6 =	vld [tilespmem:s10+$0x1A500];
	[tilespmem:s26+$0x0] =	vst v7;
	v7 =	vadd.f32 v14, v4  }
0x48f: {  	s22 =	sadd.s32 s12, s14;
	s20 =	sadd.s32 s12, s13;
	s26 =	sadd.s32 s4, s14;
	v8 =	vld [tilespmem:s10+$0x8500];
	[tilespmem:s8+$0x0] =	vst v5;
	v9 =	vadd.f32 v10, v4  }
0x490: {  	s15 =	sadd.s32 s5, s13;
	s13 =	sadd.s32 s5, s14;
	v5 =	vld [tilespmem:s11+$0x1A500];
	[tilespmem:s0+$0x0] =	vst v7;
	v7 =	vadd.f32 v11, v4;
	s0 =	smov.u32 s20  }
0x491: {  	v10 =	vld [tilespmem:s11+$0x8500];
	[tilespmem:s24+$0x0] =	vst v9;
	s24 =	smov.u32 s22  }
0x492: {  	v4 =	vld [tilespmem:s3+$0x1A500];
	v9 =	vadd.f32 v13, v12;
	[tilespmem:s6+$0x0] =	vst v7  }
0x493: {  	s1 =	sadd.s32 s1, s29;
	v7 =	vld [tilespmem:s3+$0x8500]  }
0x494: {  	s8 =	sadd.s32 s4, s1;
	s4 =	sadd.s32 s5, s1;
	s20 =	sadd.s32 s17, s1;
	v8 =	vadd.f32 v8, v6;
	[tilespmem:s9+$0x8500] =	vst v9;
	v9 =	vld [tilespmem:s31+$0x0]  }
0x495: {  	s6 =	sadd.s32 s12, s1;
	v13 =	vld [tilespmem:s4+$0x0]  }
0x496: {  	[tilespmem:s10+$0x8500] =	vst v8;
	v8 =	vadd.f32 v10, v5;
	v14 =	vld [tilespmem:s15+$0x0]  }
0x497: {  	v15 =	vld [tilespmem:s21+$0x0]  }
.Ltmp14:
0x498: {  	v11 =	vld [tilespmem:s19+$0x0];
	[tilespmem:s11+$0x8500] =	vst v8;
	v7 =	vadd.f32 v7, v4;
	(pc) =	sbr.rel @p0 .LBB2_31-.Ltmp14, $4  }
0x499: {  	v10 =	vld [tilespmem:s20+$0x0];
	v8 =	vadd.f32 v9, v3;
	v3 =	vmov v12  }
0x49a: {  	v9 =	vld [tilespmem:s25+$0x0];
	[tilespmem:s3+$0x8500] =	vst v7;
	v16 =	vadd.f32 v13, v3  }
0x49b: {  	v7 =	vld [tilespmem:s26+$0x0];
	v13 =	vadd.f32 v14, v3;
	[tilespmem:s31+$0x0] =	vst v8;
	s31 =	smov.u32 s13  }
0x49c: {  	s16 =	sadd.s32 $0x200, s16;
	s18 =	sadd.s32 $0x40, s18;
	v12 =	vadd.f32 v15, v6;
	v8 =	vld [tilespmem:s8+$0x0];
	[tilespmem:s4+$0x0] =	vst v16  }
0x49d: {  	v11 =	vadd.f32 v11, v6;
	v14 =	vld [tilespmem:s0+$0x0];
	[tilespmem:s15+$0x0] =	vst v13  }
0x49e: {  	v56 =	vld [tilespmem:s24+$0x0];
	[tilespmem:s21+$0x0] =	vst v12;
	v55 =	vadd.f32 v10, v6  }
0x49f: {  	v59 =	vld [tilespmem:s31+$0x0];
	[tilespmem:s19+$0x0] =	vst v11;
	v9 =	vadd.f32 v9, v5  }
0x4a0: {  	v57 =	vld [tilespmem:s6+$0x0];
	[tilespmem:s20+$0x0] =	vst v55;
	v58 =	vadd.f32 v7, v5  }
0x4a1: {  	s23 =	sadd.s32 $0x1, s23;
	[tilespmem:s25+$0x0] =	vst v9;
	v60 =	vadd.f32 v8, v5  }
0x4a2: {  	p0 =	sne.s32 s23, $0x8;
	[tilespmem:s26+$0x0] =	vst v58;
	v61 =	vadd.f32 v14, v4  }
.Ltmp15:
0x4a3: {  	v62 =	vadd.f32 v56, v4;
	[tilespmem:s8+$0x0] =	vst v60;
	(pc) =	sbr.rel @p0 .LBB2_30-.Ltmp15, $4  }
0x4a4: {  	v3 =	vadd.f32 v59, v3;
	[tilespmem:s0+$0x0] =	vst v61  }
0x4a5: {  	v63 =	vadd.f32 v57, v4;
	[tilespmem:s24+$0x0] =	vst v62  }
0x4a6: {  	[tilespmem:s31+$0x0] =	vst v3  }
0x4a7: {  	[tilespmem:s6+$0x0] =	vst v63  }
0x4a8: {  	v3 =	vld [tilespmem:$0x480];
	_ =	sdelay $0x4  }
0x4a9: {  	v4 =	vshll.u32 v3, $0x3  }
0x4aa: {  	v3 =	vand.u32 $0x7, v3;
	v4 =	vand.u32 $0xFFFFFFC0, v4  }
0x4ab: {  	v3 =	vor.u32 v3, v4  }
0x4ac: {  	v4 =	vperm.xlane v3, v0;
	_ =	sdelay $0x1  }
0x4ad: {  	v4 =	vadd.s32 v1, v4;
	_ =	sdelay $0x3  }
0x4ae: {  	s0 =	rddreg [dreg:$0x3];
	s4 =	simm.s32 $0x0;
	s6 =	simm.s32 $0x8500  }
0x4af: {  	[hbm4b:s0+s4] =	stream.indirect_vreg.scatter [tilespmem:s6], [sflag:$0x7], $0x80, v4, vm0, $0xb8;
	[tilespmem:$0x1C500] =	vst v63  }
0x4b0: {  	s1 =	rddreg [dreg:$0xc];
	s7 =	simm.s32 $0x8D00;
	v3 =	vperm.xlane v3, v2  }
0x4b1: {  	[hbm4b:s1+s4] =	stream.indirect_vreg.scatter [tilespmem:s7], [sflag:$0x7], $0x80, v4, vm0, $0xb8;
	[tilespmem:$0x1C500] =	vst v63  }
0x4b2: {  	s2 =	rddreg [dreg:$0xd];
	s8 =	simm.s32 $0x9500;
	v3 =	vadd.s32 v1, v3  }
0x4b3: {  	[hbm4b:s2+s4] =	stream.indirect_vreg.scatter [tilespmem:s8], [sflag:$0x7], $0x80, v4, vm0, $0xb8;
	[tilespmem:$0x1C500] =	vst v63  }
0x4b4: {  	s3 =	rddreg [dreg:$0xe];
	s9 =	simm.s32 $0x9D00  }
0x4b5: {  	[hbm4b:s3+s4] =	stream.indirect_vreg.scatter [tilespmem:s9], [sflag:$0x7], $0x80, v4, vm0, $0xb8;
	[tilespmem:$0x1C500] =	vst v63  }
0x4b6: {  	s10 =	simm.s32 $0xA500  }
0x4b7: {  	[hbm4b:s0+s4] =	stream.indirect_vreg.scatter [tilespmem:s10], [sflag:$0x7], $0x80, v3, vm0, $0xb8;
	[tilespmem:$0x1C500] =	vst v63  }
0x4b8: {  	s11 =	simm.s32 $0xAD00  }
0x4b9: {  	[hbm4b:s1+s4] =	stream.indirect_vreg.scatter [tilespmem:s11], [sflag:$0x7], $0x80, v3, vm0, $0xb8;
	[tilespmem:$0x1C500] =	vst v63  }
0x4ba: {  	s12 =	simm.s32 $0xB500  }
0x4bb: {  	[hbm4b:s2+s4] =	stream.indirect_vreg.scatter [tilespmem:s12], [sflag:$0x7], $0x80, v3, vm0, $0xb8;
	[tilespmem:$0x1C500] =	vst v63  }
0x4bc: {  	s13 =	simm.s32 $0xBD00  }
0x4bd: {  	[hbm4b:s3+s4] =	stream.indirect_vreg.scatter [tilespmem:s13], [sflag:$0x7], $0x80, v3, vm0, $0xb8;
	[tilespmem:$0x1C500] =	vst v63  }
0x4be: {  	v3 =	vld [tilespmem:$0x490];
	_ =	sdelay $0x4  }
0x4bf: {  	v63 =	vshll.u32 v3, $0x3  }
0x4c0: {  	v3 =	vand.u32 $0x7, v3;
	v4 =	vand.u32 $0xFFFFFFC0, v63  }
0x4c1: {  	v3 =	vor.u32 v3, v4  }
0x4c2: {  	v4 =	vperm.xlane v3, v0;
	_ =	sdelay $0x1  }
0x4c3: {  	v4 =	vadd.s32 v1, v4;
	_ =	sdelay $0x3  }
0x4c4: {  	s14 =	simm.s32 $0xC500  }
0x4c5: {  	[hbm4b:s0+s4] =	stream.indirect_vreg.scatter [tilespmem:s14], [sflag:$0x7], $0x80, v4, vm0, $0xb8;
	[tilespmem:$0x1C500] =	vst v63  }
0x4c6: {  	s15 =	simm.s32 $0xCD00;
	v3 =	vperm.xlane v3, v2  }
0x4c7: {  	[hbm4b:s1+s4] =	stream.indirect_vreg.scatter [tilespmem:s15], [sflag:$0x7], $0x80, v4, vm0, $0xb8;
	[tilespmem:$0x1C500] =	vst v63  }
0x4c8: {  	s16 =	simm.s32 $0xD500;
	v3 =	vadd.s32 v1, v3  }
0x4c9: {  	[hbm4b:s2+s4] =	stream.indirect_vreg.scatter [tilespmem:s16], [sflag:$0x7], $0x80, v4, vm0, $0xb8;
	[tilespmem:$0x1C500] =	vst v63  }
0x4ca: {  	s17 =	simm.s32 $0xDD00  }
0x4cb: {  	[hbm4b:s3+s4] =	stream.indirect_vreg.scatter [tilespmem:s17], [sflag:$0x7], $0x80, v4, vm0, $0xb8;
	[tilespmem:$0x1C500] =	vst v63  }
0x4cc: {  	s18 =	simm.s32 $0xE500  }
0x4cd: {  	[hbm4b:s0+s4] =	stream.indirect_vreg.scatter [tilespmem:s18], [sflag:$0x7], $0x80, v3, vm0, $0xb8;
	[tilespmem:$0x1C500] =	vst v63  }
0x4ce: {  	s19 =	simm.s32 $0xED00  }
0x4cf: {  	[hbm4b:s1+s4] =	stream.indirect_vreg.scatter [tilespmem:s19], [sflag:$0x7], $0x80, v3, vm0, $0xb8;
	[tilespmem:$0x1C500] =	vst v63  }
0x4d0: {  	s20 =	simm.s32 $0xF500  }
0x4d1: {  	[hbm4b:s2+s4] =	stream.indirect_vreg.scatter [tilespmem:s20], [sflag:$0x7], $0x80, v3, vm0, $0xb8;
	[tilespmem:$0x1C500] =	vst v63  }
0x4d2: {  	s21 =	simm.s32 $0xFD00;
	s26 =	simm.s32 $0x8  }
0x4d3: {  	[hbm4b:s3+s4] =	stream.indirect_vreg.scatter [tilespmem:s21], [sflag:$0x7], $0x80, v3, vm0, $0xb8;
	[tilespmem:$0x1C500] =	vst v63  }
0x4d4: {  	_ =	swait.ge [sflag:s26], $0x8000  }
0x4d5: {  	[sflag:s26] =	ssyncset.done $0x0  }
0x4d6: {  	s28 =	simm.s32 $0x6;
	[sflag:s26] =	ssyncadd.s32 $0xFFFF8000  }
0x4d7: {  	_ =	swait.ge [sflag:s28], $0x8000  }
0x4d8: {  	[sflag:s28] =	ssyncset.done $0x0  }
0x4d9: {  	s29 =	simm.s32 $0x7;
	[sflag:s28] =	ssyncadd.s32 $0xFFFF8000  }
0x4da: {  	_ =	swait.ge [sflag:s29], $0x8000  }
0x4db: {  	s30 =	rddreg [dreg:$0x16]  }
0x4dc: {  	s31 =	rddreg [dreg:$0x15];
	s2 =	sadd.s32 $0x1, s30  }
0x4dd: {  	p0 =	sne.s32 s2, s31  }
.Ltmp16:
0x4de: {  	_ = 	snop;
	(pc) =	sbr.rel @p0 .LBB2_1-.Ltmp16, $3  }
0x4df: {  	_ =	sdelay $0x1  }
0x4e0: {  	[sflag:s29] =	ssyncset.done $0x0  }
0x4e1: {  	[sflag:s29] =	ssyncadd.s32 $0xFFFF8000  }
0x4e2: {  	_ =	sfence.sel $0x180000  }
0x4e3: {  	[bflag:$0x0] =	sbarrier.arrive $0xFFFF  }
0x4e4: {  	_ =	strace $0x90000047  }
0x4e5: {  	s0 =	stileid.u32;
	[bflag:$0x2] =	sbarrier.arrive $0xFFFF  }
0x4e6: {  	p0 =	sne.s32 s0, $0x0;
	s0 =	rddreg [dreg:$0x4]  }
0x4e7: {  	s0 =	sadd.s32 @!p0 $0x100000, s0  }
0x4e8: {  	[sflag:s0] =	ssyncadd.tile.s32 @!p0 $0x1;
	_ =	shalt  }
.Lfunc_end2:
_tile_overlayer_lowered:
.L_overlay_start_2:
0x4e9: {  	(tag) =	ssettag $0x2  }
0x4ea: {  	s0 =	rddreg [dreg:$0x0];
	s2 =	stileid.u32  }
0x4eb: {  	s1 =	rddreg [dreg:$0x1];
	p0 =	sne.s32 s2, $0x0  }
0x4ec: {  	s3 =	rddreg [dreg:$0x2];
	[bflag:$0x3] =	sbarrier.arrive $0xFFFF;
	s2 =	simm.s32 @!p0 $0x1C0A  }
0x4ed: {  	[timem:s3], [sflag:s2] =	dma.local @!p0 [hbm:s0], s1  }
0x4ee: {  	s0 =	simm.s32 @!p0 $0xA  }
0x4ef: {  	_ =	swait.ge @!p0 [sflag:s0], s1  }
0x4f0: {  	s1 =	ssub.s32 @!p0 $0x0, s1;
	[sflag:s0] =	ssyncset.done @!p0 $0x0  }
0x4f1: {  	[sflag:s0] =	ssyncadd.s32 @!p0 s1  }
0x4f2: {  	[bflag:$0x3] =	sbarrier.arrive $0xFFFF  }
0x4f3: {  	_ =	shalt  }

</sc_bundles>
